<compile_context>
chip_gen: v7x
topology: tpu7x:2x2x1
jax: 0.10.2.dev20260603
libtpu: 0.0.44.dev20260713+nightly
codegen_flags: <defaults>
</compile_context>

<pallas_src>
import functools

import jax
import jax.numpy as jnp
from jax import lax
from jax.experimental import pallas as pl
from jax.experimental.pallas import tpu as pltpu
from jax.experimental.pallas import tpu_sc as plsc

D_MODEL = 768
D_FF = 2048
N_EXP = 8
TOKENS = 2048
NPAIR = 2 * TOKENS
TB = 512
TBSHIFT = 9
NB = NPAIR // TB + N_EXP
NBTB = NB * TB


def _router_body(x_ref, wr_ref, pos0_ref, pos1_ref, p0_ref, p1_ref,
                 etab_ref, nblk_ref, xpack_ref):
    x = x_ref[...]
    bits = lax.bitcast_convert_type(x, jnp.int32)
    rne = (bits + 0x7FFF + ((bits >> 16) & 1)) >> 16
    lo = rne[:, : D_MODEL // 2] & 0xFFFF
    hi = rne[:, D_MODEL // 2:] << 16
    xpack_ref[...] = lo | hi
    logits = lax.dot_general(x, wr_ref[...], (((1,), (0,)), ((), ())),
                             preferred_element_type=jnp.float32)
    m = jnp.max(logits, axis=-1, keepdims=True)
    p = jnp.exp(logits - m)
    probs = p / jnp.sum(p, axis=-1, keepdims=True)
    lane = lax.broadcasted_iota(jnp.int32, probs.shape, 1)
    big = jnp.int32(1 << 20)
    m0 = jnp.max(probs, axis=-1, keepdims=True)
    i0 = jnp.min(jnp.where(probs == m0, lane, big), axis=-1, keepdims=True)
    probs2 = jnp.where(lane == i0, -1.0, probs)
    m1 = jnp.max(probs2, axis=-1, keepdims=True)
    i1 = jnp.min(jnp.where(probs2 == m1, lane, big), axis=-1, keepdims=True)
    den = m0 + m1
    p0_ref[...] = m0 / den
    p1_ref[...] = m1 / den

    oh0 = (lane == i0).astype(jnp.float32)
    oh1 = (lane == i1).astype(jnp.float32)
    counts = (jnp.sum(oh0, axis=0, keepdims=True)
              + jnp.sum(oh1, axis=0, keepdims=True))
    nb_i = (counts.astype(jnp.int32) + (TB - 1)) >> TBSHIFT
    nb = nb_i.astype(jnp.float32)
    e_r = lax.broadcasted_iota(jnp.int32, (N_EXP, N_EXP), 0)
    e_c = lax.broadcasted_iota(jnp.int32, (N_EXP, N_EXP), 1)
    ut = (e_r < e_c).astype(jnp.float32)
    bb = lax.dot_general(nb, ut, (((1,), (0,)), ((), ())),
                         preferred_element_type=jnp.float32)
    total = bb[:, N_EXP - 1:] + nb[:, N_EXP - 1:]
    off = bb * TB
    CH = 256
    r = lax.broadcasted_iota(jnp.int32, (CH, CH), 0)
    c = lax.broadcasted_iota(jnp.int32, (CH, CH), 1)
    tri = (c < r).astype(jnp.float32)
    run = jnp.zeros((1, N_EXP), jnp.float32)
    for cc in range(TOKENS // CH):
        sl = slice(cc * CH, (cc + 1) * CH)
        ohc = oh0[sl, :]
        csc = lax.dot_general(tri, ohc, (((1,), (0,)), ((), ())),
                              preferred_element_type=jnp.float32) + run
        pos0_ref[sl, :] = jnp.sum(ohc * (off + csc), axis=-1,
                                  keepdims=True).astype(jnp.int32)
        run = run + jnp.sum(ohc, axis=0, keepdims=True)
    for cc in range(TOKENS // CH):
        sl = slice(cc * CH, (cc + 1) * CH)
        ohc = oh1[sl, :]
        csc = lax.dot_general(tri, ohc, (((1,), (0,)), ((), ())),
                              preferred_element_type=jnp.float32) + run
        pos1_ref[sl, :] = jnp.sum(ohc * (off + csc), axis=-1,
                                  keepdims=True).astype(jnp.int32)
        run = run + jnp.sum(ohc, axis=0, keepdims=True)
    b_col = lax.broadcasted_iota(jnp.int32, (NB, N_EXP), 0).astype(jnp.float32)
    b_eff = jnp.minimum(b_col, total - 1.0)
    beb = jnp.sum((bb <= b_eff).astype(jnp.int32), axis=-1,
                  keepdims=True) - 1
    etab_ref[...] = beb
    nblk_ref[...] = total.astype(jnp.int32)


def _router(xf, Wr):
    return pl.pallas_call(
        _router_body,
        out_shape=(
            jax.ShapeDtypeStruct((TOKENS, 1), jnp.int32),
            jax.ShapeDtypeStruct((TOKENS, 1), jnp.int32),
            jax.ShapeDtypeStruct((TOKENS, 1), jnp.float32),
            jax.ShapeDtypeStruct((TOKENS, 1), jnp.float32),
            jax.ShapeDtypeStruct((NB, 1), jnp.int32),
            jax.ShapeDtypeStruct((1, 1), jnp.int32),
            jax.ShapeDtypeStruct((TOKENS, D_MODEL // 2), jnp.int32),
        ),
        compiler_params=pltpu.CompilerParams(vmem_limit_bytes=60 * 1024 * 1024),
    )(xf, Wr)


NC, NS = 2, 16
NW = NC * NS
TPW = TOKENS // NW


def _dispatch(xf, pos0, pos1):
    mesh = plsc.VectorSubcoreMesh(core_axis_name="c", subcore_axis_name="s")

    @functools.partial(
        pl.kernel, mesh=mesh,
        out_type=jax.ShapeDtypeStruct((NBTB, D_MODEL // 2), jnp.int32),
        scratch_types=[
            pltpu.VMEM((TPW, D_MODEL // 2), jnp.int32),
            pltpu.VMEM((TPW,), jnp.int32),
            pltpu.VMEM((TPW,), jnp.int32),
            pltpu.SemaphoreType.DMA,
            pltpu.SemaphoreType.DMA,
        ],
        compiler_params=pltpu.CompilerParams(needs_layout_passes=False),
    )
    def k(x_hbm, pos0_hbm, pos1_hbm, xs_hbm, rows_v, idx0_v, idx1_v,
          sem0, sem1):
        wid = lax.axis_index("s") * NC + lax.axis_index("c")
        base = wid * TPW
        pltpu.sync_copy(x_hbm.at[pl.ds(base, TPW)], rows_v)
        pltpu.sync_copy(pos0_hbm.at[pl.ds(base, TPW)], idx0_v)
        pltpu.sync_copy(pos1_hbm.at[pl.ds(base, TPW)], idx1_v)
        c0 = pltpu.async_copy(rows_v, xs_hbm.at[idx0_v], sem0)
        c1 = pltpu.async_copy(rows_v, xs_hbm.at[idx1_v], sem1)
        c0.wait()
        c1.wait()

    return k(xf, pos0, pos1)


def _expert_body(etab_ref, nblk_ref, xs_ref, wg_ref, wu_ref, wd_ref,
                 y_ref):
    b = pl.program_id(0)
    n = nblk_ref[0]

    @pl.when(b < n)
    def _compute():
        wg = wg_ref[0].astype(jnp.bfloat16)
        wu = wu_ref[0].astype(jnp.bfloat16)
        wd = wd_ref[0].astype(jnp.bfloat16)
        xq = xs_ref[...]
        lo_f = lax.bitcast_convert_type(xq << 16, jnp.float32)
        hi_f = lax.bitcast_convert_type(xq & jnp.int32(-65536), jnp.float32)
        xb = jnp.concatenate([lo_f, hi_f], axis=1).astype(jnp.bfloat16)
        g = lax.dot_general(xb, wg, (((1,), (0,)), ((), ())),
                            preferred_element_type=jnp.float32)
        u = lax.dot_general(xb, wu, (((1,), (0,)), ((), ())),
                            preferred_element_type=jnp.float32)
        h = ((g / (1.0 + jnp.exp(-g))) * u).astype(jnp.bfloat16)
        eo = lax.dot_general(h, wd, (((1,), (0,)), ((), ())),
                             preferred_element_type=jnp.float32)
        y_ref[...] = eo


def _experts(x_sorted, etab, nblk, W_gate, W_up, W_down):
    grid_spec = pltpu.PrefetchScalarGridSpec(
        num_scalar_prefetch=2,
        grid=(NB,),
        in_specs=[
            pl.BlockSpec((TB, D_MODEL // 2),
                         lambda b, etab, nblk: (jnp.minimum(b, nblk[0] - 1), 0)),
            pl.BlockSpec((1, D_MODEL, D_FF),
                         lambda b, etab, nblk: (etab[b], 0, 0)),
            pl.BlockSpec((1, D_MODEL, D_FF),
                         lambda b, etab, nblk: (etab[b], 0, 0)),
            pl.BlockSpec((1, D_FF, D_MODEL),
                         lambda b, etab, nblk: (etab[b], 0, 0)),
        ],
        out_specs=pl.BlockSpec((TB, D_MODEL),
                               lambda b, etab, nblk:
                               (jnp.minimum(b, nblk[0] - 1), 0)),
    )
    return pl.pallas_call(
        _expert_body,
        grid_spec=grid_spec,
        out_shape=jax.ShapeDtypeStruct((NBTB, D_MODEL), jnp.float32),
        compiler_params=pltpu.CompilerParams(vmem_limit_bytes=60 * 1024 * 1024),
    )(etab, nblk, x_sorted, W_gate, W_up, W_down)


def _combine(y_sorted, pos0, pos1, p0, p1):
    mesh = plsc.VectorSubcoreMesh(core_axis_name="c", subcore_axis_name="s")

    @functools.partial(
        pl.kernel, mesh=mesh,
        out_type=jax.ShapeDtypeStruct((TOKENS, D_MODEL), jnp.float32),
        scratch_types=[
            pltpu.VMEM((TPW, D_MODEL), jnp.float32),
            pltpu.VMEM((TPW, D_MODEL), jnp.float32),
            pltpu.VMEM((TPW,), jnp.int32),
            pltpu.VMEM((TPW,), jnp.int32),
            pltpu.VMEM((TPW,), jnp.float32),
            pltpu.VMEM((TPW,), jnp.float32),
            pltpu.SemaphoreType.DMA,
            pltpu.SemaphoreType.DMA,
        ],
        compiler_params=pltpu.CompilerParams(needs_layout_passes=False),
    )
    def k(y_hbm, pos0_hbm, pos1_hbm, p0_hbm, p1_hbm, out_hbm,
          r0_v, r1_v, idx0_v, idx1_v, p0_v, p1_v, sem0, sem1):
        wid = lax.axis_index("s") * NC + lax.axis_index("c")
        base = wid * TPW
        pltpu.sync_copy(pos0_hbm.at[pl.ds(base, TPW)], idx0_v)
        pltpu.sync_copy(pos1_hbm.at[pl.ds(base, TPW)], idx1_v)
        pltpu.sync_copy(p0_hbm.at[pl.ds(base, TPW)], p0_v)
        pltpu.sync_copy(p1_hbm.at[pl.ds(base, TPW)], p1_v)
        c0 = pltpu.async_copy(y_hbm.at[idx0_v], r0_v, sem0)
        c1 = pltpu.async_copy(y_hbm.at[idx1_v], r1_v, sem1)
        c0.wait()
        c1.wait()

        def body(rr, carry):
            lanes = jnp.full((16,), rr, jnp.int32)
            v0 = plsc.load_gather(p0_v, [lanes])
            v1 = plsc.load_gather(p1_v, [lanes])
            for j in range(D_MODEL // 16):
                sl = pl.ds(j * 16, 16)
                r0_v[rr, sl] = v0 * r0_v[rr, sl] + v1 * r1_v[rr, sl]
            return carry

        lax.fori_loop(0, TPW, body, 0)
        pltpu.sync_copy(r0_v, out_hbm.at[pl.ds(base, TPW)])

    return k(y_sorted, pos0, pos1, p0, p1)


def kernel(x, Wr, W_gate, W_up, W_down):
    B, S, D = x.shape
    xf = x.reshape(-1, D)
    pos0, pos1, p0, p1, etab, nblk, xpack = _router(xf, Wr)
    pos0f = pos0.reshape(-1)
    pos1f = pos1.reshape(-1)
    x_sorted = _dispatch(xpack, pos0f, pos1f)
    y_sorted = _experts(x_sorted, etab.reshape(-1),
                        nblk.reshape(-1), W_gate, W_up, W_down)
    out = _combine(y_sorted, pos0f, pos1f, p0.reshape(-1), p1.reshape(-1))
    return out.reshape(B, S, D)

# --- scband reference (transcript-rebuilt; emitter-appended) ---
"""Pipeline reference for scband-mini-mo-e-33157147525722 (READ-ONLY COPY).

The authoritative reference and input builder live on the scoring server;
editing this copy changes nothing except your own understanding.
"""

import jax, jax.numpy as jnp
import numpy as np

D_MODEL = 768
D_FF = 2048
N_EXPERTS = 8
TOP_K = 2


def setup_inputs(seed: int = 0) -> dict:
    key = jax.random.key(seed)
    ks = jax.random.split(key, 5)
    x = jax.random.normal(ks[0], (1, 2048, D_MODEL), dtype=jnp.float32)
    Wr = jax.random.normal(ks[1], (D_MODEL, N_EXPERTS), dtype=jnp.float32) * 0.02
    W_gate = jax.random.normal(ks[2], (N_EXPERTS, D_MODEL, D_FF), dtype=jnp.float32) * 0.02
    W_up = jax.random.normal(ks[3], (N_EXPERTS, D_MODEL, D_FF), dtype=jnp.float32) * 0.02
    W_down = jax.random.normal(ks[4], (N_EXPERTS, D_FF, D_MODEL), dtype=jnp.float32) * 0.02
    return {"x": x, "Wr": Wr, "W_gate": W_gate, "W_up": W_up, "W_down": W_down}


def reference(x, Wr, W_gate, W_up, W_down):
    B, S, D = x.shape
    xf = x.reshape(-1, D)
    # MoERouter: linear -> softmax -> top-k -> renormalize
    logits = xf @ Wr
    probs = jax.nn.softmax(logits, axis=-1)
    top_probs, top_idx = jax.lax.top_k(probs, TOP_K)
    top_probs = top_probs / jnp.sum(top_probs, axis=-1, keepdims=True)
    # per-expert combine weight w[e, t] = sum_k top_probs[t, k] * (top_idx[t, k] == e)
    expert_ids = jnp.arange(N_EXPERTS)
    w = jnp.sum(
        jnp.where(top_idx[None, :, :] == expert_ids[:, None, None], top_probs[None, :, :], 0.0),
        axis=-1,
    )  # [E, T]
    # SwiGLU experts (evaluated densely; zero combine weight == unrouted token)
    gate = jax.nn.silu(jnp.einsum('td,edf->etf', xf, W_gate))
    up = jnp.einsum('td,edf->etf', xf, W_up)
    eo = jnp.einsum('etf,efd->etd', gate * up, W_down)
    out = jnp.einsum('et,etd->td', w, eo)
    return out.reshape(B, S, D)

if __name__ == "__main__":
    import jax
    _d = setup_inputs()
    print(jax.jit(kernel)(*tuple(_d.values())))

</pallas_src>

<mosaic_0001>
#map = affine_map<(d0, d1) -> (0, 0)>
#map1 = affine_map<(d0, d1) -> (0)>
module attributes {stable_mosaic.version = 14 : i64} {
  func.func @k(%arg0: i32, %arg1: i32, %arg2: memref<2048x384xi32, #tpu.memory_space<hbm>>, %arg3: memref<2048xi32, #tpu.memory_space<hbm>>, %arg4: memref<2048xi32, #tpu.memory_space<hbm>>, %arg5: memref<8192x384xi32, #tpu.memory_space<hbm>>, %arg6: memref<64x384xi32, #tpu.memory_space<vmem>>, %arg7: memref<64xi32, #tpu.memory_space<vmem>>, %arg8: memref<64xi32, #tpu.memory_space<vmem>>, %arg9: memref<!tpu.dma_semaphore, #tpu.memory_space<semaphore_mem>>, %arg10: memref<!tpu.dma_semaphore, #tpu.memory_space<semaphore_mem>>) attributes {dimension_semantics = [#tpu.dimension_semantics<core_parallel>, #tpu.dimension_semantics<subcore_parallel>], iteration_bounds = array<i64: 2, 16>, scalar_prefetch = 0 : i64, scratch_operands = 5 : i64, tpu.core_type = #tpu.core_type<sc_vector_subcore>, window_params = [{transform_indices = #map}, {transform_indices = #map1}, {transform_indices = #map1}, {transform_indices = #map}]} {
    %mul3A = arith.constant 2 : i32
    %mul3A_0 = arith.muli %arg1, %mul3A : i32
    %add3A = arith.addi %mul3A_0, %arg0 : i32
    %mul3A_1 = arith.constant 64 : i32
    %mul3A_2 = arith.muli %add3A, %mul3A_1 : i32
    "tpu.region"() ({
      %run_scoped3A = tpu.sem_alloc : memref<!tpu.dma_semaphore, #tpu.memory_space<semaphore_mem>>
      %dma_start3A_13 = arith.constant 0 : i32
      %dma_start3A_14 = tpu.memref_slice %arg2[%mul3A_2, %dma_start3A_13] : memref<2048x384xi32, #tpu.memory_space<hbm>> -> memref<64x384xi32, #tpu.memory_space<hbm>>
      %dma_start3A_15 = arith.constant 0 : i32
      %dma_start3A_16 = tpu.memref_slice %arg2[%mul3A_2, %dma_start3A_15] : memref<2048x384xi32, #tpu.memory_space<hbm>> -> memref<64x384xi32, #tpu.memory_space<hbm>>
      tpu.enqueue_dma source(%dma_start3A_16 : memref<64x384xi32, #tpu.memory_space<hbm>>) target(%arg6 : memref<64x384xi32, #tpu.memory_space<vmem>>) target_semaphore(%run_scoped3A : memref<!tpu.dma_semaphore, #tpu.memory_space<semaphore_mem>>)
      %dma_wait3A_17 = arith.constant 0 : i32
      %dma_wait3A_18 = tpu.memref_slice %arg2[%mul3A_2, %dma_wait3A_17] : memref<2048x384xi32, #tpu.memory_space<hbm>> -> memref<64x384xi32, #tpu.memory_space<hbm>>
      %dma_wait3A_19 = arith.constant 0 : i32
      %dma_wait3A_20 = tpu.memref_slice %arg2[%mul3A_2, %dma_wait3A_19] : memref<2048x384xi32, #tpu.memory_space<hbm>> -> memref<64x384xi32, #tpu.memory_space<hbm>>
      tpu.wait_dma2 semaphore(%run_scoped3A : memref<!tpu.dma_semaphore, #tpu.memory_space<semaphore_mem>>) src(%dma_wait3A_20 : memref<64x384xi32, #tpu.memory_space<hbm>>) dst(%arg6 : memref<64x384xi32, #tpu.memory_space<vmem>>)
      tpu.yield
    }) : () -> ()
    "tpu.region"() ({
      %run_scoped3A = tpu.sem_alloc : memref<!tpu.dma_semaphore, #tpu.memory_space<semaphore_mem>>
      %dma_start3A_13 = tpu.memref_slice %arg3[%mul3A_2] : memref<2048xi32, #tpu.memory_space<hbm>> -> memref<64xi32, #tpu.memory_space<hbm>>
      %dma_start3A_14 = tpu.memref_slice %arg3[%mul3A_2] : memref<2048xi32, #tpu.memory_space<hbm>> -> memref<64xi32, #tpu.memory_space<hbm>>
      tpu.enqueue_dma source(%dma_start3A_14 : memref<64xi32, #tpu.memory_space<hbm>>) target(%arg7 : memref<64xi32, #tpu.memory_space<vmem>>) target_semaphore(%run_scoped3A : memref<!tpu.dma_semaphore, #tpu.memory_space<semaphore_mem>>)
      %dma_wait3A_15 = tpu.memref_slice %arg3[%mul3A_2] : memref<2048xi32, #tpu.memory_space<hbm>> -> memref<64xi32, #tpu.memory_space<hbm>>
      %dma_wait3A_16 = tpu.memref_slice %arg3[%mul3A_2] : memref<2048xi32, #tpu.memory_space<hbm>> -> memref<64xi32, #tpu.memory_space<hbm>>
      tpu.wait_dma2 semaphore(%run_scoped3A : memref<!tpu.dma_semaphore, #tpu.memory_space<semaphore_mem>>) src(%dma_wait3A_16 : memref<64xi32, #tpu.memory_space<hbm>>) dst(%arg7 : memref<64xi32, #tpu.memory_space<vmem>>)
      tpu.yield
    }) : () -> ()
    "tpu.region"() ({
      %run_scoped3A = tpu.sem_alloc : memref<!tpu.dma_semaphore, #tpu.memory_space<semaphore_mem>>
      %dma_start3A_13 = tpu.memref_slice %arg4[%mul3A_2] : memref<2048xi32, #tpu.memory_space<hbm>> -> memref<64xi32, #tpu.memory_space<hbm>>
      %dma_start3A_14 = tpu.memref_slice %arg4[%mul3A_2] : memref<2048xi32, #tpu.memory_space<hbm>> -> memref<64xi32, #tpu.memory_space<hbm>>
      tpu.enqueue_dma source(%dma_start3A_14 : memref<64xi32, #tpu.memory_space<hbm>>) target(%arg8 : memref<64xi32, #tpu.memory_space<vmem>>) target_semaphore(%run_scoped3A : memref<!tpu.dma_semaphore, #tpu.memory_space<semaphore_mem>>)
      %dma_wait3A_15 = tpu.memref_slice %arg4[%mul3A_2] : memref<2048xi32, #tpu.memory_space<hbm>> -> memref<64xi32, #tpu.memory_space<hbm>>
      %dma_wait3A_16 = tpu.memref_slice %arg4[%mul3A_2] : memref<2048xi32, #tpu.memory_space<hbm>> -> memref<64xi32, #tpu.memory_space<hbm>>
      tpu.wait_dma2 semaphore(%run_scoped3A : memref<!tpu.dma_semaphore, #tpu.memory_space<semaphore_mem>>) src(%dma_wait3A_16 : memref<64xi32, #tpu.memory_space<hbm>>) dst(%arg8 : memref<64xi32, #tpu.memory_space<vmem>>)
      tpu.yield
    }) : () -> ()
    %dma_start3A = arith.constant 0 : i32
    %dma_start3A_3 = arith.constant 0 : i32
    %dma_start3A_4 = tpu.memref_slice %arg5[%dma_start3A, %dma_start3A_3] : memref<8192x384xi32, #tpu.memory_space<hbm>> -> memref<8192x384xi32, #tpu.memory_space<hbm>>
    tpu.enqueue_indirect_dma source(%arg6 : memref<64x384xi32, #tpu.memory_space<vmem>>) target(%dma_start3A_4 : memref<8192x384xi32, #tpu.memory_space<hbm>>) offsets(%arg7 : memref<64xi32, #tpu.memory_space<vmem>>) semaphore(%arg9 : memref<!tpu.dma_semaphore, #tpu.memory_space<semaphore_mem>>)
    %dma_start3A_5 = arith.constant 0 : i32
    %dma_start3A_6 = arith.constant 0 : i32
    %dma_start3A_7 = tpu.memref_slice %arg5[%dma_start3A_5, %dma_start3A_6] : memref<8192x384xi32, #tpu.memory_space<hbm>> -> memref<8192x384xi32, #tpu.memory_space<hbm>>
    tpu.enqueue_indirect_dma source(%arg6 : memref<64x384xi32, #tpu.memory_space<vmem>>) target(%dma_start3A_7 : memref<8192x384xi32, #tpu.memory_space<hbm>>) offsets(%arg8 : memref<64xi32, #tpu.memory_space<vmem>>) semaphore(%arg10 : memref<!tpu.dma_semaphore, #tpu.memory_space<semaphore_mem>>)
    %dma_wait3A = arith.constant 0 : i32
    %dma_wait3A_8 = arith.constant 0 : i32
    %dma_wait3A_9 = tpu.memref_slice %arg5[%dma_wait3A, %dma_wait3A_8] : memref<8192x384xi32, #tpu.memory_space<hbm>> -> memref<8192x384xi32, #tpu.memory_space<hbm>>
    tpu.wait_indirect_dma semaphore(%arg9 : memref<!tpu.dma_semaphore, #tpu.memory_space<semaphore_mem>>) src(%arg6 : memref<64x384xi32, #tpu.memory_space<vmem>>) dst(%dma_wait3A_9 : memref<8192x384xi32, #tpu.memory_space<hbm>>)
    %dma_wait3A_10 = arith.constant 0 : i32
    %dma_wait3A_11 = arith.constant 0 : i32
    %dma_wait3A_12 = tpu.memref_slice %arg5[%dma_wait3A_10, %dma_wait3A_11] : memref<8192x384xi32, #tpu.memory_space<hbm>> -> memref<8192x384xi32, #tpu.memory_space<hbm>>
    tpu.wait_indirect_dma semaphore(%arg10 : memref<!tpu.dma_semaphore, #tpu.memory_space<semaphore_mem>>) src(%arg6 : memref<64x384xi32, #tpu.memory_space<vmem>>) dst(%dma_wait3A_12 : memref<8192x384xi32, #tpu.memory_space<hbm>>)
    return
  }
}

#map = affine_map<(d0, d1) -> (0, 0)>
#map1 = affine_map<(d0, d1) -> (0)>
module attributes {stable_mosaic.version = 14 : i64} {
  func.func @k(%arg0: i32, %arg1: i32, %arg2: memref<8192x768xf32, #tpu.memory_space<hbm>>, %arg3: memref<2048xi32, #tpu.memory_space<hbm>>, %arg4: memref<2048xi32, #tpu.memory_space<hbm>>, %arg5: memref<2048xf32, #tpu.memory_space<hbm>>, %arg6: memref<2048xf32, #tpu.memory_space<hbm>>, %arg7: memref<2048x768xf32, #tpu.memory_space<hbm>>, %arg8: memref<64x768xf32, #tpu.memory_space<vmem>>, %arg9: memref<64x768xf32, #tpu.memory_space<vmem>>, %arg10: memref<64xi32, #tpu.memory_space<vmem>>, %arg11: memref<64xi32, #tpu.memory_space<vmem>>, %arg12: memref<64xf32, #tpu.memory_space<vmem>>, %arg13: memref<64xf32, #tpu.memory_space<vmem>>, %arg14: memref<!tpu.dma_semaphore, #tpu.memory_space<semaphore_mem>>, %arg15: memref<!tpu.dma_semaphore, #tpu.memory_space<semaphore_mem>>) attributes {dimension_semantics = [#tpu.dimension_semantics<core_parallel>, #tpu.dimension_semantics<subcore_parallel>], iteration_bounds = array<i64: 2, 16>, scalar_prefetch = 0 : i64, scratch_operands = 8 : i64, tpu.core_type = #tpu.core_type<sc_vector_subcore>, window_params = [{transform_indices = #map}, {transform_indices = #map1}, {transform_indices = #map1}, {transform_indices = #map1}, {transform_indices = #map1}, {transform_indices = #map}]} {
    %mul3A = arith.constant 2 : i32
    %mul3A_0 = arith.muli %arg1, %mul3A : i32
    %add3A = arith.addi %mul3A_0, %arg0 : i32
    %mul3A_1 = arith.constant 64 : i32
    %mul3A_2 = arith.muli %add3A, %mul3A_1 : i32
    "tpu.region"() ({
      %run_scoped3A = tpu.sem_alloc : memref<!tpu.dma_semaphore, #tpu.memory_space<semaphore_mem>>
      %dma_start3A_18 = tpu.memref_slice %arg3[%mul3A_2] : memref<2048xi32, #tpu.memory_space<hbm>> -> memref<64xi32, #tpu.memory_space<hbm>>
      %dma_start3A_19 = tpu.memref_slice %arg3[%mul3A_2] : memref<2048xi32, #tpu.memory_space<hbm>> -> memref<64xi32, #tpu.memory_space<hbm>>
      tpu.enqueue_dma source(%dma_start3A_19 : memref<64xi32, #tpu.memory_space<hbm>>) target(%arg10 : memref<64xi32, #tpu.memory_space<vmem>>) target_semaphore(%run_scoped3A : memref<!tpu.dma_semaphore, #tpu.memory_space<semaphore_mem>>)
      %dma_wait3A_20 = tpu.memref_slice %arg3[%mul3A_2] : memref<2048xi32, #tpu.memory_space<hbm>> -> memref<64xi32, #tpu.memory_space<hbm>>
      %dma_wait3A_21 = tpu.memref_slice %arg3[%mul3A_2] : memref<2048xi32, #tpu.memory_space<hbm>> -> memref<64xi32, #tpu.memory_space<hbm>>
      tpu.wait_dma2 semaphore(%run_scoped3A : memref<!tpu.dma_semaphore, #tpu.memory_space<semaphore_mem>>) src(%dma_wait3A_21 : memref<64xi32, #tpu.memory_space<hbm>>) dst(%arg10 : memref<64xi32, #tpu.memory_space<vmem>>)
      tpu.yield
    }) : () -> ()
    "tpu.region"() ({
      %run_scoped3A = tpu.sem_alloc : memref<!tpu.dma_semaphore, #tpu.memory_space<semaphore_mem>>
      %dma_start3A_18 = tpu.memref_slice %arg4[%mul3A_2] : memref<2048xi32, #tpu.memory_space<hbm>> -> memref<64xi32, #tpu.memory_space<hbm>>
      %dma_start3A_19 = tpu.memref_slice %arg4[%mul3A_2] : memref<2048xi32, #tpu.memory_space<hbm>> -> memref<64xi32, #tpu.memory_space<hbm>>
      tpu.enqueue_dma source(%dma_start3A_19 : memref<64xi32, #tpu.memory_space<hbm>>) target(%arg11 : memref<64xi32, #tpu.memory_space<vmem>>) target_semaphore(%run_scoped3A : memref<!tpu.dma_semaphore, #tpu.memory_space<semaphore_mem>>)
      %dma_wait3A_20 = tpu.memref_slice %arg4[%mul3A_2] : memref<2048xi32, #tpu.memory_space<hbm>> -> memref<64xi32, #tpu.memory_space<hbm>>
      %dma_wait3A_21 = tpu.memref_slice %arg4[%mul3A_2] : memref<2048xi32, #tpu.memory_space<hbm>> -> memref<64xi32, #tpu.memory_space<hbm>>
      tpu.wait_dma2 semaphore(%run_scoped3A : memref<!tpu.dma_semaphore, #tpu.memory_space<semaphore_mem>>) src(%dma_wait3A_21 : memref<64xi32, #tpu.memory_space<hbm>>) dst(%arg11 : memref<64xi32, #tpu.memory_space<vmem>>)
      tpu.yield
    }) : () -> ()
    "tpu.region"() ({
      %run_scoped3A = tpu.sem_alloc : memref<!tpu.dma_semaphore, #tpu.memory_space<semaphore_mem>>
      %dma_start3A_18 = tpu.memref_slice %arg5[%mul3A_2] : memref<2048xf32, #tpu.memory_space<hbm>> -> memref<64xf32, #tpu.memory_space<hbm>>
      %dma_start3A_19 = tpu.memref_slice %arg5[%mul3A_2] : memref<2048xf32, #tpu.memory_space<hbm>> -> memref<64xf32, #tpu.memory_space<hbm>>
      tpu.enqueue_dma source(%dma_start3A_19 : memref<64xf32, #tpu.memory_space<hbm>>) target(%arg12 : memref<64xf32, #tpu.memory_space<vmem>>) target_semaphore(%run_scoped3A : memref<!tpu.dma_semaphore, #tpu.memory_space<semaphore_mem>>)
      %dma_wait3A_20 = tpu.memref_slice %arg5[%mul3A_2] : memref<2048xf32, #tpu.memory_space<hbm>> -> memref<64xf32, #tpu.memory_space<hbm>>
      %dma_wait3A_21 = tpu.memref_slice %arg5[%mul3A_2] : memref<2048xf32, #tpu.memory_space<hbm>> -> memref<64xf32, #tpu.memory_space<hbm>>
      tpu.wait_dma2 semaphore(%run_scoped3A : memref<!tpu.dma_semaphore, #tpu.memory_space<semaphore_mem>>) src(%dma_wait3A_21 : memref<64xf32, #tpu.memory_space<hbm>>) dst(%arg12 : memref<64xf32, #tpu.memory_space<vmem>>)
      tpu.yield
    }) : () -> ()
    "tpu.region"() ({
      %run_scoped3A = tpu.sem_alloc : memref<!tpu.dma_semaphore, #tpu.memory_space<semaphore_mem>>
      %dma_start3A_18 = tpu.memref_slice %arg6[%mul3A_2] : memref<2048xf32, #tpu.memory_space<hbm>> -> memref<64xf32, #tpu.memory_space<hbm>>
      %dma_start3A_19 = tpu.memref_slice %arg6[%mul3A_2] : memref<2048xf32, #tpu.memory_space<hbm>> -> memref<64xf32, #tpu.memory_space<hbm>>
      tpu.enqueue_dma source(%dma_start3A_19 : memref<64xf32, #tpu.memory_space<hbm>>) target(%arg13 : memref<64xf32, #tpu.memory_space<vmem>>) target_semaphore(%run_scoped3A : memref<!tpu.dma_semaphore, #tpu.memory_space<semaphore_mem>>)
      %dma_wait3A_20 = tpu.memref_slice %arg6[%mul3A_2] : memref<2048xf32, #tpu.memory_space<hbm>> -> memref<64xf32, #tpu.memory_space<hbm>>
      %dma_wait3A_21 = tpu.memref_slice %arg6[%mul3A_2] : memref<2048xf32, #tpu.memory_space<hbm>> -> memref<64xf32, #tpu.memory_space<hbm>>
      tpu.wait_dma2 semaphore(%run_scoped3A : memref<!tpu.dma_semaphore, #tpu.memory_space<semaphore_mem>>) src(%dma_wait3A_21 : memref<64xf32, #tpu.memory_space<hbm>>) dst(%arg13 : memref<64xf32, #tpu.memory_space<vmem>>)
      tpu.yield
    }) : () -> ()
    %dma_start3A = arith.constant 0 : i32
    %dma_start3A_3 = arith.constant 0 : i32
    %dma_start3A_4 = tpu.memref_slice %arg2[%dma_start3A, %dma_start3A_3] : memref<8192x768xf32, #tpu.memory_space<hbm>> -> memref<8192x768xf32, #tpu.memory_space<hbm>>
    tpu.enqueue_indirect_dma source(%dma_start3A_4 : memref<8192x768xf32, #tpu.memory_space<hbm>>) target(%arg8 : memref<64x768xf32, #tpu.memory_space<vmem>>) offsets(%arg10 : memref<64xi32, #tpu.memory_space<vmem>>) semaphore(%arg14 : memref<!tpu.dma_semaphore, #tpu.memory_space<semaphore_mem>>)
    %dma_start3A_5 = arith.constant 0 : i32
    %dma_start3A_6 = arith.constant 0 : i32
    %dma_start3A_7 = tpu.memref_slice %arg2[%dma_start3A_5, %dma_start3A_6] : memref<8192x768xf32, #tpu.memory_space<hbm>> -> memref<8192x768xf32, #tpu.memory_space<hbm>>
    tpu.enqueue_indirect_dma source(%dma_start3A_7 : memref<8192x768xf32, #tpu.memory_space<hbm>>) target(%arg9 : memref<64x768xf32, #tpu.memory_space<vmem>>) offsets(%arg11 : memref<64xi32, #tpu.memory_space<vmem>>) semaphore(%arg15 : memref<!tpu.dma_semaphore, #tpu.memory_space<semaphore_mem>>)
    %dma_wait3A = arith.constant 0 : i32
    %dma_wait3A_8 = arith.constant 0 : i32
    %dma_wait3A_9 = tpu.memref_slice %arg2[%dma_wait3A, %dma_wait3A_8] : memref<8192x768xf32, #tpu.memory_space<hbm>> -> memref<8192x768xf32, #tpu.memory_space<hbm>>
    tpu.wait_indirect_dma semaphore(%arg14 : memref<!tpu.dma_semaphore, #tpu.memory_space<semaphore_mem>>) src(%dma_wait3A_9 : memref<8192x768xf32, #tpu.memory_space<hbm>>) dst(%arg8 : memref<64x768xf32, #tpu.memory_space<vmem>>)
    %dma_wait3A_10 = arith.constant 0 : i32
    %dma_wait3A_11 = arith.constant 0 : i32
    %dma_wait3A_12 = tpu.memref_slice %arg2[%dma_wait3A_10, %dma_wait3A_11] : memref<8192x768xf32, #tpu.memory_space<hbm>> -> memref<8192x768xf32, #tpu.memory_space<hbm>>
    tpu.wait_indirect_dma semaphore(%arg15 : memref<!tpu.dma_semaphore, #tpu.memory_space<semaphore_mem>>) src(%dma_wait3A_12 : memref<8192x768xf32, #tpu.memory_space<hbm>>) dst(%arg9 : memref<64x768xf32, #tpu.memory_space<vmem>>)
    %scan3A = arith.constant 0 : i32
    %scan3A_13 = arith.constant 0 : i32
    %scan3A_14 = arith.constant 64 : i32
    %scan3A_15 = arith.addi %scan3A_13, %scan3A_14 : i32
    %scan3A_16 = arith.constant 1 : i32
    scf.for %scan3A_18 = %scan3A_13 to %scan3A_15 step %scan3A_16  : i32 {
      %broadcast_in_dim3A = vector.broadcast %scan3A_18 : i32 to vector<16xi32>
      %gather3A = tpu.vector_load_idx %arg12[%broadcast_in_dim3A] : memref<64xf32, #tpu.memory_space<vmem>>[vector<16xi32>], vector<16xf32>,
      %gather3A_19 = tpu.vector_load_idx %arg13[%broadcast_in_dim3A] : memref<64xf32, #tpu.memory_space<vmem>>[vector<16xi32>], vector<16xf32>,
      %get3A = arith.index_cast %scan3A_18 : i32 to index
      %get3A_20 = arith.constant 0 : index
      %get3A_21 = tpu.vector_load %arg8[%get3A, %get3A_20] {strides = array<i32>} : memref<64x768xf32, #tpu.memory_space<vmem>>, vector<16xf32>,
      %mul3A_22 = arith.mulf %gather3A, %get3A_21 : vector<16xf32>
      %get3A_23 = arith.index_cast %scan3A_18 : i32 to index
      %get3A_24 = arith.constant 0 : index
      %get3A_25 = tpu.vector_load %arg9[%get3A_23, %get3A_24] {strides = array<i32>} : memref<64x768xf32, #tpu.memory_space<vmem>>, vector<16xf32>,
      %mul3A_26 = arith.mulf %gather3A_19, %get3A_25 : vector<16xf32>
      %add3A_27 = arith.addf %mul3A_22, %mul3A_26 : vector<16xf32>
      %swap3A = arith.index_cast %scan3A_18 : i32 to index
      %swap3A_28 = arith.constant 0 : index
      %swap3A_29 = tpu.vector_load %arg8[%swap3A, %swap3A_28] {strides = array<i32>} : memref<64x768xf32, #tpu.memory_space<vmem>>, vector<16xf32>,
      tpu.vector_store %arg8[%swap3A, %swap3A_28], %add3A_27 {strides = array<i32>} : memref<64x768xf32, #tpu.memory_space<vmem>>, vector<16xf32>,
      %get3A_30 = arith.index_cast %scan3A_18 : i32 to index
      %get3A_31 = arith.constant 16 : index
      %get3A_32 = tpu.vector_load %arg8[%get3A_30, %get3A_31] {strides = array<i32>} : memref<64x768xf32, #tpu.memory_space<vmem>>, vector<16xf32>,
      %mul3A_33 = arith.mulf %gather3A, %get3A_32 : vector<16xf32>
      %get3A_34 = arith.index_cast %scan3A_18 : i32 to index
      %get3A_35 = arith.constant 16 : index
      %get3A_36 = tpu.vector_load %arg9[%get3A_34, %get3A_35] {strides = array<i32>} : memref<64x768xf32, #tpu.memory_space<vmem>>, vector<16xf32>,
      %mul3A_37 = arith.mulf %gather3A_19, %get3A_36 : vector<16xf32>
      %add3A_38 = arith.addf %mul3A_33, %mul3A_37 : vector<16xf32>
      %swap3A_39 = arith.index_cast %scan3A_18 : i32 to index
      %swap3A_40 = arith.constant 16 : index
      %swap3A_41 = tpu.vector_load %arg8[%swap3A_39, %swap3A_40] {strides = array<i32>} : memref<64x768xf32, #tpu.memory_space<vmem>>, vector<16xf32>,
      tpu.vector_store %arg8[%swap3A_39, %swap3A_40], %add3A_38 {strides = array<i32>} : memref<64x768xf32, #tpu.memory_space<vmem>>, vector<16xf32>,
      %get3A_42 = arith.index_cast %scan3A_18 : i32 to index
      %get3A_43 = arith.constant 32 : index
      %get3A_44 = tpu.vector_load %arg8[%get3A_42, %get3A_43] {strides = array<i32>} : memref<64x768xf32, #tpu.memory_space<vmem>>, vector<16xf32>,
      %mul3A_45 = arith.mulf %gather3A, %get3A_44 : vector<16xf32>
      %get3A_46 = arith.index_cast %scan3A_18 : i32 to index
      %get3A_47 = arith.constant 32 : index
      %get3A_48 = tpu.vector_load %arg9[%get3A_46, %get3A_47] {strides = array<i32>} : memref<64x768xf32, #tpu.memory_space<vmem>>, vector<16xf32>,
      %mul3A_49 = arith.mulf %gather3A_19, %get3A_48 : vector<16xf32>
      %add3A_50 = arith.addf %mul3A_45, %mul3A_49 : vector<16xf32>
      %swap3A_51 = arith.index_cast %scan3A_18 : i32 to index
      %swap3A_52 = arith.constant 32 : index
      %swap3A_53 = tpu.vector_load %arg8[%swap3A_51, %swap3A_52] {strides = array<i32>} : memref<64x768xf32, #tpu.memory_space<vmem>>, vector<16xf32>,
      tpu.vector_store %arg8[%swap3A_51, %swap3A_52], %add3A_50 {strides = array<i32>} : memref<64x768xf32, #tpu.memory_space<vmem>>, vector<16xf32>,
      %get3A_54 = arith.index_cast %scan3A_18 : i32 to index
      %get3A_55 = arith.constant 48 : index
      %get3A_56 = tpu.vector_load %arg8[%get3A_54, %get3A_55] {strides = array<i32>} : memref<64x768xf32, #tpu.memory_space<vmem>>, vector<16xf32>,
      %mul3A_57 = arith.mulf %gather3A, %get3A_56 : vector<16xf32>
      %get3A_58 = arith.index_cast %scan3A_18 : i32 to index
      %get3A_59 = arith.constant 48 : index
      %get3A_60 = tpu.vector_load %arg9[%get3A_58, %get3A_59] {strides = array<i32>} : memref<64x768xf32, #tpu.memory_space<vmem>>, vector<16xf32>,
      %mul3A_61 = arith.mulf %gather3A_19, %get3A_60 : vector<16xf32>
      %add3A_62 = arith.addf %mul3A_57, %mul3A_61 : vector<16xf32>
      %swap3A_63 = arith.index_cast %scan3A_18 : i32 to index
      %swap3A_64 = arith.constant 48 : index
      %swap3A_65 = tpu.vector_load %arg8[%swap3A_63, %swap3A_64] {strides = array<i32>} : memref<64x768xf32, #tpu.memory_space<vmem>>, vector<16xf32>,
      tpu.vector_store %arg8[%swap3A_63, %swap3A_64], %add3A_62 {strides = array<i32>} : memref<64x768xf32, #tpu.memory_space<vmem>>, vector<16xf32>,
      %get3A_66 = arith.index_cast %scan3A_18 : i32 to index
      %get3A_67 = arith.constant 64 : index
      %get3A_68 = tpu.vector_load %arg8[%get3A_66, %get3A_67] {strides = array<i32>} : memref<64x768xf32, #tpu.memory_space<vmem>>, vector<16xf32>,
      %mul3A_69 = arith.mulf %gather3A, %get3A_68 : vector<16xf32>
      %get3A_70 = arith.index_cast %scan3A_18 : i32 to index
      %get3A_71 = arith.constant 64 : index
      %get3A_72 = tpu.vector_load %arg9[%get3A_70, %get3A_71] {strides = array<i32>} : memref<64x768xf32, #tpu.memory_space<vmem>>, vector<16xf32>,
      %mul3A_73 = arith.mulf %gather3A_19, %get3A_72 : vector<16xf32>
      %add3A_74 = arith.addf %mul3A_69, %mul3A_73 : vector<16xf32>
      %swap3A_75 = arith.index_cast %scan3A_18 : i32 to index
      %swap3A_76 = arith.constant 64 : index
      %swap3A_77 = tpu.vector_load %arg8[%swap3A_75, %swap3A_76] {strides = array<i32>} : memref<64x768xf32, #tpu.memory_space<vmem>>, vector<16xf32>,
      tpu.vector_store %arg8[%swap3A_75, %swap3A_76], %add3A_74 {strides = array<i32>} : memref<64x768xf32, #tpu.memory_space<vmem>>, vector<16xf32>,
      %get3A_78 = arith.index_cast %scan3A_18 : i32 to index
      %get3A_79 = arith.constant 80 : index
      %get3A_80 = tpu.vector_load %arg8[%get3A_78, %get3A_79] {strides = array<i32>} : memref<64x768xf32, #tpu.memory_space<vmem>>, vector<16xf32>,
      %mul3A_81 = arith.mulf %gather3A, %get3A_80 : vector<16xf32>
      %get3A_82 = arith.index_cast %scan3A_18 : i32 to index
      %get3A_83 = arith.constant 80 : index
      %get3A_84 = tpu.vector_load %arg9[%get3A_82, %get3A_83] {strides = array<i32>} : memref<64x768xf32, #tpu.memory_space<vmem>>, vector<16xf32>,
      %mul3A_85 = arith.mulf %gather3A_19, %get3A_84 : vector<16xf32>
      %add3A_86 = arith.addf %mul3A_81, %mul3A_85 : vector<16xf32>
      %swap3A_87 = arith.index_cast %scan3A_18 : i32 to index
      %swap3A_88 = arith.constant 80 : index
      %swap3A_89 = tpu.vector_load %arg8[%swap3A_87, %swap3A_88] {strides = array<i32>} : memref<64x768xf32, #tpu.memory_space<vmem>>, vector<16xf32>,
      tpu.vector_store %arg8[%swap3A_87, %swap3A_88], %add3A_86 {strides = array<i32>} : memref<64x768xf32, #tpu.memory_space<vmem>>, vector<16xf32>,
      %get3A_90 = arith.index_cast %scan3A_18 : i32 to index
      %get3A_91 = arith.constant 96 : index
      %get3A_92 = tpu.vector_load %arg8[%get3A_90, %get3A_91] {strides = array<i32>} : memref<64x768xf32, #tpu.memory_space<vmem>>, vector<16xf32>,
      %mul3A_93 = arith.mulf %gather3A, %get3A_92 : vector<16xf32>
      %get3A_94 = arith.index_cast %scan3A_18 : i32 to index
      %get3A_95 = arith.constant 96 : index
      %get3A_96 = tpu.vector_load %arg9[%get3A_94, %get3A_95] {strides = array<i32>} : memref<64x768xf32, #tpu.memory_space<vmem>>, vector<16xf32>,
      %mul3A_97 = arith.mulf %gather3A_19, %get3A_96 : vector<16xf32>
      %add3A_98 = arith.addf %mul3A_93, %mul3A_97 : vector<16xf32>
      %swap3A_99 = arith.index_cast %scan3A_18 : i32 to index
      %swap3A_100 = arith.constant 96 : index
      %swap3A_101 = tpu.vector_load %arg8[%swap3A_99, %swap3A_100] {strides = array<i32>} : memref<64x768xf32, #tpu.memory_space<vmem>>, vector<16xf32>,
      tpu.vector_store %arg8[%swap3A_99, %swap3A_100], %add3A_98 {strides = array<i32>} : memref<64x768xf32, #tpu.memory_space<vmem>>, vector<16xf32>,
      %get3A_102 = arith.index_cast %scan3A_18 : i32 to index
      %get3A_103 = arith.constant 112 : index
      %get3A_104 = tpu.vector_load %arg8[%get3A_102, %get3A_103] {strides = array<i32>} : memref<64x768xf32, #tpu.memory_space<vmem>>, vector<16xf32>,
      %mul3A_105 = arith.mulf %gather3A, %get3A_104 : vector<16xf32>
      %get3A_106 = arith.index_cast %scan3A_18 : i32 to index
      %get3A_107 = arith.constant 112 : index
      %get3A_108 = tpu.vector_load %arg9[%get3A_106, %get3A_107] {strides = array<i32>} : memref<64x768xf32, #tpu.memory_space<vmem>>, vector<16xf32>,
      %mul3A_109 = arith.mulf %gather3A_19, %get3A_108 : vector<16xf32>
      %add3A_110 = arith.addf %mul3A_105, %mul3A_109 : vector<16xf32>
      %swap3A_111 = arith.index_cast %scan3A_18 : i32 to index
      %swap3A_112 = arith.constant 112 : index
      %swap3A_113 = tpu.vector_load %arg8[%swap3A_111, %swap3A_112] {strides = array<i32>} : memref<64x768xf32, #tpu.memory_space<vmem>>, vector<16xf32>,
      tpu.vector_store %arg8[%swap3A_111, %swap3A_112], %add3A_110 {strides = array<i32>} : memref<64x768xf32, #tpu.memory_space<vmem>>, vector<16xf32>,
      %get3A_114 = arith.index_cast %scan3A_18 : i32 to index
      %get3A_115 = arith.constant 128 : index
      %get3A_116 = tpu.vector_load %arg8[%get3A_114, %get3A_115] {strides = array<i32>} : memref<64x768xf32, #tpu.memory_space<vmem>>, vector<16xf32>,
      %mul3A_117 = arith.mulf %gather3A, %get3A_116 : vector<16xf32>
      %get3A_118 = arith.index_cast %scan3A_18 : i32 to index
      %get3A_119 = arith.constant 128 : index
      %get3A_120 = tpu.vector_load %arg9[%get3A_118, %get3A_119] {strides = array<i32>} : memref<64x768xf32, #tpu.memory_space<vmem>>, vector<16xf32>,
      %mul3A_121 = arith.mulf %gather3A_19, %get3A_120 : vector<16xf32>
      %add3A_122 = arith.addf %mul3A_117, %mul3A_121 : vector<16xf32>
      %swap3A_123 = arith.index_cast %scan3A_18 : i32 to index
      %swap3A_124 = arith.constant 128 : index
      %swap3A_125 = tpu.vector_load %arg8[%swap3A_123, %swap3A_124] {strides = array<i32>} : memref<64x768xf32, #tpu.memory_space<vmem>>, vector<16xf32>,
      tpu.vector_store %arg8[%swap3A_123, %swap3A_124], %add3A_122 {strides = array<i32>} : memref<64x768xf32, #tpu.memory_space<vmem>>, vector<16xf32>,
      %get3A_126 = arith.index_cast %scan3A_18 : i32 to index
      %get3A_127 = arith.constant 144 : index
      %get3A_128 = tpu.vector_load %arg8[%get3A_126, %get3A_127] {strides = array<i32>} : memref<64x768xf32, #tpu.memory_space<vmem>>, vector<16xf32>,
      %mul3A_129 = arith.mulf %gather3A, %get3A_128 : vector<16xf32>
      %get3A_130 = arith.index_cast %scan3A_18 : i32 to index
      %get3A_131 = arith.constant 144 : index
      %get3A_132 = tpu.vector_load %arg9[%get3A_130, %get3A_131] {strides = array<i32>} : memref<64x768xf32, #tpu.memory_space<vmem>>, vector<16xf32>,
      %mul3A_133 = arith.mulf %gather3A_19, %get3A_132 : vector<16xf32>
      %add3A_134 = arith.addf %mul3A_129, %mul3A_133 : vector<16xf32>
      %swap3A_135 = arith.index_cast %scan3A_18 : i32 to index
      %swap3A_136 = arith.constant 144 : index
      %swap3A_137 = tpu.vector_load %arg8[%swap3A_135, %swap3A_136] {strides = array<i32>} : memref<64x768xf32, #tpu.memory_space<vmem>>, vector<16xf32>,
      tpu.vector_store %arg8[%swap3A_135, %swap3A_136], %add3A_134 {strides = array<i32>} : memref<64x768xf32, #tpu.memory_space<vmem>>, vector<16xf32>,
      %get3A_138 = arith.index_cast %scan3A_18 : i32 to index
      %get3A_139 = arith.constant 160 : index
      %get3A_140 = tpu.vector_load %arg8[%get3A_138, %get3A_139] {strides = array<i32>} : memref<64x768xf32, #tpu.memory_space<vmem>>, vector<16xf32>,
      %mul3A_141 = arith.mulf %gather3A, %get3A_140 : vector<16xf32>
      %get3A_142 = arith.index_cast %scan3A_18 : i32 to index
      %get3A_143 = arith.constant 160 : index
      %get3A_144 = tpu.vector_load %arg9[%get3A_142, %get3A_143] {strides = array<i32>} : memref<64x768xf32, #tpu.memory_space<vmem>>, vector<16xf32>,
      %mul3A_145 = arith.mulf %gather3A_19, %get3A_144 : vector<16xf32>
      %add3A_146 = arith.addf %mul3A_141, %mul3A_145 : vector<16xf32>
      %swap3A_147 = arith.index_cast %scan3A_18 : i32 to index
      %swap3A_148 = arith.constant 160 : index
      %swap3A_149 = tpu.vector_load %arg8[%swap3A_147, %swap3A_148] {strides = array<i32>} : memref<64x768xf32, #tpu.memory_space<vmem>>, vector<16xf32>,
      tpu.vector_store %arg8[%swap3A_147, %swap3A_148], %add3A_146 {strides = array<i32>} : memref<64x768xf32, #tpu.memory_space<vmem>>, vector<16xf32>,
      %get3A_150 = arith.index_cast %scan3A_18 : i32 to index
      %get3A_151 = arith.constant 176 : index
      %get3A_152 = tpu.vector_load %arg8[%get3A_150, %get3A_151] {strides = array<i32>} : memref<64x768xf32, #tpu.memory_space<vmem>>, vector<16xf32>,
      %mul3A_153 = arith.mulf %gather3A, %get3A_152 : vector<16xf32>
      %get3A_154 = arith.index_cast %scan3A_18 : i32 to index
      %get3A_155 = arith.constant 176 : index
      %get3A_156 = tpu.vector_load %arg9[%get3A_154, %get3A_155] {strides = array<i32>} : memref<64x768xf32, #tpu.memory_space<vmem>>, vector<16xf32>,
      %mul3A_157 = arith.mulf %gather3A_19, %get3A_156 : vector<16xf32>
      %add3A_158 = arith.addf %mul3A_153, %mul3A_157 : vector<16xf32>
      %swap3A_159 = arith.index_cast %scan3A_18 : i32 to index
      %swap3A_160 = arith.constant 176 : index
      %swap3A_161 = tpu.vector_load %arg8[%swap3A_159, %swap3A_160] {strides = array<i32>} : memref<64x768xf32, #tpu.memory_space<vmem>>, vector<16xf32>,
      tpu.vector_store %arg8[%swap3A_159, %swap3A_160], %add3A_158 {strides = array<i32>} : memref<64x768xf32, #tpu.memory_space<vmem>>, vector<16xf32>,
      %get3A_162 = arith.index_cast %scan3A_18 : i32 to index
      %get3A_163 = arith.constant 192 : index
      %get3A_164 = tpu.vector_load %arg8[%get3A_162, %get3A_163] {strides = array<i32>} : memref<64x768xf32, #tpu.memory_space<vmem>>, vector<16xf32>,
      %mul3A_165 = arith.mulf %gather3A, %get3A_164 : vector<16xf32>
      %get3A_166 = arith.index_cast %scan3A_18 : i32 to index
      %get3A_167 = arith.constant 192 : index
      %get3A_168 = tpu.vector_load %arg9[%get3A_166, %get3A_167] {strides = array<i32>} : memref<64x768xf32, #tpu.memory_space<vmem>>, vector<16xf32>,
      %mul3A_169 = arith.mulf %gather3A_19, %get3A_168 : vector<16xf32>
      %add3A_170 = arith.addf %mul3A_165, %mul3A_169 : vector<16xf32>
      %swap3A_171 = arith.index_cast %scan3A_18 : i32 to index
      %swap3A_172 = arith.constant 192 : index
      %swap3A_173 = tpu.vector_load %arg8[%swap3A_171, %swap3A_172] {strides = array<i32>} : memref<64x768xf32, #tpu.memory_space<vmem>>, vector<16xf32>,
      tpu.vector_store %arg8[%swap3A_171, %swap3A_172], %add3A_170 {strides = array<i32>} : memref<64x768xf32, #tpu.memory_space<vmem>>, vector<16xf32>,
      %get3A_174 = arith.index_cast %scan3A_18 : i32 to index
      %get3A_175 = arith.constant 208 : index
      %get3A_176 = tpu.vector_load %arg8[%get3A_174, %get3A_175] {strides = array<i32>} : memref<64x768xf32, #tpu.memory_space<vmem>>, vector<16xf32>,
      %mul3A_177 = arith.mulf %gather3A, %get3A_176 : vector<16xf32>
      %get3A_178 = arith.index_cast %scan3A_18 : i32 to index
      %get3A_179 = arith.constant 208 : index
      %get3A_180 = tpu.vector_load %arg9[%get3A_178, %get3A_179] {strides = array<i32>} : memref<64x768xf32, #tpu.memory_space<vmem>>, vector<16xf32>,
      %mul3A_181 = arith.mulf %gather3A_19, %get3A_180 : vector<16xf32>
      %add3A_182 = arith.addf %mul3A_177, %mul3A_181 : vector<16xf32>
      %swap3A_183 = arith.index_cast %scan3A_18 : i32 to index
      %swap3A_184 = arith.constant 208 : index
      %swap3A_185 = tpu.vector_load %arg8[%swap3A_183, %swap3A_184] {strides = array<i32>} : memref<64x768xf32, #tpu.memory_space<vmem>>, vector<16xf32>,
      tpu.vector_store %arg8[%swap3A_183, %swap3A_184], %add3A_182 {strides = array<i32>} : memref<64x768xf32, #tpu.memory_space<vmem>>, vector<16xf32>,
      %get3A_186 = arith.index_cast %scan3A_18 : i32 to index
      %get3A_187 = arith.constant 224 : index
      %get3A_188 = tpu.vector_load %arg8[%get3A_186, %get3A_187] {strides = array<i32>} : memref<64x768xf32, #tpu.memory_space<vmem>>, vector<16xf32>,
      %mul3A_189 = arith.mulf %gather3A, %get3A_188 : vector<16xf32>
      %get3A_190 = arith.index_cast %scan3A_18 : i32 to index
      %get3A_191 = arith.constant 224 : index
      %get3A_192 = tpu.vector_load %arg9[%get3A_190, %get3A_191] {strides = array<i32>} : memref<64x768xf32, #tpu.memory_space<vmem>>, vector<16xf32>,
      %mul3A_193 = arith.mulf %gather3A_19, %get3A_192 : vector<16xf32>
      %add3A_194 = arith.addf %mul3A_189, %mul3A_193 : vector<16xf32>
      %swap3A_195 = arith.index_cast %scan3A_18 : i32 to index
      %swap3A_196 = arith.constant 224 : index
      %swap3A_197 = tpu.vector_load %arg8[%swap3A_195, %swap3A_196] {strides = array<i32>} : memref<64x768xf32, #tpu.memory_space<vmem>>, vector<16xf32>,
      tpu.vector_store %arg8[%swap3A_195, %swap3A_196], %add3A_194 {strides = array<i32>} : memref<64x768xf32, #tpu.memory_space<vmem>>, vector<16xf32>,
      %get3A_198 = arith.index_cast %scan3A_18 : i32 to index
      %get3A_199 = arith.constant 240 : index
      %get3A_200 = tpu.vector_load %arg8[%get3A_198, %get3A_199] {strides = array<i32>} : memref<64x768xf32, #tpu.memory_space<vmem>>, vector<16xf32>,
      %mul3A_201 = arith.mulf %gather3A, %get3A_200 : vector<16xf32>
      %get3A_202 = arith.index_cast %scan3A_18 : i32 to index
      %get3A_203 = arith.constant 240 : index
      %get3A_204 = tpu.vector_load %arg9[%get3A_202, %get3A_203] {strides = array<i32>} : memref<64x768xf32, #tpu.memory_space<vmem>>, vector<16xf32>,
      %mul3A_205 = arith.mulf %gather3A_19, %get3A_204 : vector<16xf32>
      %add3A_206 = arith.addf %mul3A_201, %mul3A_205 : vector<16xf32>
      %swap3A_207 = arith.index_cast %scan3A_18 : i32 to index
      %swap3A_208 = arith.constant 240 : index
      %swap3A_209 = tpu.vector_load %arg8[%swap3A_207, %swap3A_208] {strides = array<i32>} : memref<64x768xf32, #tpu.memory_space<vmem>>, vector<16xf32>,
      tpu.vector_store %arg8[%swap3A_207, %swap3A_208], %add3A_206 {strides = array<i32>} : memref<64x768xf32, #tpu.memory_space<vmem>>, vector<16xf32>,
      %get3A_210 = arith.index_cast %scan3A_18 : i32 to index
      %get3A_211 = arith.constant 256 : index
      %get3A_212 = tpu.vector_load %arg8[%get3A_210, %get3A_211] {strides = array<i32>} : memref<64x768xf32, #tpu.memory_space<vmem>>, vector<16xf32>,
      %mul3A_213 = arith.mulf %gather3A, %get3A_212 : vector<16xf32>
      %get3A_214 = arith.index_cast %scan3A_18 : i32 to index
      %get3A_215 = arith.constant 256 : index
      %get3A_216 = tpu.vector_load %arg9[%get3A_214, %get3A_215] {strides = array<i32>} : memref<64x768xf32, #tpu.memory_space<vmem>>, vector<16xf32>,
      %mul3A_217 = arith.mulf %gather3A_19, %get3A_216 : vector<16xf32>
      %add3A_218 = arith.addf %mul3A_213, %mul3A_217 : vector<16xf32>
      %swap3A_219 = arith.index_cast %scan3A_18 : i32 to index
      %swap3A_220 = arith.constant 256 : index
      %swap3A_221 = tpu.vector_load %arg8[%swap3A_219, %swap3A_220] {strides = array<i32>} : memref<64x768xf32, #tpu.memory_space<vmem>>, vector<16xf32>,
      tpu.vector_store %arg8[%swap3A_219, %swap3A_220], %add3A_218 {strides = array<i32>} : memref<64x768xf32, #tpu.memory_space<vmem>>, vector<16xf32>,
      %get3A_222 = arith.index_cast %scan3A_18 : i32 to index
      %get3A_223 = arith.constant 272 : index
      %get3A_224 = tpu.vector_load %arg8[%get3A_222, %get3A_223] {strides = array<i32>} : memref<64x768xf32, #tpu.memory_space<vmem>>, vector<16xf32>,
      %mul3A_225 = arith.mulf %gather3A, %get3A_224 : vector<16xf32>
      %get3A_226 = arith.index_cast %scan3A_18 : i32 to index
      %get3A_227 = arith.constant 272 : index
      %get3A_228 = tpu.vector_load %arg9[%get3A_226, %get3A_227] {strides = array<i32>} : memref<64x768xf32, #tpu.memory_space<vmem>>, vector<16xf32>,
      %mul3A_229 = arith.mulf %gather3A_19, %get3A_228 : vector<16xf32>
      %add3A_230 = arith.addf %mul3A_225, %mul3A_229 : vector<16xf32>
      %swap3A_231 = arith.index_cast %scan3A_18 : i32 to index
      %swap3A_232 = arith.constant 272 : index
      %swap3A_233 = tpu.vector_load %arg8[%swap3A_231, %swap3A_232] {strides = array<i32>} : memref<64x768xf32, #tpu.memory_space<vmem>>, vector<16xf32>,
      tpu.vector_store %arg8[%swap3A_231, %swap3A_232], %add3A_230 {strides = array<i32>} : memref<64x768xf32, #tpu.memory_space<vmem>>, vector<16xf32>,
      %get3A_234 = arith.index_cast %scan3A_18 : i32 to index
      %get3A_235 = arith.constant 288 : index
      %get3A_236 = tpu.vector_load %arg8[%get3A_234, %get3A_235] {strides = array<i32>} : memref<64x768xf32, #tpu.memory_space<vmem>>, vector<16xf32>,
      %mul3A_237 = arith.mulf %gather3A, %get3A_236 : vector<16xf32>
      %get3A_238 = arith.index_cast %scan3A_18 : i32 to index
      %get3A_239 = arith.constant 288 : index
      %get3A_240 = tpu.vector_load %arg9[%get3A_238, %get3A_239] {strides = array<i32>} : memref<64x768xf32, #tpu.memory_space<vmem>>, vector<16xf32>,
      %mul3A_241 = arith.mulf %gather3A_19, %get3A_240 : vector<16xf32>
      %add3A_242 = arith.addf %mul3A_237, %mul3A_241 : vector<16xf32>
      %swap3A_243 = arith.index_cast %scan3A_18 : i32 to index
      %swap3A_244 = arith.constant 288 : index
      %swap3A_245 = tpu.vector_load %arg8[%swap3A_243, %swap3A_244] {strides = array<i32>} : memref<64x768xf32, #tpu.memory_space<vmem>>, vector<16xf32>,
      tpu.vector_store %arg8[%swap3A_243, %swap3A_244], %add3A_242 {strides = array<i32>} : memref<64x768xf32, #tpu.memory_space<vmem>>, vector<16xf32>,
      %get3A_246 = arith.index_cast %scan3A_18 : i32 to index
      %get3A_247 = arith.constant 304 : index
      %get3A_248 = tpu.vector_load %arg8[%get3A_246, %get3A_247] {strides = array<i32>} : memref<64x768xf32, #tpu.memory_space<vmem>>, vector<16xf32>,
      %mul3A_249 = arith.mulf %gather3A, %get3A_248 : vector<16xf32>
      %get3A_250 = arith.index_cast %scan3A_18 : i32 to index
      %get3A_251 = arith.constant 304 : index
      %get3A_252 = tpu.vector_load %arg9[%get3A_250, %get3A_251] {strides = array<i32>} : memref<64x768xf32, #tpu.memory_space<vmem>>, vector<16xf32>,
      %mul3A_253 = arith.mulf %gather3A_19, %get3A_252 : vector<16xf32>
      %add3A_254 = arith.addf %mul3A_249, %mul3A_253 : vector<16xf32>
      %swap3A_255 = arith.index_cast %scan3A_18 : i32 to index
      %swap3A_256 = arith.constant 304 : index
      %swap3A_257 = tpu.vector_load %arg8[%swap3A_255, %swap3A_256] {strides = array<i32>} : memref<64x768xf32, #tpu.memory_space<vmem>>, vector<16xf32>,
      tpu.vector_store %arg8[%swap3A_255, %swap3A_256], %add3A_254 {strides = array<i32>} : memref<64x768xf32, #tpu.memory_space<vmem>>, vector<16xf32>,
      %get3A_258 = arith.index_cast %scan3A_18 : i32 to index
      %get3A_259 = arith.constant 320 : index
      %get3A_260 = tpu.vector_load %arg8[%get3A_258, %get3A_259] {strides = array<i32>} : memref<64x768xf32, #tpu.memory_space<vmem>>, vector<16xf32>,
      %mul3A_261 = arith.mulf %gather3A, %get3A_260 : vector<16xf32>
      %get3A_262 = arith.index_cast %scan3A_18 : i32 to index
      %get3A_263 = arith.constant 320 : index
      %get3A_264 = tpu.vector_load %arg9[%get3A_262, %get3A_263] {strides = array<i32>} : memref<64x768xf32, #tpu.memory_space<vmem>>, vector<16xf32>,
      %mul3A_265 = arith.mulf %gather3A_19, %get3A_264 : vector<16xf32>
      %add3A_266 = arith.addf %mul3A_261, %mul3A_265 : vector<16xf32>
      %swap3A_267 = arith.index_cast %scan3A_18 : i32 to index
      %swap3A_268 = arith.constant 320 : index
      %swap3A_269 = tpu.vector_load %arg8[%swap3A_267, %swap3A_268] {strides = array<i32>} : memref<64x768xf32, #tpu.memory_space<vmem>>, vector<16xf32>,
      tpu.vector_store %arg8[%swap3A_267, %swap3A_268], %add3A_266 {strides = array<i32>} : memref<64x768xf32, #tpu.memory_space<vmem>>, vector<16xf32>,
      %get3A_270 = arith.index_cast %scan3A_18 : i32 to index
      %get3A_271 = arith.constant 336 : index
      %get3A_272 = tpu.vector_load %arg8[%get3A_270, %get3A_271] {strides = array<i32>} : memref<64x768xf32, #tpu.memory_space<vmem>>, vector<16xf32>,
      %mul3A_273 = arith.mulf %gather3A, %get3A_272 : vector<16xf32>
      %get3A_274 = arith.index_cast %scan3A_18 : i32 to index
      %get3A_275 = arith.constant 336 : index
      %get3A_276 = tpu.vector_load %arg9[%get3A_274, %get3A_275] {strides = array<i32>} : memref<64x768xf32, #tpu.memory_space<vmem>>, vector<16xf32>,
      %mul3A_277 = arith.mulf %gather3A_19, %get3A_276 : vector<16xf32>
      %add3A_278 = arith.addf %mul3A_273, %mul3A_277 : vector<16xf32>
      %swap3A_279 = arith.index_cast %scan3A_18 : i32 to index
      %swap3A_280 = arith.constant 336 : index
      %swap3A_281 = tpu.vector_load %arg8[%swap3A_279, %swap3A_280] {strides = array<i32>} : memref<64x768xf32, #tpu.memory_space<vmem>>, vector<16xf32>,
      tpu.vector_store %arg8[%swap3A_279, %swap3A_280], %add3A_278 {strides = array<i32>} : memref<64x768xf32, #tpu.memory_space<vmem>>, vector<16xf32>,
      %get3A_282 = arith.index_cast %scan3A_18 : i32 to index
      %get3A_283 = arith.constant 352 : index
      %get3A_284 = tpu.vector_load %arg8[%get3A_282, %get3A_283] {strides = array<i32>} : memref<64x768xf32, #tpu.memory_space<vmem>>, vector<16xf32>,
      %mul3A_285 = arith.mulf %gather3A, %get3A_284 : vector<16xf32>
      %get3A_286 = arith.index_cast %scan3A_18 : i32 to index
      %get3A_287 = arith.constant 352 : index
      %get3A_288 = tpu.vector_load %arg9[%get3A_286, %get3A_287] {strides = array<i32>} : memref<64x768xf32, #tpu.memory_space<vmem>>, vector<16xf32>,
      %mul3A_289 = arith.mulf %gather3A_19, %get3A_288 : vector<16xf32>
      %add3A_290 = arith.addf %mul3A_285, %mul3A_289 : vector<16xf32>
      %swap3A_291 = arith.index_cast %scan3A_18 : i32 to index
      %swap3A_292 = arith.constant 352 : index
      %swap3A_293 = tpu.vector_load %arg8[%swap3A_291, %swap3A_292] {strides = array<i32>} : memref<64x768xf32, #tpu.memory_space<vmem>>, vector<16xf32>,
      tpu.vector_store %arg8[%swap3A_291, %swap3A_292], %add3A_290 {strides = array<i32>} : memref<64x768xf32, #tpu.memory_space<vmem>>, vector<16xf32>,
      %get3A_294 = arith.index_cast %scan3A_18 : i32 to index
      %get3A_295 = arith.constant 368 : index
      %get3A_296 = tpu.vector_load %arg8[%get3A_294, %get3A_295] {strides = array<i32>} : memref<64x768xf32, #tpu.memory_space<vmem>>, vector<16xf32>,
      %mul3A_297 = arith.mulf %gather3A, %get3A_296 : vector<16xf32>
      %get3A_298 = arith.index_cast %scan3A_18 : i32 to index
      %get3A_299 = arith.constant 368 : index
      %get3A_300 = tpu.vector_load %arg9[%get3A_298, %get3A_299] {strides = array<i32>} : memref<64x768xf32, #tpu.memory_space<vmem>>, vector<16xf32>,
      %mul3A_301 = arith.mulf %gather3A_19, %get3A_300 : vector<16xf32>
      %add3A_302 = arith.addf %mul3A_297, %mul3A_301 : vector<16xf32>
      %swap3A_303 = arith.index_cast %scan3A_18 : i32 to index
      %swap3A_304 = arith.constant 368 : index
      %swap3A_305 = tpu.vector_load %arg8[%swap3A_303, %swap3A_304] {strides = array<i32>} : memref<64x768xf32, #tpu.memory_space<vmem>>, vector<16xf32>,
      tpu.vector_store %arg8[%swap3A_303, %swap3A_304], %add3A_302 {strides = array<i32>} : memref<64x768xf32, #tpu.memory_space<vmem>>, vector<16xf32>,
      %get3A_306 = arith.index_cast %scan3A_18 : i32 to index
      %get3A_307 = arith.constant 384 : index
      %get3A_308 = tpu.vector_load %arg8[%get3A_306, %get3A_307] {strides = array<i32>} : memref<64x768xf32, #tpu.memory_space<vmem>>, vector<16xf32>,
      %mul3A_309 = arith.mulf %gather3A, %get3A_308 : vector<16xf32>
      %get3A_310 = arith.index_cast %scan3A_18 : i32 to index
      %get3A_311 = arith.constant 384 : index
      %get3A_312 = tpu.vector_load %arg9[%get3A_310, %get3A_311] {strides = array<i32>} : memref<64x768xf32, #tpu.memory_space<vmem>>, vector<16xf32>,
      %mul3A_313 = arith.mulf %gather3A_19, %get3A_312 : vector<16xf32>
      %add3A_314 = arith.addf %mul3A_309, %mul3A_313 : vector<16xf32>
      %swap3A_315 = arith.index_cast %scan3A_18 : i32 to index
      %swap3A_316 = arith.constant 384 : index
      %swap3A_317 = tpu.vector_load %arg8[%swap3A_315, %swap3A_316] {strides = array<i32>} : memref<64x768xf32, #tpu.memory_space<vmem>>, vector<16xf32>,
      tpu.vector_store %arg8[%swap3A_315, %swap3A_316], %add3A_314 {strides = array<i32>} : memref<64x768xf32, #tpu.memory_space<vmem>>, vector<16xf32>,
      %get3A_318 = arith.index_cast %scan3A_18 : i32 to index
      %get3A_319 = arith.constant 400 : index
      %get3A_320 = tpu.vector_load %arg8[%get3A_318, %get3A_319] {strides = array<i32>} : memref<64x768xf32, #tpu.memory_space<vmem>>, vector<16xf32>,
      %mul3A_321 = arith.mulf %gather3A, %get3A_320 : vector<16xf32>
      %get3A_322 = arith.index_cast %scan3A_18 : i32 to index
      %get3A_323 = arith.constant 400 : index
      %get3A_324 = tpu.vector_load %arg9[%get3A_322, %get3A_323] {strides = array<i32>} : memref<64x768xf32, #tpu.memory_space<vmem>>, vector<16xf32>,
      %mul3A_325 = arith.mulf %gather3A_19, %get3A_324 : vector<16xf32>
      %add3A_326 = arith.addf %mul3A_321, %mul3A_325 : vector<16xf32>
      %swap3A_327 = arith.index_cast %scan3A_18 : i32 to index
      %swap3A_328 = arith.constant 400 : index
      %swap3A_329 = tpu.vector_load %arg8[%swap3A_327, %swap3A_328] {strides = array<i32>} : memref<64x768xf32, #tpu.memory_space<vmem>>, vector<16xf32>,
      tpu.vector_store %arg8[%swap3A_327, %swap3A_328], %add3A_326 {strides = array<i32>} : memref<64x768xf32, #tpu.memory_space<vmem>>, vector<16xf32>,
      %get3A_330 = arith.index_cast %scan3A_18 : i32 to index
      %get3A_331 = arith.constant 416 : index
      %get3A_332 = tpu.vector_load %arg8[%get3A_330, %get3A_331] {strides = array<i32>} : memref<64x768xf32, #tpu.memory_space<vmem>>, vector<16xf32>,
      %mul3A_333 = arith.mulf %gather3A, %get3A_332 : vector<16xf32>
      %get3A_334 = arith.index_cast %scan3A_18 : i32 to index
      %get3A_335 = arith.constant 416 : index
      %get3A_336 = tpu.vector_load %arg9[%get3A_334, %get3A_335] {strides = array<i32>} : memref<64x768xf32, #tpu.memory_space<vmem>>, vector<16xf32>,
      %mul3A_337 = arith.mulf %gather3A_19, %get3A_336 : vector<16xf32>
      %add3A_338 = arith.addf %mul3A_333, %mul3A_337 : vector<16xf32>
      %swap3A_339 = arith.index_cast %scan3A_18 : i32 to index
      %swap3A_340 = arith.constant 416 : index
      %swap3A_341 = tpu.vector_load %arg8[%swap3A_339, %swap3A_340] {strides = array<i32>} : memref<64x768xf32, #tpu.memory_space<vmem>>, vector<16xf32>,
      tpu.vector_store %arg8[%swap3A_339, %swap3A_340], %add3A_338 {strides = array<i32>} : memref<64x768xf32, #tpu.memory_space<vmem>>, vector<16xf32>,
      %get3A_342 = arith.index_cast %scan3A_18 : i32 to index
      %get3A_343 = arith.constant 432 : index
      %get3A_344 = tpu.vector_load %arg8[%get3A_342, %get3A_343] {strides = array<i32>} : memref<64x768xf32, #tpu.memory_space<vmem>>, vector<16xf32>,
      %mul3A_345 = arith.mulf %gather3A, %get3A_344 : vector<16xf32>
      %get3A_346 = arith.index_cast %scan3A_18 : i32 to index
      %get3A_347 = arith.constant 432 : index
      %get3A_348 = tpu.vector_load %arg9[%get3A_346, %get3A_347] {strides = array<i32>} : memref<64x768xf32, #tpu.memory_space<vmem>>, vector<16xf32>,
      %mul3A_349 = arith.mulf %gather3A_19, %get3A_348 : vector<16xf32>
      %add3A_350 = arith.addf %mul3A_345, %mul3A_349 : vector<16xf32>
      %swap3A_351 = arith.index_cast %scan3A_18 : i32 to index
      %swap3A_352 = arith.constant 432 : index
      %swap3A_353 = tpu.vector_load %arg8[%swap3A_351, %swap3A_352] {strides = array<i32>} : memref<64x768xf32, #tpu.memory_space<vmem>>, vector<16xf32>,
      tpu.vector_store %arg8[%swap3A_351, %swap3A_352], %add3A_350 {strides = array<i32>} : memref<64x768xf32, #tpu.memory_space<vmem>>, vector<16xf32>,
      %get3A_354 = arith.index_cast %scan3A_18 : i32 to index
      %get3A_355 = arith.constant 448 : index
      %get3A_356 = tpu.vector_load %arg8[%get3A_354, %get3A_355] {strides = array<i32>} : memref<64x768xf32, #tpu.memory_space<vmem>>, vector<16xf32>,
      %mul3A_357 = arith.mulf %gather3A, %get3A_356 : vector<16xf32>
      %get3A_358 = arith.index_cast %scan3A_18 : i32 to index
      %get3A_359 = arith.constant 448 : index
      %get3A_360 = tpu.vector_load %arg9[%get3A_358, %get3A_359] {strides = array<i32>} : memref<64x768xf32, #tpu.memory_space<vmem>>, vector<16xf32>,
      %mul3A_361 = arith.mulf %gather3A_19, %get3A_360 : vector<16xf32>
      %add3A_362 = arith.addf %mul3A_357, %mul3A_361 : vector<16xf32>
      %swap3A_363 = arith.index_cast %scan3A_18 : i32 to index
      %swap3A_364 = arith.constant 448 : index
      %swap3A_365 = tpu.vector_load %arg8[%swap3A_363, %swap3A_364] {strides = array<i32>} : memref<64x768xf32, #tpu.memory_space<vmem>>, vector<16xf32>,
      tpu.vector_store %arg8[%swap3A_363, %swap3A_364], %add3A_362 {strides = array<i32>} : memref<64x768xf32, #tpu.memory_space<vmem>>, vector<16xf32>,
      %get3A_366 = arith.index_cast %scan3A_18 : i32 to index
      %get3A_367 = arith.constant 464 : index
      %get3A_368 = tpu.vector_load %arg8[%get3A_366, %get3A_367] {strides = array<i32>} : memref<64x768xf32, #tpu.memory_space<vmem>>, vector<16xf32>,
      %mul3A_369 = arith.mulf %gather3A, %get3A_368 : vector<16xf32>
      %get3A_370 = arith.index_cast %scan3A_18 : i32 to index
      %get3A_371 = arith.constant 464 : index
      %get3A_372 = tpu.vector_load %arg9[%get3A_370, %get3A_371] {strides = array<i32>} : memref<64x768xf32, #tpu.memory_space<vmem>>, vector<16xf32>,
      %mul3A_373 = arith.mulf %gather3A_19, %get3A_372 : vector<16xf32>
      %add3A_374 = arith.addf %mul3A_369, %mul3A_373 : vector<16xf32>
      %swap3A_375 = arith.index_cast %scan3A_18 : i32 to index
      %swap3A_376 = arith.constant 464 : index
      %swap3A_377 = tpu.vector_load %arg8[%swap3A_375, %swap3A_376] {strides = array<i32>} : memref<64x768xf32, #tpu.memory_space<vmem>>, vector<16xf32>,
      tpu.vector_store %arg8[%swap3A_375, %swap3A_376], %add3A_374 {strides = array<i32>} : memref<64x768xf32, #tpu.memory_space<vmem>>, vector<16xf32>,
      %get3A_378 = arith.index_cast %scan3A_18 : i32 to index
      %get3A_379 = arith.constant 480 : index
      %get3A_380 = tpu.vector_load %arg8[%get3A_378, %get3A_379] {strides = array<i32>} : memref<64x768xf32, #tpu.memory_space<vmem>>, vector<16xf32>,
      %mul3A_381 = arith.mulf %gather3A, %get3A_380 : vector<16xf32>
      %get3A_382 = arith.index_cast %scan3A_18 : i32 to index
      %get3A_383 = arith.constant 480 : index
      %get3A_384 = tpu.vector_load %arg9[%get3A_382, %get3A_383] {strides = array<i32>} : memref<64x768xf32, #tpu.memory_space<vmem>>, vector<16xf32>,
      %mul3A_385 = arith.mulf %gather3A_19, %get3A_384 : vector<16xf32>
      %add3A_386 = arith.addf %mul3A_381, %mul3A_385 : vector<16xf32>
      %swap3A_387 = arith.index_cast %scan3A_18 : i32 to index
      %swap3A_388 = arith.constant 480 : index
      %swap3A_389 = tpu.vector_load %arg8[%swap3A_387, %swap3A_388] {strides = array<i32>} : memref<64x768xf32, #tpu.memory_space<vmem>>, vector<16xf32>,
      tpu.vector_store %arg8[%swap3A_387, %swap3A_388], %add3A_386 {strides = array<i32>} : memref<64x768xf32, #tpu.memory_space<vmem>>, vector<16xf32>,
      %get3A_390 = arith.index_cast %scan3A_18 : i32 to index
      %get3A_391 = arith.constant 496 : index
      %get3A_392 = tpu.vector_load %arg8[%get3A_390, %get3A_391] {strides = array<i32>} : memref<64x768xf32, #tpu.memory_space<vmem>>, vector<16xf32>,
      %mul3A_393 = arith.mulf %gather3A, %get3A_392 : vector<16xf32>
      %get3A_394 = arith.index_cast %scan3A_18 : i32 to index
      %get3A_395 = arith.constant 496 : index
      %get3A_396 = tpu.vector_load %arg9[%get3A_394, %get3A_395] {strides = array<i32>} : memref<64x768xf32, #tpu.memory_space<vmem>>, vector<16xf32>,
      %mul3A_397 = arith.mulf %gather3A_19, %get3A_396 : vector<16xf32>
      %add3A_398 = arith.addf %mul3A_393, %mul3A_397 : vector<16xf32>
      %swap3A_399 = arith.index_cast %scan3A_18 : i32 to index
      %swap3A_400 = arith.constant 496 : index
      %swap3A_401 = tpu.vector_load %arg8[%swap3A_399, %swap3A_400] {strides = array<i32>} : memref<64x768xf32, #tpu.memory_space<vmem>>, vector<16xf32>,
      tpu.vector_store %arg8[%swap3A_399, %swap3A_400], %add3A_398 {strides = array<i32>} : memref<64x768xf32, #tpu.memory_space<vmem>>, vector<16xf32>,
      %get3A_402 = arith.index_cast %scan3A_18 : i32 to index
      %get3A_403 = arith.constant 512 : index
      %get3A_404 = tpu.vector_load %arg8[%get3A_402, %get3A_403] {strides = array<i32>} : memref<64x768xf32, #tpu.memory_space<vmem>>, vector<16xf32>,
      %mul3A_405 = arith.mulf %gather3A, %get3A_404 : vector<16xf32>
      %get3A_406 = arith.index_cast %scan3A_18 : i32 to index
      %get3A_407 = arith.constant 512 : index
      %get3A_408 = tpu.vector_load %arg9[%get3A_406, %get3A_407] {strides = array<i32>} : memref<64x768xf32, #tpu.memory_space<vmem>>, vector<16xf32>,
      %mul3A_409 = arith.mulf %gather3A_19, %get3A_408 : vector<16xf32>
      %add3A_410 = arith.addf %mul3A_405, %mul3A_409 : vector<16xf32>
      %swap3A_411 = arith.index_cast %scan3A_18 : i32 to index
      %swap3A_412 = arith.constant 512 : index
      %swap3A_413 = tpu.vector_load %arg8[%swap3A_411, %swap3A_412] {strides = array<i32>} : memref<64x768xf32, #tpu.memory_space<vmem>>, vector<16xf32>,
      tpu.vector_store %arg8[%swap3A_411, %swap3A_412], %add3A_410 {strides = array<i32>} : memref<64x768xf32, #tpu.memory_space<vmem>>, vector<16xf32>,
      %get3A_414 = arith.index_cast %scan3A_18 : i32 to index
      %get3A_415 = arith.constant 528 : index
      %get3A_416 = tpu.vector_load %arg8[%get3A_414, %get3A_415] {strides = array<i32>} : memref<64x768xf32, #tpu.memory_space<vmem>>, vector<16xf32>,
      %mul3A_417 = arith.mulf %gather3A, %get3A_416 : vector<16xf32>
      %get3A_418 = arith.index_cast %scan3A_18 : i32 to index
      %get3A_419 = arith.constant 528 : index
      %get3A_420 = tpu.vector_load %arg9[%get3A_418, %get3A_419] {strides = array<i32>} : memref<64x768xf32, #tpu.memory_space<vmem>>, vector<16xf32>,
      %mul3A_421 = arith.mulf %gather3A_19, %get3A_420 : vector<16xf32>
      %add3A_422 = arith.addf %mul3A_417, %mul3A_421 : vector<16xf32>
      %swap3A_423 = arith.index_cast %scan3A_18 : i32 to index
      %swap3A_424 = arith.constant 528 : index
      %swap3A_425 = tpu.vector_load %arg8[%swap3A_423, %swap3A_424] {strides = array<i32>} : memref<64x768xf32, #tpu.memory_space<vmem>>, vector<16xf32>,
      tpu.vector_store %arg8[%swap3A_423, %swap3A_424], %add3A_422 {strides = array<i32>} : memref<64x768xf32, #tpu.memory_space<vmem>>, vector<16xf32>,
      %get3A_426 = arith.index_cast %scan3A_18 : i32 to index
      %get3A_427 = arith.constant 544 : index
      %get3A_428 = tpu.vector_load %arg8[%get3A_426, %get3A_427] {strides = array<i32>} : memref<64x768xf32, #tpu.memory_space<vmem>>, vector<16xf32>,
      %mul3A_429 = arith.mulf %gather3A, %get3A_428 : vector<16xf32>
      %get3A_430 = arith.index_cast %scan3A_18 : i32 to index
      %get3A_431 = arith.constant 544 : index
      %get3A_432 = tpu.vector_load %arg9[%get3A_430, %get3A_431] {strides = array<i32>} : memref<64x768xf32, #tpu.memory_space<vmem>>, vector<16xf32>,
      %mul3A_433 = arith.mulf %gather3A_19, %get3A_432 : vector<16xf32>
      %add3A_434 = arith.addf %mul3A_429, %mul3A_433 : vector<16xf32>
      %swap3A_435 = arith.index_cast %scan3A_18 : i32 to index
      %swap3A_436 = arith.constant 544 : index
      %swap3A_437 = tpu.vector_load %arg8[%swap3A_435, %swap3A_436] {strides = array<i32>} : memref<64x768xf32, #tpu.memory_space<vmem>>, vector<16xf32>,
      tpu.vector_store %arg8[%swap3A_435, %swap3A_436], %add3A_434 {strides = array<i32>} : memref<64x768xf32, #tpu.memory_space<vmem>>, vector<16xf32>,
      %get3A_438 = arith.index_cast %scan3A_18 : i32 to index
      %get3A_439 = arith.constant 560 : index
      %get3A_440 = tpu.vector_load %arg8[%get3A_438, %get3A_439] {strides = array<i32>} : memref<64x768xf32, #tpu.memory_space<vmem>>, vector<16xf32>,
      %mul3A_441 = arith.mulf %gather3A, %get3A_440 : vector<16xf32>
      %get3A_442 = arith.index_cast %scan3A_18 : i32 to index
      %get3A_443 = arith.constant 560 : index
      %get3A_444 = tpu.vector_load %arg9[%get3A_442, %get3A_443] {strides = array<i32>} : memref<64x768xf32, #tpu.memory_space<vmem>>, vector<16xf32>,
      %mul3A_445 = arith.mulf %gather3A_19, %get3A_444 : vector<16xf32>
      %add3A_446 = arith.addf %mul3A_441, %mul3A_445 : vector<16xf32>
      %swap3A_447 = arith.index_cast %scan3A_18 : i32 to index
      %swap3A_448 = arith.constant 560 : index
      %swap3A_449 = tpu.vector_load %arg8[%swap3A_447, %swap3A_448] {strides = array<i32>} : memref<64x768xf32, #tpu.memory_space<vmem>>, vector<16xf32>,
      tpu.vector_store %arg8[%swap3A_447, %swap3A_448], %add3A_446 {strides = array<i32>} : memref<64x768xf32, #tpu.memory_space<vmem>>, vector<16xf32>,
      %get3A_450 = arith.index_cast %scan3A_18 : i32 to index
      %get3A_451 = arith.constant 576 : index
      %get3A_452 = tpu.vector_load %arg8[%get3A_450, %get3A_451] {strides = array<i32>} : memref<64x768xf32, #tpu.memory_space<vmem>>, vector<16xf32>,
      %mul3A_453 = arith.mulf %gather3A, %get3A_452 : vector<16xf32>
      %get3A_454 = arith.index_cast %scan3A_18 : i32 to index
      %get3A_455 = arith.constant 576 : index
      %get3A_456 = tpu.vector_load %arg9[%get3A_454, %get3A_455] {strides = array<i32>} : memref<64x768xf32, #tpu.memory_space<vmem>>, vector<16xf32>,
      %mul3A_457 = arith.mulf %gather3A_19, %get3A_456 : vector<16xf32>
      %add3A_458 = arith.addf %mul3A_453, %mul3A_457 : vector<16xf32>
      %swap3A_459 = arith.index_cast %scan3A_18 : i32 to index
      %swap3A_460 = arith.constant 576 : index
      %swap3A_461 = tpu.vector_load %arg8[%swap3A_459, %swap3A_460] {strides = array<i32>} : memref<64x768xf32, #tpu.memory_space<vmem>>, vector<16xf32>,
      tpu.vector_store %arg8[%swap3A_459, %swap3A_460], %add3A_458 {strides = array<i32>} : memref<64x768xf32, #tpu.memory_space<vmem>>, vector<16xf32>,
      %get3A_462 = arith.index_cast %scan3A_18 : i32 to index
      %get3A_463 = arith.constant 592 : index
      %get3A_464 = tpu.vector_load %arg8[%get3A_462, %get3A_463] {strides = array<i32>} : memref<64x768xf32, #tpu.memory_space<vmem>>, vector<16xf32>,
      %mul3A_465 = arith.mulf %gather3A, %get3A_464 : vector<16xf32>
      %get3A_466 = arith.index_cast %scan3A_18 : i32 to index
      %get3A_467 = arith.constant 592 : index
      %get3A_468 = tpu.vector_load %arg9[%get3A_466, %get3A_467] {strides = array<i32>} : memref<64x768xf32, #tpu.memory_space<vmem>>, vector<16xf32>,
      %mul3A_469 = arith.mulf %gather3A_19, %get3A_468 : vector<16xf32>
      %add3A_470 = arith.addf %mul3A_465, %mul3A_469 : vector<16xf32>
      %swap3A_471 = arith.index_cast %scan3A_18 : i32 to index
      %swap3A_472 = arith.constant 592 : index
      %swap3A_473 = tpu.vector_load %arg8[%swap3A_471, %swap3A_472] {strides = array<i32>} : memref<64x768xf32, #tpu.memory_space<vmem>>, vector<16xf32>,
      tpu.vector_store %arg8[%swap3A_471, %swap3A_472], %add3A_470 {strides = array<i32>} : memref<64x768xf32, #tpu.memory_space<vmem>>, vector<16xf32>,
      %get3A_474 = arith.index_cast %scan3A_18 : i32 to index
      %get3A_475 = arith.constant 608 : index
      %get3A_476 = tpu.vector_load %arg8[%get3A_474, %get3A_475] {strides = array<i32>} : memref<64x768xf32, #tpu.memory_space<vmem>>, vector<16xf32>,
      %mul3A_477 = arith.mulf %gather3A, %get3A_476 : vector<16xf32>
      %get3A_478 = arith.index_cast %scan3A_18 : i32 to index
      %get3A_479 = arith.constant 608 : index
      %get3A_480 = tpu.vector_load %arg9[%get3A_478, %get3A_479] {strides = array<i32>} : memref<64x768xf32, #tpu.memory_space<vmem>>, vector<16xf32>,
      %mul3A_481 = arith.mulf %gather3A_19, %get3A_480 : vector<16xf32>
      %add3A_482 = arith.addf %mul3A_477, %mul3A_481 : vector<16xf32>
      %swap3A_483 = arith.index_cast %scan3A_18 : i32 to index
      %swap3A_484 = arith.constant 608 : index
      %swap3A_485 = tpu.vector_load %arg8[%swap3A_483, %swap3A_484] {strides = array<i32>} : memref<64x768xf32, #tpu.memory_space<vmem>>, vector<16xf32>,
      tpu.vector_store %arg8[%swap3A_483, %swap3A_484], %add3A_482 {strides = array<i32>} : memref<64x768xf32, #tpu.memory_space<vmem>>, vector<16xf32>,
      %get3A_486 = arith.index_cast %scan3A_18 : i32 to index
      %get3A_487 = arith.constant 624 : index
      %get3A_488 = tpu.vector_load %arg8[%get3A_486, %get3A_487] {strides = array<i32>} : memref<64x768xf32, #tpu.memory_space<vmem>>, vector<16xf32>,
      %mul3A_489 = arith.mulf %gather3A, %get3A_488 : vector<16xf32>
      %get3A_490 = arith.index_cast %scan3A_18 : i32 to index
      %get3A_491 = arith.constant 624 : index
      %get3A_492 = tpu.vector_load %arg9[%get3A_490, %get3A_491] {strides = array<i32>} : memref<64x768xf32, #tpu.memory_space<vmem>>, vector<16xf32>,
      %mul3A_493 = arith.mulf %gather3A_19, %get3A_492 : vector<16xf32>
      %add3A_494 = arith.addf %mul3A_489, %mul3A_493 : vector<16xf32>
      %swap3A_495 = arith.index_cast %scan3A_18 : i32 to index
      %swap3A_496 = arith.constant 624 : index
      %swap3A_497 = tpu.vector_load %arg8[%swap3A_495, %swap3A_496] {strides = array<i32>} : memref<64x768xf32, #tpu.memory_space<vmem>>, vector<16xf32>,
      tpu.vector_store %arg8[%swap3A_495, %swap3A_496], %add3A_494 {strides = array<i32>} : memref<64x768xf32, #tpu.memory_space<vmem>>, vector<16xf32>,
      %get3A_498 = arith.index_cast %scan3A_18 : i32 to index
      %get3A_499 = arith.constant 640 : index
      %get3A_500 = tpu.vector_load %arg8[%get3A_498, %get3A_499] {strides = array<i32>} : memref<64x768xf32, #tpu.memory_space<vmem>>, vector<16xf32>,
      %mul3A_501 = arith.mulf %gather3A, %get3A_500 : vector<16xf32>
      %get3A_502 = arith.index_cast %scan3A_18 : i32 to index
      %get3A_503 = arith.constant 640 : index
      %get3A_504 = tpu.vector_load %arg9[%get3A_502, %get3A_503] {strides = array<i32>} : memref<64x768xf32, #tpu.memory_space<vmem>>, vector<16xf32>,
      %mul3A_505 = arith.mulf %gather3A_19, %get3A_504 : vector<16xf32>
      %add3A_506 = arith.addf %mul3A_501, %mul3A_505 : vector<16xf32>
      %swap3A_507 = arith.index_cast %scan3A_18 : i32 to index
      %swap3A_508 = arith.constant 640 : index
      %swap3A_509 = tpu.vector_load %arg8[%swap3A_507, %swap3A_508] {strides = array<i32>} : memref<64x768xf32, #tpu.memory_space<vmem>>, vector<16xf32>,
      tpu.vector_store %arg8[%swap3A_507, %swap3A_508], %add3A_506 {strides = array<i32>} : memref<64x768xf32, #tpu.memory_space<vmem>>, vector<16xf32>,
      %get3A_510 = arith.index_cast %scan3A_18 : i32 to index
      %get3A_511 = arith.constant 656 : index
      %get3A_512 = tpu.vector_load %arg8[%get3A_510, %get3A_511] {strides = array<i32>} : memref<64x768xf32, #tpu.memory_space<vmem>>, vector<16xf32>,
      %mul3A_513 = arith.mulf %gather3A, %get3A_512 : vector<16xf32>
      %get3A_514 = arith.index_cast %scan3A_18 : i32 to index
      %get3A_515 = arith.constant 656 : index
      %get3A_516 = tpu.vector_load %arg9[%get3A_514, %get3A_515] {strides = array<i32>} : memref<64x768xf32, #tpu.memory_space<vmem>>, vector<16xf32>,
      %mul3A_517 = arith.mulf %gather3A_19, %get3A_516 : vector<16xf32>
      %add3A_518 = arith.addf %mul3A_513, %mul3A_517 : vector<16xf32>
      %swap3A_519 = arith.index_cast %scan3A_18 : i32 to index
      %swap3A_520 = arith.constant 656 : index
      %swap3A_521 = tpu.vector_load %arg8[%swap3A_519, %swap3A_520] {strides = array<i32>} : memref<64x768xf32, #tpu.memory_space<vmem>>, vector<16xf32>,
      tpu.vector_store %arg8[%swap3A_519, %swap3A_520], %add3A_518 {strides = array<i32>} : memref<64x768xf32, #tpu.memory_space<vmem>>, vector<16xf32>,
      %get3A_522 = arith.index_cast %scan3A_18 : i32 to index
      %get3A_523 = arith.constant 672 : index
      %get3A_524 = tpu.vector_load %arg8[%get3A_522, %get3A_523] {strides = array<i32>} : memref<64x768xf32, #tpu.memory_space<vmem>>, vector<16xf32>,
      %mul3A_525 = arith.mulf %gather3A, %get3A_524 : vector<16xf32>
      %get3A_526 = arith.index_cast %scan3A_18 : i32 to index
      %get3A_527 = arith.constant 672 : index
      %get3A_528 = tpu.vector_load %arg9[%get3A_526, %get3A_527] {strides = array<i32>} : memref<64x768xf32, #tpu.memory_space<vmem>>, vector<16xf32>,
      %mul3A_529 = arith.mulf %gather3A_19, %get3A_528 : vector<16xf32>
      %add3A_530 = arith.addf %mul3A_525, %mul3A_529 : vector<16xf32>
      %swap3A_531 = arith.index_cast %scan3A_18 : i32 to index
      %swap3A_532 = arith.constant 672 : index
      %swap3A_533 = tpu.vector_load %arg8[%swap3A_531, %swap3A_532] {strides = array<i32>} : memref<64x768xf32, #tpu.memory_space<vmem>>, vector<16xf32>,
      tpu.vector_store %arg8[%swap3A_531, %swap3A_532], %add3A_530 {strides = array<i32>} : memref<64x768xf32, #tpu.memory_space<vmem>>, vector<16xf32>,
      %get3A_534 = arith.index_cast %scan3A_18 : i32 to index
      %get3A_535 = arith.constant 688 : index
      %get3A_536 = tpu.vector_load %arg8[%get3A_534, %get3A_535] {strides = array<i32>} : memref<64x768xf32, #tpu.memory_space<vmem>>, vector<16xf32>,
      %mul3A_537 = arith.mulf %gather3A, %get3A_536 : vector<16xf32>
      %get3A_538 = arith.index_cast %scan3A_18 : i32 to index
      %get3A_539 = arith.constant 688 : index
      %get3A_540 = tpu.vector_load %arg9[%get3A_538, %get3A_539] {strides = array<i32>} : memref<64x768xf32, #tpu.memory_space<vmem>>, vector<16xf32>,
      %mul3A_541 = arith.mulf %gather3A_19, %get3A_540 : vector<16xf32>
      %add3A_542 = arith.addf %mul3A_537, %mul3A_541 : vector<16xf32>
      %swap3A_543 = arith.index_cast %scan3A_18 : i32 to index
      %swap3A_544 = arith.constant 688 : index
      %swap3A_545 = tpu.vector_load %arg8[%swap3A_543, %swap3A_544] {strides = array<i32>} : memref<64x768xf32, #tpu.memory_space<vmem>>, vector<16xf32>,
      tpu.vector_store %arg8[%swap3A_543, %swap3A_544], %add3A_542 {strides = array<i32>} : memref<64x768xf32, #tpu.memory_space<vmem>>, vector<16xf32>,
      %get3A_546 = arith.index_cast %scan3A_18 : i32 to index
      %get3A_547 = arith.constant 704 : index
      %get3A_548 = tpu.vector_load %arg8[%get3A_546, %get3A_547] {strides = array<i32>} : memref<64x768xf32, #tpu.memory_space<vmem>>, vector<16xf32>,
      %mul3A_549 = arith.mulf %gather3A, %get3A_548 : vector<16xf32>
      %get3A_550 = arith.index_cast %scan3A_18 : i32 to index
      %get3A_551 = arith.constant 704 : index
      %get3A_552 = tpu.vector_load %arg9[%get3A_550, %get3A_551] {strides = array<i32>} : memref<64x768xf32, #tpu.memory_space<vmem>>, vector<16xf32>,
      %mul3A_553 = arith.mulf %gather3A_19, %get3A_552 : vector<16xf32>
      %add3A_554 = arith.addf %mul3A_549, %mul3A_553 : vector<16xf32>
      %swap3A_555 = arith.index_cast %scan3A_18 : i32 to index
      %swap3A_556 = arith.constant 704 : index
      %swap3A_557 = tpu.vector_load %arg8[%swap3A_555, %swap3A_556] {strides = array<i32>} : memref<64x768xf32, #tpu.memory_space<vmem>>, vector<16xf32>,
      tpu.vector_store %arg8[%swap3A_555, %swap3A_556], %add3A_554 {strides = array<i32>} : memref<64x768xf32, #tpu.memory_space<vmem>>, vector<16xf32>,
      %get3A_558 = arith.index_cast %scan3A_18 : i32 to index
      %get3A_559 = arith.constant 720 : index
      %get3A_560 = tpu.vector_load %arg8[%get3A_558, %get3A_559] {strides = array<i32>} : memref<64x768xf32, #tpu.memory_space<vmem>>, vector<16xf32>,
      %mul3A_561 = arith.mulf %gather3A, %get3A_560 : vector<16xf32>
      %get3A_562 = arith.index_cast %scan3A_18 : i32 to index
      %get3A_563 = arith.constant 720 : index
      %get3A_564 = tpu.vector_load %arg9[%get3A_562, %get3A_563] {strides = array<i32>} : memref<64x768xf32, #tpu.memory_space<vmem>>, vector<16xf32>,
      %mul3A_565 = arith.mulf %gather3A_19, %get3A_564 : vector<16xf32>
      %add3A_566 = arith.addf %mul3A_561, %mul3A_565 : vector<16xf32>
      %swap3A_567 = arith.index_cast %scan3A_18 : i32 to index
      %swap3A_568 = arith.constant 720 : index
      %swap3A_569 = tpu.vector_load %arg8[%swap3A_567, %swap3A_568] {strides = array<i32>} : memref<64x768xf32, #tpu.memory_space<vmem>>, vector<16xf32>,
      tpu.vector_store %arg8[%swap3A_567, %swap3A_568], %add3A_566 {strides = array<i32>} : memref<64x768xf32, #tpu.memory_space<vmem>>, vector<16xf32>,
      %get3A_570 = arith.index_cast %scan3A_18 : i32 to index
      %get3A_571 = arith.constant 736 : index
      %get3A_572 = tpu.vector_load %arg8[%get3A_570, %get3A_571] {strides = array<i32>} : memref<64x768xf32, #tpu.memory_space<vmem>>, vector<16xf32>,
      %mul3A_573 = arith.mulf %gather3A, %get3A_572 : vector<16xf32>
      %get3A_574 = arith.index_cast %scan3A_18 : i32 to index
      %get3A_575 = arith.constant 736 : index
      %get3A_576 = tpu.vector_load %arg9[%get3A_574, %get3A_575] {strides = array<i32>} : memref<64x768xf32, #tpu.memory_space<vmem>>, vector<16xf32>,
      %mul3A_577 = arith.mulf %gather3A_19, %get3A_576 : vector<16xf32>
      %add3A_578 = arith.addf %mul3A_573, %mul3A_577 : vector<16xf32>
      %swap3A_579 = arith.index_cast %scan3A_18 : i32 to index
      %swap3A_580 = arith.constant 736 : index
      %swap3A_581 = tpu.vector_load %arg8[%swap3A_579, %swap3A_580] {strides = array<i32>} : memref<64x768xf32, #tpu.memory_space<vmem>>, vector<16xf32>,
      tpu.vector_store %arg8[%swap3A_579, %swap3A_580], %add3A_578 {strides = array<i32>} : memref<64x768xf32, #tpu.memory_space<vmem>>, vector<16xf32>,
      %get3A_582 = arith.index_cast %scan3A_18 : i32 to index
      %get3A_583 = arith.constant 752 : index
      %get3A_584 = tpu.vector_load %arg8[%get3A_582, %get3A_583] {strides = array<i32>} : memref<64x768xf32, #tpu.memory_space<vmem>>, vector<16xf32>,
      %mul3A_585 = arith.mulf %gather3A, %get3A_584 : vector<16xf32>
      %get3A_586 = arith.index_cast %scan3A_18 : i32 to index
      %get3A_587 = arith.constant 752 : index
      %get3A_588 = tpu.vector_load %arg9[%get3A_586, %get3A_587] {strides = array<i32>} : memref<64x768xf32, #tpu.memory_space<vmem>>, vector<16xf32>,
      %mul3A_589 = arith.mulf %gather3A_19, %get3A_588 : vector<16xf32>
      %add3A_590 = arith.addf %mul3A_585, %mul3A_589 : vector<16xf32>
      %swap3A_591 = arith.index_cast %scan3A_18 : i32 to index
      %swap3A_592 = arith.constant 752 : index
      %swap3A_593 = tpu.vector_load %arg8[%swap3A_591, %swap3A_592] {strides = array<i32>} : memref<64x768xf32, #tpu.memory_space<vmem>>, vector<16xf32>,
      tpu.vector_store %arg8[%swap3A_591, %swap3A_592], %add3A_590 {strides = array<i32>} : memref<64x768xf32, #tpu.memory_space<vmem>>, vector<16xf32>,
    }
    %scan3A_17 = arith.constant 64 : i32
    "tpu.region"() ({
      %run_scoped3A = tpu.sem_alloc : memref<!tpu.dma_semaphore, #tpu.memory_space<semaphore_mem>>
      %dma_start3A_18 = arith.constant 0 : i32
      %dma_start3A_19 = tpu.memref_slice %arg7[%mul3A_2, %dma_start3A_18] : memref<2048x768xf32, #tpu.memory_space<hbm>> -> memref<64x768xf32, #tpu.memory_space<hbm>>
      %dma_start3A_20 = arith.constant 0 : i32
      %dma_start3A_21 = tpu.memref_slice %arg7[%mul3A_2, %dma_start3A_20] : memref<2048x768xf32, #tpu.memory_space<hbm>> -> memref<64x768xf32, #tpu.memory_space<hbm>>
      tpu.enqueue_dma source(%arg8 : memref<64x768xf32, #tpu.memory_space<vmem>>) target(%dma_start3A_21 : memref<64x768xf32, #tpu.memory_space<hbm>>) target_semaphore(%run_scoped3A : memref<!tpu.dma_semaphore, #tpu.memory_space<semaphore_mem>>)
      %dma_wait3A_22 = arith.constant 0 : i32
      %dma_wait3A_23 = tpu.memref_slice %arg7[%mul3A_2, %dma_wait3A_22] : memref<2048x768xf32, #tpu.memory_space<hbm>> -> memref<64x768xf32, #tpu.memory_space<hbm>>
      %dma_wait3A_24 = arith.constant 0 : i32
      %dma_wait3A_25 = tpu.memref_slice %arg7[%mul3A_2, %dma_wait3A_24] : memref<2048x768xf32, #tpu.memory_space<hbm>> -> memref<64x768xf32, #tpu.memory_space<hbm>>
      tpu.wait_dma2 semaphore(%run_scoped3A : memref<!tpu.dma_semaphore, #tpu.memory_space<semaphore_mem>>) src(%arg8 : memref<64x768xf32, #tpu.memory_space<vmem>>) dst(%dma_wait3A_25 : memref<64x768xf32, #tpu.memory_space<hbm>>)
      tpu.yield
    }) : () -> ()
    return
  }
}

module attributes {stable_mosaic.version = 14 : i64} {
  func.func @_router_body(%arg0: memref<2048x768xf32, #tpu.memory_space<vmem>>, %arg1: memref<768x8xf32, #tpu.memory_space<vmem>>, %arg2: memref<2048x1xi32, #tpu.memory_space<vmem>>, %arg3: memref<2048x1xi32, #tpu.memory_space<vmem>>, %arg4: memref<2048x1xf32, #tpu.memory_space<vmem>>, %arg5: memref<2048x1xf32, #tpu.memory_space<vmem>>, %arg6: memref<16x1xi32, #tpu.memory_space<vmem>>, %arg7: memref<1x1xi32, #tpu.memory_space<vmem>>, %arg8: memref<2048x384xi32, #tpu.memory_space<vmem>>) attributes {dimension_semantics = [], scalar_prefetch = 0 : i64, scratch_operands = 0 : i64, tpu.core_type = #tpu.core_type<tc>} {
    %get3A = arith.constant 0 : index
    %get3A_0 = arith.constant 0 : index
    %get3A_1 = vector.load %arg0[%get3A, %get3A_0] : memref<2048x768xf32, #tpu.memory_space<vmem>>, vector<2048x768xf32>
    %bitcast_convert_type3A = tpu.bitcast %get3A_1 : vector<2048x768xf32> -> vector<2048x768xi32>
    %add3A = arith.constant 32767 : i32
    %add3A_2 = vector.broadcast %add3A : i32 to vector<2048x768xi32>
    %add3A_3 = arith.addi %bitcast_convert_type3A, %add3A_2 : vector<2048x768xi32>
    %shift_right_arithmetic3A = arith.constant 16 : i32
    %shift_right_arithmetic3A_4 = vector.broadcast %shift_right_arithmetic3A : i32 to vector<2048x768xi32>
    %shift_right_arithmetic3A_5 = arith.shrsi %bitcast_convert_type3A, %shift_right_arithmetic3A_4 : vector<2048x768xi32>
    %and3A = arith.constant 1 : i32
    %and3A_6 = vector.broadcast %and3A : i32 to vector<2048x768xi32>
    %and3A_7 = arith.andi %shift_right_arithmetic3A_5, %and3A_6 : vector<2048x768xi32>
    %add3A_8 = arith.addi %add3A_3, %and3A_7 : vector<2048x768xi32>
    %shift_right_arithmetic3A_9 = arith.constant 16 : i32
    %shift_right_arithmetic3A_10 = vector.broadcast %shift_right_arithmetic3A_9 : i32 to vector<2048x768xi32>
    %shift_right_arithmetic3A_11 = arith.shrsi %add3A_8, %shift_right_arithmetic3A_10 : vector<2048x768xi32>
    %slice3A = vector.extract_strided_slice %shift_right_arithmetic3A_11 {offsets = [0, 0], sizes = [2048, 384], strides = [1, 1]} : vector<2048x768xi32> to vector<2048x384xi32>
    %and3A_12 = arith.constant 65535 : i32
    %and3A_13 = vector.broadcast %and3A_12 : i32 to vector<2048x384xi32>
    %and3A_14 = arith.andi %slice3A, %and3A_13 : vector<2048x384xi32>
    %slice3A_15 = vector.extract_strided_slice %shift_right_arithmetic3A_11 {offsets = [0, 384], sizes = [2048, 384], strides = [1, 1]} : vector<2048x768xi32> to vector<2048x384xi32>
    %shift_left3A = arith.constant 16 : i32
    %shift_left3A_16 = vector.broadcast %shift_left3A : i32 to vector<2048x384xi32>
    %shift_left3A_17 = arith.shli %slice3A_15, %shift_left3A_16 : vector<2048x384xi32>
    %or3A = arith.ori %and3A_14, %shift_left3A_17 : vector<2048x384xi32>
    %swap3A = arith.constant 0 : index
    %swap3A_18 = arith.constant 0 : index
    %swap3A_19 = vector.load %arg8[%swap3A, %swap3A_18] : memref<2048x384xi32, #tpu.memory_space<vmem>>, vector<2048x384xi32>
    tpu.vector_store %arg8[%swap3A, %swap3A_18], %or3A {strides = array<i32>} : memref<2048x384xi32, #tpu.memory_space<vmem>>, vector<2048x384xi32>,
    %get3A_20 = arith.constant 0 : index
    %get3A_21 = arith.constant 0 : index
    %get3A_22 = vector.load %arg1[%get3A_20, %get3A_21] : memref<768x8xf32, #tpu.memory_space<vmem>>, vector<768x8xf32>
    %dot_general3A = arith.constant dense<0.000000e+00> : vector<2048x8xf32>
    %dot_general3A_23 = tpu.matmul %get3A_1, %get3A_22, %dot_general3A {dimension_numbers = #tpu.dot_dimension_numbers<[1], [0], [0], [1], [0, 0, 1, 1], [], []>, transpose_lhs_hint = false} : vector<2048x768xf32>, vector<768x8xf32>, vector<2048x8xf32> -> vector<2048x8xf32>
    %reduce_max3A = arith.constant dense<0xFF800000> : vector<2048xf32>
    %reduce_max3A_24 = vector.multi_reduction <maximumf>, %dot_general3A_23, %reduce_max3A [1] : vector<2048x8xf32> to vector<2048xf32>
    %broadcast_in_dim3A = vector.shape_cast %reduce_max3A_24 : vector<2048xf32> to vector<2048x1xf32>
    %sub3A = vector.broadcast %broadcast_in_dim3A : vector<2048x1xf32> to vector<2048x8xf32>
    %sub3A_25 = arith.subf %dot_general3A_23, %sub3A : vector<2048x8xf32>
    %exp3A = math.exp %sub3A_25 : vector<2048x8xf32>
    %reduce_sum3A = arith.constant dense<0.000000e+00> : vector<2048xf32>
    %reduce_sum3A_26 = vector.multi_reduction <add>, %exp3A, %reduce_sum3A [1] : vector<2048x8xf32> to vector<2048xf32>
    %broadcast_in_dim3A_27 = vector.shape_cast %reduce_sum3A_26 : vector<2048xf32> to vector<2048x1xf32>
    %div3A = vector.broadcast %broadcast_in_dim3A_27 : vector<2048x1xf32> to vector<2048x8xf32>
    %div3A_28 = arith.divf %exp3A, %div3A : vector<2048x8xf32>
    %iota3A = tpu.iota {dimensions = array<i32: 1>} : vector<2048x8xi32>
    %reduce_max3A_29 = arith.constant dense<0xFF800000> : vector<2048xf32>
    %reduce_max3A_30 = vector.multi_reduction <maximumf>, %div3A_28, %reduce_max3A_29 [1] : vector<2048x8xf32> to vector<2048xf32>
    %broadcast_in_dim3A_31 = vector.shape_cast %reduce_max3A_30 : vector<2048xf32> to vector<2048x1xf32>
    %eq3A = vector.broadcast %broadcast_in_dim3A_31 : vector<2048x1xf32> to vector<2048x8xf32>
    %eq3A_32 = arith.cmpf oeq, %div3A_28, %eq3A : vector<2048x8xf32>
    %jit3A = arith.constant 1048576 : i32
    %broadcast_in_dim3A_33 = vector.broadcast %jit3A : i32 to vector<2048x8xi32>
    %select_n3A = arith.select %eq3A_32, %iota3A, %broadcast_in_dim3A_33 : vector<2048x8xi1>, vector<2048x8xi32>
    %reduce_min3A = arith.constant dense<2147483647> : vector<2048xi32>
    %reduce_min3A_34 = vector.multi_reduction <minsi>, %select_n3A, %reduce_min3A [1] : vector<2048x8xi32> to vector<2048xi32>
    %broadcast_in_dim3A_35 = vector.shape_cast %reduce_min3A_34 : vector<2048xi32> to vector<2048x1xi32>
    %eq3A_36 = vector.broadcast %broadcast_in_dim3A_35 : vector<2048x1xi32> to vector<2048x8xi32>
    %eq3A_37 = arith.cmpi eq, %iota3A, %eq3A_36 : vector<2048x8xi32>
    %jit3A_38 = arith.constant -1.000000e+00 : f32
    %broadcast_in_dim3A_39 = vector.broadcast %jit3A_38 : f32 to vector<2048x8xf32>
    %select_n3A_40 = arith.select %eq3A_37, %broadcast_in_dim3A_39, %div3A_28 : vector<2048x8xi1>, vector<2048x8xf32>
    %reduce_max3A_41 = arith.constant dense<0xFF800000> : vector<2048xf32>
    %reduce_max3A_42 = vector.multi_reduction <maximumf>, %select_n3A_40, %reduce_max3A_41 [1] : vector<2048x8xf32> to vector<2048xf32>
    %broadcast_in_dim3A_43 = vector.shape_cast %reduce_max3A_42 : vector<2048xf32> to vector<2048x1xf32>
    %eq3A_44 = vector.broadcast %broadcast_in_dim3A_43 : vector<2048x1xf32> to vector<2048x8xf32>
    %eq3A_45 = arith.cmpf oeq, %select_n3A_40, %eq3A_44 : vector<2048x8xf32>
    %jit3A_46 = arith.constant 1048576 : i32
    %broadcast_in_dim3A_47 = vector.broadcast %jit3A_46 : i32 to vector<2048x8xi32>
    %select_n3A_48 = arith.select %eq3A_45, %iota3A, %broadcast_in_dim3A_47 : vector<2048x8xi1>, vector<2048x8xi32>
    %reduce_min3A_49 = arith.constant dense<2147483647> : vector<2048xi32>
    %reduce_min3A_50 = vector.multi_reduction <minsi>, %select_n3A_48, %reduce_min3A_49 [1] : vector<2048x8xi32> to vector<2048xi32>
    %broadcast_in_dim3A_51 = vector.shape_cast %reduce_min3A_50 : vector<2048xi32> to vector<2048x1xi32>
    %add3A_52 = arith.addf %broadcast_in_dim3A_31, %broadcast_in_dim3A_43 : vector<2048x1xf32>
    %div3A_53 = arith.divf %broadcast_in_dim3A_31, %add3A_52 : vector<2048x1xf32>
    %swap3A_54 = arith.constant 0 : index
    %swap3A_55 = arith.constant 0 : index
    %swap3A_56 = vector.load %arg4[%swap3A_54, %swap3A_55] : memref<2048x1xf32, #tpu.memory_space<vmem>>, vector<2048x1xf32>
    tpu.vector_store %arg4[%swap3A_54, %swap3A_55], %div3A_53 {strides = array<i32>} : memref<2048x1xf32, #tpu.memory_space<vmem>>, vector<2048x1xf32>,
    %div3A_57 = arith.divf %broadcast_in_dim3A_43, %add3A_52 : vector<2048x1xf32>
    %swap3A_58 = arith.constant 0 : index
    %swap3A_59 = arith.constant 0 : index
    %swap3A_60 = vector.load %arg5[%swap3A_58, %swap3A_59] : memref<2048x1xf32, #tpu.memory_space<vmem>>, vector<2048x1xf32>
    tpu.vector_store %arg5[%swap3A_58, %swap3A_59], %div3A_57 {strides = array<i32>} : memref<2048x1xf32, #tpu.memory_space<vmem>>, vector<2048x1xf32>,
    %eq3A_61 = vector.broadcast %broadcast_in_dim3A_35 : vector<2048x1xi32> to vector<2048x8xi32>
    %eq3A_62 = arith.cmpi eq, %iota3A, %eq3A_61 : vector<2048x8xi32>
    %convert_element_type3A = arith.extui %eq3A_62 : vector<2048x8xi1> to vector<2048x8xi32>
    %convert_element_type3A_63 = arith.sitofp %convert_element_type3A : vector<2048x8xi32> to vector<2048x8xf32>
    %eq3A_64 = vector.broadcast %broadcast_in_dim3A_51 : vector<2048x1xi32> to vector<2048x8xi32>
    %eq3A_65 = arith.cmpi eq, %iota3A, %eq3A_64 : vector<2048x8xi32>
    %convert_element_type3A_66 = arith.extui %eq3A_65 : vector<2048x8xi1> to vector<2048x8xi32>
    %convert_element_type3A_67 = arith.sitofp %convert_element_type3A_66 : vector<2048x8xi32> to vector<2048x8xf32>
    %reduce_sum3A_68 = arith.constant dense<0.000000e+00> : vector<8xf32>
    %reduce_sum3A_69 = vector.multi_reduction <add>, %convert_element_type3A_63, %reduce_sum3A_68 [0] : vector<2048x8xf32> to vector<8xf32>
    %broadcast_in_dim3A_70 = vector.shape_cast %reduce_sum3A_69 : vector<8xf32> to vector<1x8xf32>
    %reduce_sum3A_71 = arith.constant dense<0.000000e+00> : vector<8xf32>
    %reduce_sum3A_72 = vector.multi_reduction <add>, %convert_element_type3A_67, %reduce_sum3A_71 [0] : vector<2048x8xf32> to vector<8xf32>
    %broadcast_in_dim3A_73 = vector.shape_cast %reduce_sum3A_72 : vector<8xf32> to vector<1x8xf32>
    %add3A_74 = arith.addf %broadcast_in_dim3A_70, %broadcast_in_dim3A_73 : vector<1x8xf32>
    %convert_element_type3A_75 = arith.fptosi %add3A_74 : vector<1x8xf32> to vector<1x8xi32>
    %add3A_76 = arith.constant 511 : i32
    %add3A_77 = vector.broadcast %add3A_76 : i32 to vector<1x8xi32>
    %add3A_78 = arith.addi %convert_element_type3A_75, %add3A_77 : vector<1x8xi32>
    %shift_right_arithmetic3A_79 = arith.constant 9 : i32
    %shift_right_arithmetic3A_80 = vector.broadcast %shift_right_arithmetic3A_79 : i32 to vector<1x8xi32>
    %shift_right_arithmetic3A_81 = arith.shrsi %add3A_78, %shift_right_arithmetic3A_80 : vector<1x8xi32>
    %convert_element_type3A_82 = arith.sitofp %shift_right_arithmetic3A_81 : vector<1x8xi32> to vector<1x8xf32>
    %iota3A_83 = tpu.iota {dimensions = array<i32: 0>} : vector<8x8xi32>
    %iota3A_84 = tpu.iota {dimensions = array<i32: 1>} : vector<8x8xi32>
    %lt3A = arith.cmpi slt, %iota3A_83, %iota3A_84 : vector<8x8xi32>
    %convert_element_type3A_85 = arith.extui %lt3A : vector<8x8xi1> to vector<8x8xi32>
    %convert_element_type3A_86 = arith.sitofp %convert_element_type3A_85 : vector<8x8xi32> to vector<8x8xf32>
    %dot_general3A_87 = arith.constant dense<0.000000e+00> : vector<1x8xf32>
    %dot_general3A_88 = tpu.matmul %convert_element_type3A_82, %convert_element_type3A_86, %dot_general3A_87 {dimension_numbers = #tpu.dot_dimension_numbers<[1], [0], [0], [1], [0, 0, 1, 1], [], []>, transpose_lhs_hint = false} : vector<1x8xf32>, vector<8x8xf32>, vector<1x8xf32> -> vector<1x8xf32>
    %slice3A_89 = vector.extract_strided_slice %dot_general3A_88 {offsets = [0, 7], sizes = [1, 1], strides = [1, 1]} : vector<1x8xf32> to vector<1x1xf32>
    %slice3A_90 = vector.extract_strided_slice %convert_element_type3A_82 {offsets = [0, 7], sizes = [1, 1], strides = [1, 1]} : vector<1x8xf32> to vector<1x1xf32>
    %add3A_91 = arith.addf %slice3A_89, %slice3A_90 : vector<1x1xf32>
    %mul3A = arith.constant 5.120000e+02 : f32
    %mul3A_92 = vector.broadcast %mul3A : f32 to vector<1x8xf32>
    %mul3A_93 = arith.mulf %dot_general3A_88, %mul3A_92 : vector<1x8xf32>
    %iota3A_94 = tpu.iota {dimensions = array<i32: 0>} : vector<256x256xi32>
    %iota3A_95 = tpu.iota {dimensions = array<i32: 1>} : vector<256x256xi32>
    %lt3A_96 = arith.cmpi slt, %iota3A_95, %iota3A_94 : vector<256x256xi32>
    %convert_element_type3A_97 = arith.extui %lt3A_96 : vector<256x256xi1> to vector<256x256xi32>
    %convert_element_type3A_98 = arith.sitofp %convert_element_type3A_97 : vector<256x256xi32> to vector<256x256xf32>
    %broadcast_in_dim3A_99 = arith.constant 0.000000e+00 : f32
    %broadcast_in_dim3A_100 = vector.broadcast %broadcast_in_dim3A_99 : f32 to vector<1x8xf32>
    %slice3A_101 = vector.extract_strided_slice %convert_element_type3A_63 {offsets = [0, 0], sizes = [256, 8], strides = [1, 1]} : vector<2048x8xf32> to vector<256x8xf32>
    %dot_general3A_102 = arith.constant dense<0.000000e+00> : vector<256x8xf32>
    %dot_general3A_103 = tpu.matmul %convert_element_type3A_98, %slice3A_101, %dot_general3A_102 {dimension_numbers = #tpu.dot_dimension_numbers<[1], [0], [0], [1], [0, 0, 1, 1], [], []>, transpose_lhs_hint = false} : vector<256x256xf32>, vector<256x8xf32>, vector<256x8xf32> -> vector<256x8xf32>
    %add3A_104 = vector.broadcast %broadcast_in_dim3A_100 : vector<1x8xf32> to vector<256x8xf32>
    %add3A_105 = arith.addf %dot_general3A_103, %add3A_104 : vector<256x8xf32>
    %add3A_106 = vector.broadcast %mul3A_93 : vector<1x8xf32> to vector<256x8xf32>
    %add3A_107 = arith.addf %add3A_106, %add3A_105 : vector<256x8xf32>
    %mul3A_108 = arith.mulf %slice3A_101, %add3A_107 : vector<256x8xf32>
    %reduce_sum3A_109 = arith.constant dense<0.000000e+00> : vector<256xf32>
    %reduce_sum3A_110 = vector.multi_reduction <add>, %mul3A_108, %reduce_sum3A_109 [1] : vector<256x8xf32> to vector<256xf32>
    %broadcast_in_dim3A_111 = vector.shape_cast %reduce_sum3A_110 : vector<256xf32> to vector<256x1xf32>
    %convert_element_type3A_112 = arith.fptosi %broadcast_in_dim3A_111 : vector<256x1xf32> to vector<256x1xi32>
    %swap3A_113 = arith.constant 0 : index
    %swap3A_114 = arith.constant 0 : index
    %swap3A_115 = vector.load %arg2[%swap3A_113, %swap3A_114] : memref<2048x1xi32, #tpu.memory_space<vmem>>, vector<256x1xi32>
    tpu.vector_store %arg2[%swap3A_113, %swap3A_114], %convert_element_type3A_112 {strides = array<i32>} : memref<2048x1xi32, #tpu.memory_space<vmem>>, vector<256x1xi32>,
    %reduce_sum3A_116 = arith.constant dense<0.000000e+00> : vector<8xf32>
    %reduce_sum3A_117 = vector.multi_reduction <add>, %slice3A_101, %reduce_sum3A_116 [0] : vector<256x8xf32> to vector<8xf32>
    %broadcast_in_dim3A_118 = vector.shape_cast %reduce_sum3A_117 : vector<8xf32> to vector<1x8xf32>
    %add3A_119 = arith.addf %broadcast_in_dim3A_100, %broadcast_in_dim3A_118 : vector<1x8xf32>
    %slice3A_120 = vector.extract_strided_slice %convert_element_type3A_63 {offsets = [256, 0], sizes = [256, 8], strides = [1, 1]} : vector<2048x8xf32> to vector<256x8xf32>
    %dot_general3A_121 = arith.constant dense<0.000000e+00> : vector<256x8xf32>
    %dot_general3A_122 = tpu.matmul %convert_element_type3A_98, %slice3A_120, %dot_general3A_121 {dimension_numbers = #tpu.dot_dimension_numbers<[1], [0], [0], [1], [0, 0, 1, 1], [], []>, transpose_lhs_hint = false} : vector<256x256xf32>, vector<256x8xf32>, vector<256x8xf32> -> vector<256x8xf32>
    %add3A_123 = vector.broadcast %add3A_119 : vector<1x8xf32> to vector<256x8xf32>
    %add3A_124 = arith.addf %dot_general3A_122, %add3A_123 : vector<256x8xf32>
    %add3A_125 = vector.broadcast %mul3A_93 : vector<1x8xf32> to vector<256x8xf32>
    %add3A_126 = arith.addf %add3A_125, %add3A_124 : vector<256x8xf32>
    %mul3A_127 = arith.mulf %slice3A_120, %add3A_126 : vector<256x8xf32>
    %reduce_sum3A_128 = arith.constant dense<0.000000e+00> : vector<256xf32>
    %reduce_sum3A_129 = vector.multi_reduction <add>, %mul3A_127, %reduce_sum3A_128 [1] : vector<256x8xf32> to vector<256xf32>
    %broadcast_in_dim3A_130 = vector.shape_cast %reduce_sum3A_129 : vector<256xf32> to vector<256x1xf32>
    %convert_element_type3A_131 = arith.fptosi %broadcast_in_dim3A_130 : vector<256x1xf32> to vector<256x1xi32>
    %swap3A_132 = arith.constant 256 : index
    %swap3A_133 = arith.constant 0 : index
    %swap3A_134 = vector.load %arg2[%swap3A_132, %swap3A_133] : memref<2048x1xi32, #tpu.memory_space<vmem>>, vector<256x1xi32>
    tpu.vector_store %arg2[%swap3A_132, %swap3A_133], %convert_element_type3A_131 {strides = array<i32>} : memref<2048x1xi32, #tpu.memory_space<vmem>>, vector<256x1xi32>,
    %reduce_sum3A_135 = arith.constant dense<0.000000e+00> : vector<8xf32>
    %reduce_sum3A_136 = vector.multi_reduction <add>, %slice3A_120, %reduce_sum3A_135 [0] : vector<256x8xf32> to vector<8xf32>
    %broadcast_in_dim3A_137 = vector.shape_cast %reduce_sum3A_136 : vector<8xf32> to vector<1x8xf32>
    %add3A_138 = arith.addf %add3A_119, %broadcast_in_dim3A_137 : vector<1x8xf32>
    %slice3A_139 = vector.extract_strided_slice %convert_element_type3A_63 {offsets = [512, 0], sizes = [256, 8], strides = [1, 1]} : vector<2048x8xf32> to vector<256x8xf32>
    %dot_general3A_140 = arith.constant dense<0.000000e+00> : vector<256x8xf32>
    %dot_general3A_141 = tpu.matmul %convert_element_type3A_98, %slice3A_139, %dot_general3A_140 {dimension_numbers = #tpu.dot_dimension_numbers<[1], [0], [0], [1], [0, 0, 1, 1], [], []>, transpose_lhs_hint = false} : vector<256x256xf32>, vector<256x8xf32>, vector<256x8xf32> -> vector<256x8xf32>
    %add3A_142 = vector.broadcast %add3A_138 : vector<1x8xf32> to vector<256x8xf32>
    %add3A_143 = arith.addf %dot_general3A_141, %add3A_142 : vector<256x8xf32>
    %add3A_144 = vector.broadcast %mul3A_93 : vector<1x8xf32> to vector<256x8xf32>
    %add3A_145 = arith.addf %add3A_144, %add3A_143 : vector<256x8xf32>
    %mul3A_146 = arith.mulf %slice3A_139, %add3A_145 : vector<256x8xf32>
    %reduce_sum3A_147 = arith.constant dense<0.000000e+00> : vector<256xf32>
    %reduce_sum3A_148 = vector.multi_reduction <add>, %mul3A_146, %reduce_sum3A_147 [1] : vector<256x8xf32> to vector<256xf32>
    %broadcast_in_dim3A_149 = vector.shape_cast %reduce_sum3A_148 : vector<256xf32> to vector<256x1xf32>
    %convert_element_type3A_150 = arith.fptosi %broadcast_in_dim3A_149 : vector<256x1xf32> to vector<256x1xi32>
    %swap3A_151 = arith.constant 512 : index
    %swap3A_152 = arith.constant 0 : index
    %swap3A_153 = vector.load %arg2[%swap3A_151, %swap3A_152] : memref<2048x1xi32, #tpu.memory_space<vmem>>, vector<256x1xi32>
    tpu.vector_store %arg2[%swap3A_151, %swap3A_152], %convert_element_type3A_150 {strides = array<i32>} : memref<2048x1xi32, #tpu.memory_space<vmem>>, vector<256x1xi32>,
    %reduce_sum3A_154 = arith.constant dense<0.000000e+00> : vector<8xf32>
    %reduce_sum3A_155 = vector.multi_reduction <add>, %slice3A_139, %reduce_sum3A_154 [0] : vector<256x8xf32> to vector<8xf32>
    %broadcast_in_dim3A_156 = vector.shape_cast %reduce_sum3A_155 : vector<8xf32> to vector<1x8xf32>
    %add3A_157 = arith.addf %add3A_138, %broadcast_in_dim3A_156 : vector<1x8xf32>
    %slice3A_158 = vector.extract_strided_slice %convert_element_type3A_63 {offsets = [768, 0], sizes = [256, 8], strides = [1, 1]} : vector<2048x8xf32> to vector<256x8xf32>
    %dot_general3A_159 = arith.constant dense<0.000000e+00> : vector<256x8xf32>
    %dot_general3A_160 = tpu.matmul %convert_element_type3A_98, %slice3A_158, %dot_general3A_159 {dimension_numbers = #tpu.dot_dimension_numbers<[1], [0], [0], [1], [0, 0, 1, 1], [], []>, transpose_lhs_hint = false} : vector<256x256xf32>, vector<256x8xf32>, vector<256x8xf32> -> vector<256x8xf32>
    %add3A_161 = vector.broadcast %add3A_157 : vector<1x8xf32> to vector<256x8xf32>
    %add3A_162 = arith.addf %dot_general3A_160, %add3A_161 : vector<256x8xf32>
    %add3A_163 = vector.broadcast %mul3A_93 : vector<1x8xf32> to vector<256x8xf32>
    %add3A_164 = arith.addf %add3A_163, %add3A_162 : vector<256x8xf32>
    %mul3A_165 = arith.mulf %slice3A_158, %add3A_164 : vector<256x8xf32>
    %reduce_sum3A_166 = arith.constant dense<0.000000e+00> : vector<256xf32>
    %reduce_sum3A_167 = vector.multi_reduction <add>, %mul3A_165, %reduce_sum3A_166 [1] : vector<256x8xf32> to vector<256xf32>
    %broadcast_in_dim3A_168 = vector.shape_cast %reduce_sum3A_167 : vector<256xf32> to vector<256x1xf32>
    %convert_element_type3A_169 = arith.fptosi %broadcast_in_dim3A_168 : vector<256x1xf32> to vector<256x1xi32>
    %swap3A_170 = arith.constant 768 : index
    %swap3A_171 = arith.constant 0 : index
    %swap3A_172 = vector.load %arg2[%swap3A_170, %swap3A_171] : memref<2048x1xi32, #tpu.memory_space<vmem>>, vector<256x1xi32>
    tpu.vector_store %arg2[%swap3A_170, %swap3A_171], %convert_element_type3A_169 {strides = array<i32>} : memref<2048x1xi32, #tpu.memory_space<vmem>>, vector<256x1xi32>,
    %reduce_sum3A_173 = arith.constant dense<0.000000e+00> : vector<8xf32>
    %reduce_sum3A_174 = vector.multi_reduction <add>, %slice3A_158, %reduce_sum3A_173 [0] : vector<256x8xf32> to vector<8xf32>
    %broadcast_in_dim3A_175 = vector.shape_cast %reduce_sum3A_174 : vector<8xf32> to vector<1x8xf32>
    %add3A_176 = arith.addf %add3A_157, %broadcast_in_dim3A_175 : vector<1x8xf32>
    %slice3A_177 = vector.extract_strided_slice %convert_element_type3A_63 {offsets = [1024, 0], sizes = [256, 8], strides = [1, 1]} : vector<2048x8xf32> to vector<256x8xf32>
    %dot_general3A_178 = arith.constant dense<0.000000e+00> : vector<256x8xf32>
    %dot_general3A_179 = tpu.matmul %convert_element_type3A_98, %slice3A_177, %dot_general3A_178 {dimension_numbers = #tpu.dot_dimension_numbers<[1], [0], [0], [1], [0, 0, 1, 1], [], []>, transpose_lhs_hint = false} : vector<256x256xf32>, vector<256x8xf32>, vector<256x8xf32> -> vector<256x8xf32>
    %add3A_180 = vector.broadcast %add3A_176 : vector<1x8xf32> to vector<256x8xf32>
    %add3A_181 = arith.addf %dot_general3A_179, %add3A_180 : vector<256x8xf32>
    %add3A_182 = vector.broadcast %mul3A_93 : vector<1x8xf32> to vector<256x8xf32>
    %add3A_183 = arith.addf %add3A_182, %add3A_181 : vector<256x8xf32>
    %mul3A_184 = arith.mulf %slice3A_177, %add3A_183 : vector<256x8xf32>
    %reduce_sum3A_185 = arith.constant dense<0.000000e+00> : vector<256xf32>
    %reduce_sum3A_186 = vector.multi_reduction <add>, %mul3A_184, %reduce_sum3A_185 [1] : vector<256x8xf32> to vector<256xf32>
    %broadcast_in_dim3A_187 = vector.shape_cast %reduce_sum3A_186 : vector<256xf32> to vector<256x1xf32>
    %convert_element_type3A_188 = arith.fptosi %broadcast_in_dim3A_187 : vector<256x1xf32> to vector<256x1xi32>
    %swap3A_189 = arith.constant 1024 : index
    %swap3A_190 = arith.constant 0 : index
    %swap3A_191 = vector.load %arg2[%swap3A_189, %swap3A_190] : memref<2048x1xi32, #tpu.memory_space<vmem>>, vector<256x1xi32>
    tpu.vector_store %arg2[%swap3A_189, %swap3A_190], %convert_element_type3A_188 {strides = array<i32>} : memref<2048x1xi32, #tpu.memory_space<vmem>>, vector<256x1xi32>,
    %reduce_sum3A_192 = arith.constant dense<0.000000e+00> : vector<8xf32>
    %reduce_sum3A_193 = vector.multi_reduction <add>, %slice3A_177, %reduce_sum3A_192 [0] : vector<256x8xf32> to vector<8xf32>
    %broadcast_in_dim3A_194 = vector.shape_cast %reduce_sum3A_193 : vector<8xf32> to vector<1x8xf32>
    %add3A_195 = arith.addf %add3A_176, %broadcast_in_dim3A_194 : vector<1x8xf32>
    %slice3A_196 = vector.extract_strided_slice %convert_element_type3A_63 {offsets = [1280, 0], sizes = [256, 8], strides = [1, 1]} : vector<2048x8xf32> to vector<256x8xf32>
    %dot_general3A_197 = arith.constant dense<0.000000e+00> : vector<256x8xf32>
    %dot_general3A_198 = tpu.matmul %convert_element_type3A_98, %slice3A_196, %dot_general3A_197 {dimension_numbers = #tpu.dot_dimension_numbers<[1], [0], [0], [1], [0, 0, 1, 1], [], []>, transpose_lhs_hint = false} : vector<256x256xf32>, vector<256x8xf32>, vector<256x8xf32> -> vector<256x8xf32>
    %add3A_199 = vector.broadcast %add3A_195 : vector<1x8xf32> to vector<256x8xf32>
    %add3A_200 = arith.addf %dot_general3A_198, %add3A_199 : vector<256x8xf32>
    %add3A_201 = vector.broadcast %mul3A_93 : vector<1x8xf32> to vector<256x8xf32>
    %add3A_202 = arith.addf %add3A_201, %add3A_200 : vector<256x8xf32>
    %mul3A_203 = arith.mulf %slice3A_196, %add3A_202 : vector<256x8xf32>
    %reduce_sum3A_204 = arith.constant dense<0.000000e+00> : vector<256xf32>
    %reduce_sum3A_205 = vector.multi_reduction <add>, %mul3A_203, %reduce_sum3A_204 [1] : vector<256x8xf32> to vector<256xf32>
    %broadcast_in_dim3A_206 = vector.shape_cast %reduce_sum3A_205 : vector<256xf32> to vector<256x1xf32>
    %convert_element_type3A_207 = arith.fptosi %broadcast_in_dim3A_206 : vector<256x1xf32> to vector<256x1xi32>
    %swap3A_208 = arith.constant 1280 : index
    %swap3A_209 = arith.constant 0 : index
    %swap3A_210 = vector.load %arg2[%swap3A_208, %swap3A_209] : memref<2048x1xi32, #tpu.memory_space<vmem>>, vector<256x1xi32>
    tpu.vector_store %arg2[%swap3A_208, %swap3A_209], %convert_element_type3A_207 {strides = array<i32>} : memref<2048x1xi32, #tpu.memory_space<vmem>>, vector<256x1xi32>,
    %reduce_sum3A_211 = arith.constant dense<0.000000e+00> : vector<8xf32>
    %reduce_sum3A_212 = vector.multi_reduction <add>, %slice3A_196, %reduce_sum3A_211 [0] : vector<256x8xf32> to vector<8xf32>
    %broadcast_in_dim3A_213 = vector.shape_cast %reduce_sum3A_212 : vector<8xf32> to vector<1x8xf32>
    %add3A_214 = arith.addf %add3A_195, %broadcast_in_dim3A_213 : vector<1x8xf32>
    %slice3A_215 = vector.extract_strided_slice %convert_element_type3A_63 {offsets = [1536, 0], sizes = [256, 8], strides = [1, 1]} : vector<2048x8xf32> to vector<256x8xf32>
    %dot_general3A_216 = arith.constant dense<0.000000e+00> : vector<256x8xf32>
    %dot_general3A_217 = tpu.matmul %convert_element_type3A_98, %slice3A_215, %dot_general3A_216 {dimension_numbers = #tpu.dot_dimension_numbers<[1], [0], [0], [1], [0, 0, 1, 1], [], []>, transpose_lhs_hint = false} : vector<256x256xf32>, vector<256x8xf32>, vector<256x8xf32> -> vector<256x8xf32>
    %add3A_218 = vector.broadcast %add3A_214 : vector<1x8xf32> to vector<256x8xf32>
    %add3A_219 = arith.addf %dot_general3A_217, %add3A_218 : vector<256x8xf32>
    %add3A_220 = vector.broadcast %mul3A_93 : vector<1x8xf32> to vector<256x8xf32>
    %add3A_221 = arith.addf %add3A_220, %add3A_219 : vector<256x8xf32>
    %mul3A_222 = arith.mulf %slice3A_215, %add3A_221 : vector<256x8xf32>
    %reduce_sum3A_223 = arith.constant dense<0.000000e+00> : vector<256xf32>
    %reduce_sum3A_224 = vector.multi_reduction <add>, %mul3A_222, %reduce_sum3A_223 [1] : vector<256x8xf32> to vector<256xf32>
    %broadcast_in_dim3A_225 = vector.shape_cast %reduce_sum3A_224 : vector<256xf32> to vector<256x1xf32>
    %convert_element_type3A_226 = arith.fptosi %broadcast_in_dim3A_225 : vector<256x1xf32> to vector<256x1xi32>
    %swap3A_227 = arith.constant 1536 : index
    %swap3A_228 = arith.constant 0 : index
    %swap3A_229 = vector.load %arg2[%swap3A_227, %swap3A_228] : memref<2048x1xi32, #tpu.memory_space<vmem>>, vector<256x1xi32>
    tpu.vector_store %arg2[%swap3A_227, %swap3A_228], %convert_element_type3A_226 {strides = array<i32>} : memref<2048x1xi32, #tpu.memory_space<vmem>>, vector<256x1xi32>,
    %reduce_sum3A_230 = arith.constant dense<0.000000e+00> : vector<8xf32>
    %reduce_sum3A_231 = vector.multi_reduction <add>, %slice3A_215, %reduce_sum3A_230 [0] : vector<256x8xf32> to vector<8xf32>
    %broadcast_in_dim3A_232 = vector.shape_cast %reduce_sum3A_231 : vector<8xf32> to vector<1x8xf32>
    %add3A_233 = arith.addf %add3A_214, %broadcast_in_dim3A_232 : vector<1x8xf32>
    %slice3A_234 = vector.extract_strided_slice %convert_element_type3A_63 {offsets = [1792, 0], sizes = [256, 8], strides = [1, 1]} : vector<2048x8xf32> to vector<256x8xf32>
    %dot_general3A_235 = arith.constant dense<0.000000e+00> : vector<256x8xf32>
    %dot_general3A_236 = tpu.matmul %convert_element_type3A_98, %slice3A_234, %dot_general3A_235 {dimension_numbers = #tpu.dot_dimension_numbers<[1], [0], [0], [1], [0, 0, 1, 1], [], []>, transpose_lhs_hint = false} : vector<256x256xf32>, vector<256x8xf32>, vector<256x8xf32> -> vector<256x8xf32>
    %add3A_237 = vector.broadcast %add3A_233 : vector<1x8xf32> to vector<256x8xf32>
    %add3A_238 = arith.addf %dot_general3A_236, %add3A_237 : vector<256x8xf32>
    %add3A_239 = vector.broadcast %mul3A_93 : vector<1x8xf32> to vector<256x8xf32>
    %add3A_240 = arith.addf %add3A_239, %add3A_238 : vector<256x8xf32>
    %mul3A_241 = arith.mulf %slice3A_234, %add3A_240 : vector<256x8xf32>
    %reduce_sum3A_242 = arith.constant dense<0.000000e+00> : vector<256xf32>
    %reduce_sum3A_243 = vector.multi_reduction <add>, %mul3A_241, %reduce_sum3A_242 [1] : vector<256x8xf32> to vector<256xf32>
    %broadcast_in_dim3A_244 = vector.shape_cast %reduce_sum3A_243 : vector<256xf32> to vector<256x1xf32>
    %convert_element_type3A_245 = arith.fptosi %broadcast_in_dim3A_244 : vector<256x1xf32> to vector<256x1xi32>
    %swap3A_246 = arith.constant 1792 : index
    %swap3A_247 = arith.constant 0 : index
    %swap3A_248 = vector.load %arg2[%swap3A_246, %swap3A_247] : memref<2048x1xi32, #tpu.memory_space<vmem>>, vector<256x1xi32>
    tpu.vector_store %arg2[%swap3A_246, %swap3A_247], %convert_element_type3A_245 {strides = array<i32>} : memref<2048x1xi32, #tpu.memory_space<vmem>>, vector<256x1xi32>,
    %reduce_sum3A_249 = arith.constant dense<0.000000e+00> : vector<8xf32>
    %reduce_sum3A_250 = vector.multi_reduction <add>, %slice3A_234, %reduce_sum3A_249 [0] : vector<256x8xf32> to vector<8xf32>
    %broadcast_in_dim3A_251 = vector.shape_cast %reduce_sum3A_250 : vector<8xf32> to vector<1x8xf32>
    %add3A_252 = arith.addf %add3A_233, %broadcast_in_dim3A_251 : vector<1x8xf32>
    %slice3A_253 = vector.extract_strided_slice %convert_element_type3A_67 {offsets = [0, 0], sizes = [256, 8], strides = [1, 1]} : vector<2048x8xf32> to vector<256x8xf32>
    %dot_general3A_254 = arith.constant dense<0.000000e+00> : vector<256x8xf32>
    %dot_general3A_255 = tpu.matmul %convert_element_type3A_98, %slice3A_253, %dot_general3A_254 {dimension_numbers = #tpu.dot_dimension_numbers<[1], [0], [0], [1], [0, 0, 1, 1], [], []>, transpose_lhs_hint = false} : vector<256x256xf32>, vector<256x8xf32>, vector<256x8xf32> -> vector<256x8xf32>
    %add3A_256 = vector.broadcast %add3A_252 : vector<1x8xf32> to vector<256x8xf32>
    %add3A_257 = arith.addf %dot_general3A_255, %add3A_256 : vector<256x8xf32>
    %add3A_258 = vector.broadcast %mul3A_93 : vector<1x8xf32> to vector<256x8xf32>
    %add3A_259 = arith.addf %add3A_258, %add3A_257 : vector<256x8xf32>
    %mul3A_260 = arith.mulf %slice3A_253, %add3A_259 : vector<256x8xf32>
    %reduce_sum3A_261 = arith.constant dense<0.000000e+00> : vector<256xf32>
    %reduce_sum3A_262 = vector.multi_reduction <add>, %mul3A_260, %reduce_sum3A_261 [1] : vector<256x8xf32> to vector<256xf32>
    %broadcast_in_dim3A_263 = vector.shape_cast %reduce_sum3A_262 : vector<256xf32> to vector<256x1xf32>
    %convert_element_type3A_264 = arith.fptosi %broadcast_in_dim3A_263 : vector<256x1xf32> to vector<256x1xi32>
    %swap3A_265 = arith.constant 0 : index
    %swap3A_266 = arith.constant 0 : index
    %swap3A_267 = vector.load %arg3[%swap3A_265, %swap3A_266] : memref<2048x1xi32, #tpu.memory_space<vmem>>, vector<256x1xi32>
    tpu.vector_store %arg3[%swap3A_265, %swap3A_266], %convert_element_type3A_264 {strides = array<i32>} : memref<2048x1xi32, #tpu.memory_space<vmem>>, vector<256x1xi32>,
    %reduce_sum3A_268 = arith.constant dense<0.000000e+00> : vector<8xf32>
    %reduce_sum3A_269 = vector.multi_reduction <add>, %slice3A_253, %reduce_sum3A_268 [0] : vector<256x8xf32> to vector<8xf32>
    %broadcast_in_dim3A_270 = vector.shape_cast %reduce_sum3A_269 : vector<8xf32> to vector<1x8xf32>
    %add3A_271 = arith.addf %add3A_252, %broadcast_in_dim3A_270 : vector<1x8xf32>
    %slice3A_272 = vector.extract_strided_slice %convert_element_type3A_67 {offsets = [256, 0], sizes = [256, 8], strides = [1, 1]} : vector<2048x8xf32> to vector<256x8xf32>
    %dot_general3A_273 = arith.constant dense<0.000000e+00> : vector<256x8xf32>
    %dot_general3A_274 = tpu.matmul %convert_element_type3A_98, %slice3A_272, %dot_general3A_273 {dimension_numbers = #tpu.dot_dimension_numbers<[1], [0], [0], [1], [0, 0, 1, 1], [], []>, transpose_lhs_hint = false} : vector<256x256xf32>, vector<256x8xf32>, vector<256x8xf32> -> vector<256x8xf32>
    %add3A_275 = vector.broadcast %add3A_271 : vector<1x8xf32> to vector<256x8xf32>
    %add3A_276 = arith.addf %dot_general3A_274, %add3A_275 : vector<256x8xf32>
    %add3A_277 = vector.broadcast %mul3A_93 : vector<1x8xf32> to vector<256x8xf32>
    %add3A_278 = arith.addf %add3A_277, %add3A_276 : vector<256x8xf32>
    %mul3A_279 = arith.mulf %slice3A_272, %add3A_278 : vector<256x8xf32>
    %reduce_sum3A_280 = arith.constant dense<0.000000e+00> : vector<256xf32>
    %reduce_sum3A_281 = vector.multi_reduction <add>, %mul3A_279, %reduce_sum3A_280 [1] : vector<256x8xf32> to vector<256xf32>
    %broadcast_in_dim3A_282 = vector.shape_cast %reduce_sum3A_281 : vector<256xf32> to vector<256x1xf32>
    %convert_element_type3A_283 = arith.fptosi %broadcast_in_dim3A_282 : vector<256x1xf32> to vector<256x1xi32>
    %swap3A_284 = arith.constant 256 : index
    %swap3A_285 = arith.constant 0 : index
    %swap3A_286 = vector.load %arg3[%swap3A_284, %swap3A_285] : memref<2048x1xi32, #tpu.memory_space<vmem>>, vector<256x1xi32>
    tpu.vector_store %arg3[%swap3A_284, %swap3A_285], %convert_element_type3A_283 {strides = array<i32>} : memref<2048x1xi32, #tpu.memory_space<vmem>>, vector<256x1xi32>,
    %reduce_sum3A_287 = arith.constant dense<0.000000e+00> : vector<8xf32>
    %reduce_sum3A_288 = vector.multi_reduction <add>, %slice3A_272, %reduce_sum3A_287 [0] : vector<256x8xf32> to vector<8xf32>
    %broadcast_in_dim3A_289 = vector.shape_cast %reduce_sum3A_288 : vector<8xf32> to vector<1x8xf32>
    %add3A_290 = arith.addf %add3A_271, %broadcast_in_dim3A_289 : vector<1x8xf32>
    %slice3A_291 = vector.extract_strided_slice %convert_element_type3A_67 {offsets = [512, 0], sizes = [256, 8], strides = [1, 1]} : vector<2048x8xf32> to vector<256x8xf32>
    %dot_general3A_292 = arith.constant dense<0.000000e+00> : vector<256x8xf32>
    %dot_general3A_293 = tpu.matmul %convert_element_type3A_98, %slice3A_291, %dot_general3A_292 {dimension_numbers = #tpu.dot_dimension_numbers<[1], [0], [0], [1], [0, 0, 1, 1], [], []>, transpose_lhs_hint = false} : vector<256x256xf32>, vector<256x8xf32>, vector<256x8xf32> -> vector<256x8xf32>
    %add3A_294 = vector.broadcast %add3A_290 : vector<1x8xf32> to vector<256x8xf32>
    %add3A_295 = arith.addf %dot_general3A_293, %add3A_294 : vector<256x8xf32>
    %add3A_296 = vector.broadcast %mul3A_93 : vector<1x8xf32> to vector<256x8xf32>
    %add3A_297 = arith.addf %add3A_296, %add3A_295 : vector<256x8xf32>
    %mul3A_298 = arith.mulf %slice3A_291, %add3A_297 : vector<256x8xf32>
    %reduce_sum3A_299 = arith.constant dense<0.000000e+00> : vector<256xf32>
    %reduce_sum3A_300 = vector.multi_reduction <add>, %mul3A_298, %reduce_sum3A_299 [1] : vector<256x8xf32> to vector<256xf32>
    %broadcast_in_dim3A_301 = vector.shape_cast %reduce_sum3A_300 : vector<256xf32> to vector<256x1xf32>
    %convert_element_type3A_302 = arith.fptosi %broadcast_in_dim3A_301 : vector<256x1xf32> to vector<256x1xi32>
    %swap3A_303 = arith.constant 512 : index
    %swap3A_304 = arith.constant 0 : index
    %swap3A_305 = vector.load %arg3[%swap3A_303, %swap3A_304] : memref<2048x1xi32, #tpu.memory_space<vmem>>, vector<256x1xi32>
    tpu.vector_store %arg3[%swap3A_303, %swap3A_304], %convert_element_type3A_302 {strides = array<i32>} : memref<2048x1xi32, #tpu.memory_space<vmem>>, vector<256x1xi32>,
    %reduce_sum3A_306 = arith.constant dense<0.000000e+00> : vector<8xf32>
    %reduce_sum3A_307 = vector.multi_reduction <add>, %slice3A_291, %reduce_sum3A_306 [0] : vector<256x8xf32> to vector<8xf32>
    %broadcast_in_dim3A_308 = vector.shape_cast %reduce_sum3A_307 : vector<8xf32> to vector<1x8xf32>
    %add3A_309 = arith.addf %add3A_290, %broadcast_in_dim3A_308 : vector<1x8xf32>
    %slice3A_310 = vector.extract_strided_slice %convert_element_type3A_67 {offsets = [768, 0], sizes = [256, 8], strides = [1, 1]} : vector<2048x8xf32> to vector<256x8xf32>
    %dot_general3A_311 = arith.constant dense<0.000000e+00> : vector<256x8xf32>
    %dot_general3A_312 = tpu.matmul %convert_element_type3A_98, %slice3A_310, %dot_general3A_311 {dimension_numbers = #tpu.dot_dimension_numbers<[1], [0], [0], [1], [0, 0, 1, 1], [], []>, transpose_lhs_hint = false} : vector<256x256xf32>, vector<256x8xf32>, vector<256x8xf32> -> vector<256x8xf32>
    %add3A_313 = vector.broadcast %add3A_309 : vector<1x8xf32> to vector<256x8xf32>
    %add3A_314 = arith.addf %dot_general3A_312, %add3A_313 : vector<256x8xf32>
    %add3A_315 = vector.broadcast %mul3A_93 : vector<1x8xf32> to vector<256x8xf32>
    %add3A_316 = arith.addf %add3A_315, %add3A_314 : vector<256x8xf32>
    %mul3A_317 = arith.mulf %slice3A_310, %add3A_316 : vector<256x8xf32>
    %reduce_sum3A_318 = arith.constant dense<0.000000e+00> : vector<256xf32>
    %reduce_sum3A_319 = vector.multi_reduction <add>, %mul3A_317, %reduce_sum3A_318 [1] : vector<256x8xf32> to vector<256xf32>
    %broadcast_in_dim3A_320 = vector.shape_cast %reduce_sum3A_319 : vector<256xf32> to vector<256x1xf32>
    %convert_element_type3A_321 = arith.fptosi %broadcast_in_dim3A_320 : vector<256x1xf32> to vector<256x1xi32>
    %swap3A_322 = arith.constant 768 : index
    %swap3A_323 = arith.constant 0 : index
    %swap3A_324 = vector.load %arg3[%swap3A_322, %swap3A_323] : memref<2048x1xi32, #tpu.memory_space<vmem>>, vector<256x1xi32>
    tpu.vector_store %arg3[%swap3A_322, %swap3A_323], %convert_element_type3A_321 {strides = array<i32>} : memref<2048x1xi32, #tpu.memory_space<vmem>>, vector<256x1xi32>,
    %reduce_sum3A_325 = arith.constant dense<0.000000e+00> : vector<8xf32>
    %reduce_sum3A_326 = vector.multi_reduction <add>, %slice3A_310, %reduce_sum3A_325 [0] : vector<256x8xf32> to vector<8xf32>
    %broadcast_in_dim3A_327 = vector.shape_cast %reduce_sum3A_326 : vector<8xf32> to vector<1x8xf32>
    %add3A_328 = arith.addf %add3A_309, %broadcast_in_dim3A_327 : vector<1x8xf32>
    %slice3A_329 = vector.extract_strided_slice %convert_element_type3A_67 {offsets = [1024, 0], sizes = [256, 8], strides = [1, 1]} : vector<2048x8xf32> to vector<256x8xf32>
    %dot_general3A_330 = arith.constant dense<0.000000e+00> : vector<256x8xf32>
    %dot_general3A_331 = tpu.matmul %convert_element_type3A_98, %slice3A_329, %dot_general3A_330 {dimension_numbers = #tpu.dot_dimension_numbers<[1], [0], [0], [1], [0, 0, 1, 1], [], []>, transpose_lhs_hint = false} : vector<256x256xf32>, vector<256x8xf32>, vector<256x8xf32> -> vector<256x8xf32>
    %add3A_332 = vector.broadcast %add3A_328 : vector<1x8xf32> to vector<256x8xf32>
    %add3A_333 = arith.addf %dot_general3A_331, %add3A_332 : vector<256x8xf32>
    %add3A_334 = vector.broadcast %mul3A_93 : vector<1x8xf32> to vector<256x8xf32>
    %add3A_335 = arith.addf %add3A_334, %add3A_333 : vector<256x8xf32>
    %mul3A_336 = arith.mulf %slice3A_329, %add3A_335 : vector<256x8xf32>
    %reduce_sum3A_337 = arith.constant dense<0.000000e+00> : vector<256xf32>
    %reduce_sum3A_338 = vector.multi_reduction <add>, %mul3A_336, %reduce_sum3A_337 [1] : vector<256x8xf32> to vector<256xf32>
    %broadcast_in_dim3A_339 = vector.shape_cast %reduce_sum3A_338 : vector<256xf32> to vector<256x1xf32>
    %convert_element_type3A_340 = arith.fptosi %broadcast_in_dim3A_339 : vector<256x1xf32> to vector<256x1xi32>
    %swap3A_341 = arith.constant 1024 : index
    %swap3A_342 = arith.constant 0 : index
    %swap3A_343 = vector.load %arg3[%swap3A_341, %swap3A_342] : memref<2048x1xi32, #tpu.memory_space<vmem>>, vector<256x1xi32>
    tpu.vector_store %arg3[%swap3A_341, %swap3A_342], %convert_element_type3A_340 {strides = array<i32>} : memref<2048x1xi32, #tpu.memory_space<vmem>>, vector<256x1xi32>,
    %reduce_sum3A_344 = arith.constant dense<0.000000e+00> : vector<8xf32>
    %reduce_sum3A_345 = vector.multi_reduction <add>, %slice3A_329, %reduce_sum3A_344 [0] : vector<256x8xf32> to vector<8xf32>
    %broadcast_in_dim3A_346 = vector.shape_cast %reduce_sum3A_345 : vector<8xf32> to vector<1x8xf32>
    %add3A_347 = arith.addf %add3A_328, %broadcast_in_dim3A_346 : vector<1x8xf32>
    %slice3A_348 = vector.extract_strided_slice %convert_element_type3A_67 {offsets = [1280, 0], sizes = [256, 8], strides = [1, 1]} : vector<2048x8xf32> to vector<256x8xf32>
    %dot_general3A_349 = arith.constant dense<0.000000e+00> : vector<256x8xf32>
    %dot_general3A_350 = tpu.matmul %convert_element_type3A_98, %slice3A_348, %dot_general3A_349 {dimension_numbers = #tpu.dot_dimension_numbers<[1], [0], [0], [1], [0, 0, 1, 1], [], []>, transpose_lhs_hint = false} : vector<256x256xf32>, vector<256x8xf32>, vector<256x8xf32> -> vector<256x8xf32>
    %add3A_351 = vector.broadcast %add3A_347 : vector<1x8xf32> to vector<256x8xf32>
    %add3A_352 = arith.addf %dot_general3A_350, %add3A_351 : vector<256x8xf32>
    %add3A_353 = vector.broadcast %mul3A_93 : vector<1x8xf32> to vector<256x8xf32>
    %add3A_354 = arith.addf %add3A_353, %add3A_352 : vector<256x8xf32>
    %mul3A_355 = arith.mulf %slice3A_348, %add3A_354 : vector<256x8xf32>
    %reduce_sum3A_356 = arith.constant dense<0.000000e+00> : vector<256xf32>
    %reduce_sum3A_357 = vector.multi_reduction <add>, %mul3A_355, %reduce_sum3A_356 [1] : vector<256x8xf32> to vector<256xf32>
    %broadcast_in_dim3A_358 = vector.shape_cast %reduce_sum3A_357 : vector<256xf32> to vector<256x1xf32>
    %convert_element_type3A_359 = arith.fptosi %broadcast_in_dim3A_358 : vector<256x1xf32> to vector<256x1xi32>
    %swap3A_360 = arith.constant 1280 : index
    %swap3A_361 = arith.constant 0 : index
    %swap3A_362 = vector.load %arg3[%swap3A_360, %swap3A_361] : memref<2048x1xi32, #tpu.memory_space<vmem>>, vector<256x1xi32>
    tpu.vector_store %arg3[%swap3A_360, %swap3A_361], %convert_element_type3A_359 {strides = array<i32>} : memref<2048x1xi32, #tpu.memory_space<vmem>>, vector<256x1xi32>,
    %reduce_sum3A_363 = arith.constant dense<0.000000e+00> : vector<8xf32>
    %reduce_sum3A_364 = vector.multi_reduction <add>, %slice3A_348, %reduce_sum3A_363 [0] : vector<256x8xf32> to vector<8xf32>
    %broadcast_in_dim3A_365 = vector.shape_cast %reduce_sum3A_364 : vector<8xf32> to vector<1x8xf32>
    %add3A_366 = arith.addf %add3A_347, %broadcast_in_dim3A_365 : vector<1x8xf32>
    %slice3A_367 = vector.extract_strided_slice %convert_element_type3A_67 {offsets = [1536, 0], sizes = [256, 8], strides = [1, 1]} : vector<2048x8xf32> to vector<256x8xf32>
    %dot_general3A_368 = arith.constant dense<0.000000e+00> : vector<256x8xf32>
    %dot_general3A_369 = tpu.matmul %convert_element_type3A_98, %slice3A_367, %dot_general3A_368 {dimension_numbers = #tpu.dot_dimension_numbers<[1], [0], [0], [1], [0, 0, 1, 1], [], []>, transpose_lhs_hint = false} : vector<256x256xf32>, vector<256x8xf32>, vector<256x8xf32> -> vector<256x8xf32>
    %add3A_370 = vector.broadcast %add3A_366 : vector<1x8xf32> to vector<256x8xf32>
    %add3A_371 = arith.addf %dot_general3A_369, %add3A_370 : vector<256x8xf32>
    %add3A_372 = vector.broadcast %mul3A_93 : vector<1x8xf32> to vector<256x8xf32>
    %add3A_373 = arith.addf %add3A_372, %add3A_371 : vector<256x8xf32>
    %mul3A_374 = arith.mulf %slice3A_367, %add3A_373 : vector<256x8xf32>
    %reduce_sum3A_375 = arith.constant dense<0.000000e+00> : vector<256xf32>
    %reduce_sum3A_376 = vector.multi_reduction <add>, %mul3A_374, %reduce_sum3A_375 [1] : vector<256x8xf32> to vector<256xf32>
    %broadcast_in_dim3A_377 = vector.shape_cast %reduce_sum3A_376 : vector<256xf32> to vector<256x1xf32>
    %convert_element_type3A_378 = arith.fptosi %broadcast_in_dim3A_377 : vector<256x1xf32> to vector<256x1xi32>
    %swap3A_379 = arith.constant 1536 : index
    %swap3A_380 = arith.constant 0 : index
    %swap3A_381 = vector.load %arg3[%swap3A_379, %swap3A_380] : memref<2048x1xi32, #tpu.memory_space<vmem>>, vector<256x1xi32>
    tpu.vector_store %arg3[%swap3A_379, %swap3A_380], %convert_element_type3A_378 {strides = array<i32>} : memref<2048x1xi32, #tpu.memory_space<vmem>>, vector<256x1xi32>,
    %reduce_sum3A_382 = arith.constant dense<0.000000e+00> : vector<8xf32>
    %reduce_sum3A_383 = vector.multi_reduction <add>, %slice3A_367, %reduce_sum3A_382 [0] : vector<256x8xf32> to vector<8xf32>
    %broadcast_in_dim3A_384 = vector.shape_cast %reduce_sum3A_383 : vector<8xf32> to vector<1x8xf32>
    %add3A_385 = arith.addf %add3A_366, %broadcast_in_dim3A_384 : vector<1x8xf32>
    %slice3A_386 = vector.extract_strided_slice %convert_element_type3A_67 {offsets = [1792, 0], sizes = [256, 8], strides = [1, 1]} : vector<2048x8xf32> to vector<256x8xf32>
    %dot_general3A_387 = arith.constant dense<0.000000e+00> : vector<256x8xf32>
    %dot_general3A_388 = tpu.matmul %convert_element_type3A_98, %slice3A_386, %dot_general3A_387 {dimension_numbers = #tpu.dot_dimension_numbers<[1], [0], [0], [1], [0, 0, 1, 1], [], []>, transpose_lhs_hint = false} : vector<256x256xf32>, vector<256x8xf32>, vector<256x8xf32> -> vector<256x8xf32>
    %add3A_389 = vector.broadcast %add3A_385 : vector<1x8xf32> to vector<256x8xf32>
    %add3A_390 = arith.addf %dot_general3A_388, %add3A_389 : vector<256x8xf32>
    %add3A_391 = vector.broadcast %mul3A_93 : vector<1x8xf32> to vector<256x8xf32>
    %add3A_392 = arith.addf %add3A_391, %add3A_390 : vector<256x8xf32>
    %mul3A_393 = arith.mulf %slice3A_386, %add3A_392 : vector<256x8xf32>
    %reduce_sum3A_394 = arith.constant dense<0.000000e+00> : vector<256xf32>
    %reduce_sum3A_395 = vector.multi_reduction <add>, %mul3A_393, %reduce_sum3A_394 [1] : vector<256x8xf32> to vector<256xf32>
    %broadcast_in_dim3A_396 = vector.shape_cast %reduce_sum3A_395 : vector<256xf32> to vector<256x1xf32>
    %convert_element_type3A_397 = arith.fptosi %broadcast_in_dim3A_396 : vector<256x1xf32> to vector<256x1xi32>
    %swap3A_398 = arith.constant 1792 : index
    %swap3A_399 = arith.constant 0 : index
    %swap3A_400 = vector.load %arg3[%swap3A_398, %swap3A_399] : memref<2048x1xi32, #tpu.memory_space<vmem>>, vector<256x1xi32>
    tpu.vector_store %arg3[%swap3A_398, %swap3A_399], %convert_element_type3A_397 {strides = array<i32>} : memref<2048x1xi32, #tpu.memory_space<vmem>>, vector<256x1xi32>,
    %iota3A_401 = tpu.iota {dimensions = array<i32: 0>} : vector<16x8xi32>
    %convert_element_type3A_402 = arith.sitofp %iota3A_401 : vector<16x8xi32> to vector<16x8xf32>
    %sub3A_403 = arith.constant 1.000000e+00 : f32
    %sub3A_404 = vector.broadcast %sub3A_403 : f32 to vector<1x1xf32>
    %sub3A_405 = arith.subf %add3A_91, %sub3A_404 : vector<1x1xf32>
    %min3A = vector.broadcast %sub3A_405 : vector<1x1xf32> to vector<16x8xf32>
    %min3A_406 = arith.minimumf %convert_element_type3A_402, %min3A : vector<16x8xf32>
    %le3A = vector.broadcast %dot_general3A_88 : vector<1x8xf32> to vector<16x8xf32>
    %le3A_407 = arith.cmpf ole, %le3A, %min3A_406 : vector<16x8xf32>
    %convert_element_type3A_408 = arith.extui %le3A_407 : vector<16x8xi1> to vector<16x8xi32>
    %reduce_sum3A_409 = arith.constant dense<0> : vector<16xi32>
    %reduce_sum3A_410 = vector.multi_reduction <add>, %convert_element_type3A_408, %reduce_sum3A_409 [1] : vector<16x8xi32> to vector<16xi32>
    %broadcast_in_dim3A_411 = vector.shape_cast %reduce_sum3A_410 : vector<16xi32> to vector<16x1xi32>
    %sub3A_412 = arith.constant 1 : i32
    %sub3A_413 = vector.broadcast %sub3A_412 : i32 to vector<16x1xi32>
    %sub3A_414 = arith.subi %broadcast_in_dim3A_411, %sub3A_413 : vector<16x1xi32>
    %swap3A_415 = arith.constant 0 : index
    %swap3A_416 = arith.constant 0 : index
    %swap3A_417 = vector.load %arg6[%swap3A_415, %swap3A_416] : memref<16x1xi32, #tpu.memory_space<vmem>>, vector<16x1xi32>
    tpu.vector_store %arg6[%swap3A_415, %swap3A_416], %sub3A_414 {strides = array<i32>} : memref<16x1xi32, #tpu.memory_space<vmem>>, vector<16x1xi32>,
    %convert_element_type3A_418 = arith.fptosi %add3A_91 : vector<1x1xf32> to vector<1x1xi32>
    %swap3A_419 = arith.constant 0 : index
    %swap3A_420 = arith.constant 0 : index
    %swap3A_421 = vector.load %arg7[%swap3A_419, %swap3A_420] : memref<1x1xi32, #tpu.memory_space<vmem>>, vector<1x1xi32>
    tpu.vector_store %arg7[%swap3A_419, %swap3A_420], %convert_element_type3A_418 {strides = array<i32>} : memref<1x1xi32, #tpu.memory_space<vmem>>, vector<1x1xi32>,
    return
  }
}

module attributes {stable_mosaic.version = 14 : i64} {
  func.func @_expert_body(%arg0: i32, %arg1: memref<16xi32, #tpu.memory_space<smem>>, %arg2: memref<1xi32, #tpu.memory_space<smem>>, %arg3: memref<512x384xi32, #tpu.memory_space<vmem>>, %arg4: memref<1x768x2048xf32, #tpu.memory_space<vmem>>, %arg5: memref<1x768x2048xf32, #tpu.memory_space<vmem>>, %arg6: memref<1x2048x768xf32, #tpu.memory_space<vmem>>, %arg7: memref<512x768xf32, #tpu.memory_space<vmem>>) attributes {dimension_semantics = [#tpu.dimension_semantics<arbitrary>], iteration_bounds = array<i64: 16>, scalar_prefetch = 2 : i64, scratch_operands = 0 : i64, tpu.core_type = #tpu.core_type<tc>, window_params = [{transform_indices = @transform_0, window_bounds = array<i64: 512, 384>}, {transform_indices = @transform_1, window_bounds = array<i64: 1, 768, 2048>}, {transform_indices = @transform_2, window_bounds = array<i64: 1, 768, 2048>}, {transform_indices = @transform_3, window_bounds = array<i64: 1, 2048, 768>}, {transform_indices = @transform_4, window_bounds = array<i64: 512, 768>}]} {
    %get3A = arith.constant 0 : index
    %get3A_0 = memref.load %arg2[%get3A] : memref<1xi32, #tpu.memory_space<smem>>
    %lt3A = arith.cmpi slt, %arg0, %get3A_0 : i32
    %convert_element_type3A = arith.extui %lt3A : i1 to i32
    %cond3A = arith.constant 0 : i32
    %cond3A_1 = arith.cmpi ne, %convert_element_type3A, %cond3A : i32
    scf.if %cond3A_1 {
      %get3A_2 = arith.constant 0 : index
      %get3A_3 = arith.constant 0 : index
      %get3A_4 = arith.constant 0 : index
      %get3A_5 = vector.load %arg4[%get3A_2, %get3A_3, %get3A_4] : memref<1x768x2048xf32, #tpu.memory_space<vmem>>, vector<1x768x2048xf32>
      %get3A_6 = vector.shape_cast %get3A_5 : vector<1x768x2048xf32> to vector<768x2048xf32>
      %convert_element_type3A_7 = arith.truncf %get3A_6 : vector<768x2048xf32> to vector<768x2048xbf16>
      %get3A_8 = arith.constant 0 : index
      %get3A_9 = arith.constant 0 : index
      %get3A_10 = arith.constant 0 : index
      %get3A_11 = vector.load %arg5[%get3A_8, %get3A_9, %get3A_10] : memref<1x768x2048xf32, #tpu.memory_space<vmem>>, vector<1x768x2048xf32>
      %get3A_12 = vector.shape_cast %get3A_11 : vector<1x768x2048xf32> to vector<768x2048xf32>
      %convert_element_type3A_13 = arith.truncf %get3A_12 : vector<768x2048xf32> to vector<768x2048xbf16>
      %get3A_14 = arith.constant 0 : index
      %get3A_15 = arith.constant 0 : index
      %get3A_16 = arith.constant 0 : index
      %get3A_17 = vector.load %arg6[%get3A_14, %get3A_15, %get3A_16] : memref<1x2048x768xf32, #tpu.memory_space<vmem>>, vector<1x2048x768xf32>
      %get3A_18 = vector.shape_cast %get3A_17 : vector<1x2048x768xf32> to vector<2048x768xf32>
      %convert_element_type3A_19 = arith.truncf %get3A_18 : vector<2048x768xf32> to vector<2048x768xbf16>
      %get3A_20 = arith.constant 0 : index
      %get3A_21 = arith.constant 0 : index
      %get3A_22 = vector.load %arg3[%get3A_20, %get3A_21] : memref<512x384xi32, #tpu.memory_space<vmem>>, vector<512x384xi32>
      %shift_left3A = arith.constant 16 : i32
      %shift_left3A_23 = vector.broadcast %shift_left3A : i32 to vector<512x384xi32>
      %shift_left3A_24 = arith.shli %get3A_22, %shift_left3A_23 : vector<512x384xi32>
      %bitcast_convert_type3A = tpu.bitcast %shift_left3A_24 : vector<512x384xi32> -> vector<512x384xf32>
      %and3A = arith.constant -65536 : i32
      %and3A_25 = vector.broadcast %and3A : i32 to vector<512x384xi32>
      %and3A_26 = arith.andi %get3A_22, %and3A_25 : vector<512x384xi32>
      %bitcast_convert_type3A_27 = tpu.bitcast %and3A_26 : vector<512x384xi32> -> vector<512x384xf32>
      %concatenate3A = tpu.concatenate %bitcast_convert_type3A, %bitcast_convert_type3A_27 in 1 : vector<512x384xf32>, vector<512x384xf32> -> vector<512x768xf32>
      %convert_element_type3A_28 = arith.truncf %concatenate3A : vector<512x768xf32> to vector<512x768xbf16>
      %dot_general3A = arith.constant dense<0.000000e+00> : vector<512x2048xf32>
      %dot_general3A_29 = tpu.matmul %convert_element_type3A_28, %convert_element_type3A_7, %dot_general3A {dimension_numbers = #tpu.dot_dimension_numbers<[1], [0], [0], [1], [0, 0, 1, 1], [], []>, transpose_lhs_hint = false} : vector<512x768xbf16>, vector<768x2048xbf16>, vector<512x2048xf32> -> vector<512x2048xf32>
      %dot_general3A_30 = arith.constant dense<0.000000e+00> : vector<512x2048xf32>
      %dot_general3A_31 = tpu.matmul %convert_element_type3A_28, %convert_element_type3A_13, %dot_general3A_30 {dimension_numbers = #tpu.dot_dimension_numbers<[1], [0], [0], [1], [0, 0, 1, 1], [], []>, transpose_lhs_hint = false} : vector<512x768xbf16>, vector<768x2048xbf16>, vector<512x2048xf32> -> vector<512x2048xf32>
      %neg3A = arith.constant 0.000000e+00 : f32
      %neg3A_32 = vector.broadcast %neg3A : f32 to vector<512x2048xf32>
      %neg3A_33 = arith.subf %neg3A_32, %dot_general3A_29 : vector<512x2048xf32>
      %exp3A = math.exp %neg3A_33 : vector<512x2048xf32>
      %add3A = arith.constant 1.000000e+00 : f32
      %add3A_34 = vector.broadcast %add3A : f32 to vector<512x2048xf32>
      %add3A_35 = arith.addf %add3A_34, %exp3A : vector<512x2048xf32>
      %div3A = arith.divf %dot_general3A_29, %add3A_35 : vector<512x2048xf32>
      %mul3A = arith.mulf %div3A, %dot_general3A_31 : vector<512x2048xf32>
      %convert_element_type3A_36 = arith.truncf %mul3A : vector<512x2048xf32> to vector<512x2048xbf16>
      %dot_general3A_37 = arith.constant dense<0.000000e+00> : vector<512x768xf32>
      %dot_general3A_38 = tpu.matmul %convert_element_type3A_36, %convert_element_type3A_19, %dot_general3A_37 {dimension_numbers = #tpu.dot_dimension_numbers<[1], [0], [0], [1], [0, 0, 1, 1], [], []>, transpose_lhs_hint = false} : vector<512x2048xbf16>, vector<2048x768xbf16>, vector<512x768xf32> -> vector<512x768xf32>
      %swap3A = arith.constant 0 : index
      %swap3A_39 = arith.constant 0 : index
      %swap3A_40 = vector.load %arg7[%swap3A, %swap3A_39] : memref<512x768xf32, #tpu.memory_space<vmem>>, vector<512x768xf32>
      tpu.vector_store %arg7[%swap3A, %swap3A_39], %dot_general3A_38 {strides = array<i32>} : memref<512x768xf32, #tpu.memory_space<vmem>>, vector<512x768xf32>,
    } else {
    }
    return
  }
  func.func @transform_0(%arg0: i32, %arg1: memref<16xi32, #tpu.memory_space<smem>>, %arg2: memref<1xi32, #tpu.memory_space<smem>>) -> (i32, i32) {
    %get3A = arith.constant 0 : index
    %get3A_0 = memref.load %arg2[%get3A] : memref<1xi32, #tpu.memory_space<smem>>
    %sub3A = arith.constant 1 : i32
    %sub3A_1 = arith.subi %get3A_0, %sub3A : i32
    %min3A = arith.minsi %arg0, %sub3A_1 : i32
    %c0_i32 = arith.constant 0 : i32
    %c0_i32_2 = arith.constant 0 : i32
    return %min3A, %c0_i32 : i32, i32
  }
  func.func @transform_1(%arg0: i32, %arg1: memref<16xi32, #tpu.memory_space<smem>>, %arg2: memref<1xi32, #tpu.memory_space<smem>>) -> (i32, i32, i32) {
    %get3A = arith.index_cast %arg0 : i32 to index
    %get3A_0 = memref.load %arg1[%get3A] : memref<16xi32, #tpu.memory_space<smem>>
    %c0_i32 = arith.constant 0 : i32
    %c0_i32_1 = arith.constant 0 : i32
    %c0_i32_2 = arith.constant 0 : i32
    return %get3A_0, %c0_i32, %c0_i32_1 : i32, i32, i32
  }
  func.func @transform_2(%arg0: i32, %arg1: memref<16xi32, #tpu.memory_space<smem>>, %arg2: memref<1xi32, #tpu.memory_space<smem>>) -> (i32, i32, i32) {
    %get3A = arith.index_cast %arg0 : i32 to index
    %get3A_0 = memref.load %arg1[%get3A] : memref<16xi32, #tpu.memory_space<smem>>
    %c0_i32 = arith.constant 0 : i32
    %c0_i32_1 = arith.constant 0 : i32
    %c0_i32_2 = arith.constant 0 : i32
    return %get3A_0, %c0_i32, %c0_i32_1 : i32, i32, i32
  }
  func.func @transform_3(%arg0: i32, %arg1: memref<16xi32, #tpu.memory_space<smem>>, %arg2: memref<1xi32, #tpu.memory_space<smem>>) -> (i32, i32, i32) {
    %get3A = arith.index_cast %arg0 : i32 to index
    %get3A_0 = memref.load %arg1[%get3A] : memref<16xi32, #tpu.memory_space<smem>>
    %c0_i32 = arith.constant 0 : i32
    %c0_i32_1 = arith.constant 0 : i32
    %c0_i32_2 = arith.constant 0 : i32
    return %get3A_0, %c0_i32, %c0_i32_1 : i32, i32, i32
  }
  func.func @transform_4(%arg0: i32, %arg1: memref<16xi32, #tpu.memory_space<smem>>, %arg2: memref<1xi32, #tpu.memory_space<smem>>) -> (i32, i32) {
    %get3A = arith.constant 0 : index
    %get3A_0 = memref.load %arg2[%get3A] : memref<1xi32, #tpu.memory_space<smem>>
    %sub3A = arith.constant 1 : i32
    %sub3A_1 = arith.subi %get3A_0, %sub3A : i32
    %min3A = arith.minsi %arg0, %sub3A_1 : i32
    %c0_i32 = arith.constant 0 : i32
    %c0_i32_2 = arith.constant 0 : i32
    return %min3A, %c0_i32 : i32, i32
  }
}

</mosaic_0001>

<sc_bundles>
// kernel: kernel.6.cloned.1.call-start
scs
__scs_entry_jumppad:
0x0: {  	(pc) =	sbr.rel $0x88, $3  }
0x1: {  	(tag) =	ssettag $0x0;
	lr =	simm.s32 $0x1  }
0x2: {  	[smem:$0x3F9C] =	sst lr;
	_ =	strace $0xD0000000  }
0x3: {  	_ = 	snop  }
0x4: {  	_ = 	snop  }
0x5: {  	_ = 	snop  }
0x6: {  	_ = 	snop  }
0x7: {  	_ = 	snop  }
__scs_overlays_trampoline_lowered:
0x8: {  	[smem:$0x3FAB] =	sst s0  }
0x9: {  	[smem:$0x3FAC] =	sst s1  }
0xa: {  	[smem:$0x3FAD] =	sst s2  }
0xb: {  	[smem:$0x3FAE] =	sst s3  }
0xc: {  	[smem:$0x3FAF] =	sst s4  }
0xd: {  	[smem:$0x3FB0] =	sst s5  }
0xe: {  	[smem:$0x3FB1] =	sst s6  }
0xf: {  	[smem:$0x3FB2] =	sst s7  }
0x10: {  	[smem:$0x3FB3] =	sst s8  }
0x11: {  	[smem:$0x3FB4] =	sst s9;
	s0 =	simm.s32 @!p0 $0x0  }
0x12: {  	s1 =	sld [smem:$0x3F9A];
	s0 =	simm.s32 @p0 $0x1  }
0x13: {  	[smem:$0x3FB5] =	sst s0;
	s0 =	simm.s32 @!p1 $0x0  }
0x14: {  	s2 =	sld [smem:$0x3F99];
	s0 =	simm.s32 @p1 $0x1  }
0x15: {  	[smem:$0x3FB6] =	sst s0;
	s0 =	simm.s32 @!p2 $0x0  }
0x16: {  	s3 =	sld [smem:$0x3FDB];
	s0 =	simm.s32 @p2 $0x1  }
0x17: {  	s4 =	simm.s32 $0x1BF5;
	[smem:$0x3FB8] =	sst s0  }
0x18: {  	s0 =	sld [smem:$0x3F9B];
	_ =	swait.ge [sflag:s4], $0x0  }
0x19: {  	s7 =	sld [smem:$0x3F9C]  }
0x1a: {  	s8 =	sadd.s32 $0xFFFFE003, lr  }
0x1b: {  	s9 =	sadd.s32 $0xFFFFFEF7, lr;
	s5 =	simm.s32 $0xFFFFFFFF;
	p2 =	slt.u32 s8, $0xFFFFF086  }
0x1c: {  	p1 =	slt.u32 s9, $0xF7A;
	s5 =	simm.s32 @!p2 $0x0  }
0x1d: {  	s5 =	simm.s32 @p1 $0x1;
	p0 =	seq.s32 s7, s2  }
0x1e: {  	s7 =	smul.u32 @!p0 $0xF7A, s2;
	p2 =	seq.s32 @!p0 s5, $0x0  }
0x1f: {  	s9 =	smul.u32 $0xF7A, s1;
	s8 =	simm.s32 @!p0 $0x1BF5;
	p2 =	por !p2, p0  }
0x20: {  	[sflag:s8] =	ssyncset.s32 @!p0 $0xFFFFF086;
	s6 =	sadd.s32 @!p0 s3, s7;
	s7 =	simm.s32 @!p0 $0x108  }
0x21: {  	s3 =	sadd.s32 s3, s9;
	s6 =	sadd.s32 @!p0 $0x88, s6;
	s7 =	simm.s32 @p2 $0x1082  }
0x22: {  	[simem:s7], [sflag:s8] =	dma.local @!p0 [hbm:s6], $0xF7A  }
0x23: {  	s9 =	sor.u32 $0xD0000000, s2;
	s6 =	simm.s32 $0x108;
	_ =	swait.ge @!p0 [sflag:s8], $0x0  }
0x24: {  	s3 =	sadd.s32 $0x88, s3;
	s6 =	simm.s32 @!p1 $0x1082;
	[sflag:s4] =	ssyncset.s32 $0xFFFFF086  }
0x25: {  	[simem:s6], [sflag:s4] =	dma.local [hbm:s3], $0xF7A  }
0x26: {  	[smem:$0x3F9C] =	sst s1;
	(tag) =	ssettag s2;
	_ =	strace s9  }
0x27: {  	s1 =	sld [smem:$0x3FAC]  }
0x28: {  	s2 =	sld [smem:$0x3FAD]  }
0x29: {  	s4 =	sld [smem:$0x3FAF]  }
0x2a: {  	p0 =	seq.s32 s5, $0x0;
	s5 =	sld [smem:$0x3FB0]  }
0x2b: {  	s6 =	sld [smem:$0x3FB1]  }
0x2c: {  	s7 =	sld [smem:$0x3FB2]  }
0x2d: {  	s3 =	simm.s32 $0x108;
	s8 =	sld [smem:$0x3FB3]  }
0x2e: {  	s3 =	simm.s32 @!p0 $0x1082;
	s9 =	sld [smem:$0x3FB4]  }
0x2f: {  	lr =	sadd.s32 s0, s3;
	s0 =	sld [smem:$0x3FAB]  }
0x30: {  	s3 =	sld [smem:$0x3FAE]  }
0x31: {  	[smem:$0x3FB7] =	sst s10  }
0x32: {  	s10 =	sld [smem:$0x3FB5];
	_ =	sdelay $0x3  }
0x33: {  	p0 =	seq.s32 s10, $0x1;
	s10 =	sld [smem:$0x3FB7];
	_ =	sdelay $0x3  }
0x34: {  	[smem:$0x3FB7] =	sst s10  }
0x35: {  	s10 =	sld [smem:$0x3FB6];
	_ =	sdelay $0x3  }
0x36: {  	p1 =	seq.s32 s10, $0x1;
	s10 =	sld [smem:$0x3FB7];
	_ =	sdelay $0x3  }
0x37: {  	[smem:$0x3FB7] =	sst s10  }
0x38: {  	s10 =	sld [smem:$0x3FB8]  }
0x39: {  	_ = 	snop;
	(pc) =	sbr.ind lr, $3  }
0x3a: {  	_ = 	snop  }
0x3b: {  	_ = 	snop  }
0x3c: {  	p2 =	seq.s32 s10, $0x1;
	s10 =	sld [smem:$0x3FB7]  }
0x3d: {  	_ =	shalt  }
0x3e: {  	_ =	shalt  }
0x3f: {  	_ =	shalt  }
0x40: {  	_ =	shalt  }
0x41: {  	_ =	shalt  }
0x42: {  	_ =	shalt  }
0x43: {  	_ =	shalt  }
0x44: {  	_ =	shalt  }
0x45: {  	_ =	shalt  }
0x46: {  	_ =	shalt  }
0x47: {  	_ =	shalt  }
0x48: {  	_ =	shalt  }
0x49: {  	_ =	shalt  }
0x4a: {  	_ =	shalt  }
0x4b: {  	_ =	shalt  }
0x4c: {  	_ =	shalt  }
0x4d: {  	_ =	shalt  }
0x4e: {  	_ =	shalt  }
0x4f: {  	_ =	shalt  }
0x50: {  	_ =	shalt  }
0x51: {  	_ =	shalt  }
0x52: {  	_ =	shalt  }
0x53: {  	_ =	shalt  }
0x54: {  	_ =	shalt  }
0x55: {  	_ =	shalt  }
0x56: {  	_ =	shalt  }
0x57: {  	_ =	shalt  }
0x58: {  	_ =	shalt  }
0x59: {  	_ =	shalt  }
0x5a: {  	_ =	shalt  }
0x5b: {  	_ =	shalt  }
0x5c: {  	_ =	shalt  }
0x5d: {  	_ =	shalt  }
0x5e: {  	_ =	shalt  }
0x5f: {  	_ =	shalt  }
0x60: {  	_ =	shalt  }
0x61: {  	_ =	shalt  }
0x62: {  	_ =	shalt  }
0x63: {  	_ =	shalt  }
0x64: {  	_ =	shalt  }
0x65: {  	_ =	shalt  }
0x66: {  	_ =	shalt  }
0x67: {  	_ =	shalt  }
0x68: {  	_ =	shalt  }
0x69: {  	_ =	shalt  }
0x6a: {  	_ =	shalt  }
0x6b: {  	_ =	shalt  }
0x6c: {  	_ =	shalt  }
0x6d: {  	_ =	shalt  }
0x6e: {  	_ =	shalt  }
0x6f: {  	_ =	shalt  }
0x70: {  	_ =	shalt  }
0x71: {  	_ =	shalt  }
0x72: {  	_ =	shalt  }
0x73: {  	_ =	shalt  }
0x74: {  	_ =	shalt  }
0x75: {  	_ =	shalt  }
0x76: {  	_ =	shalt  }
0x77: {  	_ =	shalt  }
0x78: {  	_ =	shalt  }
0x79: {  	_ =	shalt  }
0x7a: {  	_ =	shalt  }
0x7b: {  	_ =	shalt  }
0x7c: {  	_ =	shalt  }
0x7d: {  	_ =	shalt  }
0x7e: {  	_ =	shalt  }
0x7f: {  	_ =	shalt  }
0x80: {  	_ =	shalt  }
0x81: {  	_ =	shalt  }
0x82: {  	_ =	shalt  }
0x83: {  	_ =	shalt  }
0x84: {  	_ =	shalt  }
0x85: {  	_ =	shalt  }
0x86: {  	_ =	shalt  }
0x87: {  	_ =	shalt  }
.Lfunc_end0:
.L_simem_size_0:
called_computation_lowered:
.L_overlay_start_0:
0x88: {  	s2 =	sld [smem:$0x3FD9]  }
0x89: {  	s3 =	sld [smem:$0x3FFE];
	_ =	sdelay $0x1  }
0x8a: {  	s1 =	srdreg.scid  }
0x8b: {  	s0 =	sand.u32 $0x1, s1  }
0x8c: {  	s17 =	sshll.u32 s0, $0xA;
	s2 =	sadd.s32 s3, s2  }
0x8d: {  	s2 =	sadd.s32 s2, s17  }
0x8e: {  	[smem:$0x3FC3] =	sst s2  }
0x8f: {  	_ = 	snop  }
0x90: {  	s2 =	sld [smem:$0x3FD0];
	(tm) =	ssettm $0x1  }
0x91: {  	s18 =	sld [smem:$0x3FFB];
	_ =	sdelay $0x3  }
0x92: {  	_ =	strace s18  }
0x93: {  	s3 =	sld [smem:$0x3FFC];
	_ =	sdelay $0x3  }
0x94: {  	_ =	strace s3  }
0x95: {  	s3 =	sld [smem:$0x3FFD];
	_ =	sdelay $0x3  }
0x96: {  	_ =	strace s3  }
0x97: {  	_ =	strace $0x8FFFFFFF  }
0x98: {  	s19 =	sld [smem:$0x3FDB];
	_ =	sdelay $0x1  }
0x99: {  	s4 =	simm.s32 $_scs_section_size  }
0x9a: {  	s5 =	simm.s32 $_size__tile_overlayer_lowered;
	s6 =	simm.s32 $_tile_overlayer_lowered  }
0x9b: {  	s22 =	simm.s32 $0x1BFF;
	s21 =	sshll.u32 s6, $0x1;
	s3 =	sadd.s32 s4, s19  }
0x9c: {  	s7 =	simm.s32 $0x0;
	s20 =	sshll.u32 s5, $0x1;
	s5 =	sadd.s32 s21, s3  }
0x9d: {  	[timem:s7], [sflag:s22] =	dma.local [hbm:s5], s20  }
0x9e: {  	_ =	swait.ge [sflag:s22], s20  }
0x9f: {  	s4 =	ssub.s32 $0x0, s20;
	[sflag:s22] =	ssyncset.done $0x0  }
0xa0: {  	[sflag:s22] =	ssyncadd.s32 s4;
	_ =	sdelay $0x1  }
0xa1: {  	s23 =	simm.s32 $0x1B8B  }
0xa2: {  	_ =	swait.ge [sflag:s23], $0x1  }
0xa3: {  	[sflag:s23] =	ssyncset.done $0x0  }
0xa4: {  	s25 =	simm.s32 $0x1B8E;
	s24 =	sld [smem:$0x3FFE];
	[sflag:s23] =	ssyncadd.s32 $0xFFFFFFFF  }
0xa5: {  	s26 =	simm.s32 $execute0_lowered;
	[smem:$0x3FD2] =	sst s25  }
0xa6: {  	s5 =	sshll.u32 s26, $0x1;
	_ =	strace $0x80000046;
	[dreg:$0x1] =	wrdreg $0xFFFFFFFF  }
0xa7: {  	s28 =	simm.s32 $_size_execute0_lowered;
	s3 =	sadd.s32 s3, s5;
	[dreg:$0x0] =	wrdreg $0x0  }
0xa8: {  	s5 =	sshll.u32 s28, $0x1;
	[dreg:$0x2] =	wrdreg s3  }
0xa9: {  	[dreg:$0x3] =	wrdreg s5  }
0xaa: {  	[dreg:$0x4] =	wrdreg $0xC0  }
0xab: {  	_ =	task [dreg:s7], $0x5FFFF  }
0xac: {  	[dreg:$0x1] =	wrdreg $0xFFFFFFFF  }
0xad: {  	[dreg:$0x0] =	wrdreg $0x60  }
0xae: {  	[dreg:$0x2] =	wrdreg s2  }
0xaf: {  	[dreg:$0x3] =	wrdreg s24  }
0xb0: {  	[dreg:$0x4] =	wrdreg $0x9  }
0xb1: {  	_ =	task.clear_ibuf [dreg:s7], $0x5FFFF;
	_ =	strace $0x90000046  }
0xb2: {  	s29 =	simm.s32 $0x9;
	_ =	strace $0x80000048  }
0xb3: {  	_ =	swait.ge [sflag:s29], $0x1  }
0xb4: {  	[sflag:s29] =	ssyncadd.s32 $0xFFFFFFFF  }
0xb5: {  	_ =	strace $0x90000048  }
0xb6: {  	_ =	sfence  }
0xb7: {  	s30 =	sld [smem:$0x0];
	_ =	sdelay $0x2  }
0xb8: {  	s31 =	sshll.u32 s1, $0xD;
	s1 =	sshrl.u32 s1, $0x2  }
0xb9: {  	s3 =	sand.u32 $0x4000, s31;
	s1 =	sadd.s32 s1, s30  }
0xba: {  	s0 =	sor.u32 s3, s0;
	s1 =	sshll.u32 s1, $0x11  }
0xbb: {  	s0 =	sor.u32 s1, s0  }
0xbc: {  	s0 =	sadd.s32 $0x8F2B, s0  }
0xbd: {  	[sflag:s0] =	ssyncadd.remote.s32 $0x1  }
0xbe: {  	_ =	sfence.sel $0xFFFF  }
0xbf: {  	[dreg:$0x0] =	wrdreg $0xFFFFFFFF;
	(pc) =	sbr.abs _section_cstart, $3  }
0xc0: {  	[dreg:$0x1] =	wrdreg $0xFFFFFFFF  }
0xc1: {  	_ =	task.clear_ibuf [dreg:s7], $0x2FFFF;
	_ =	strace $0x9FFFFFFF  }
0xc2: {  	(tm) =	ssettm $0x7FFFFFFF  }
0xc3: {  	_ =	shalt  }
tec
execute0_lowered:
.L_overlay_start_1:
0x0: {  	(tag) =	ssettag $0x1  }
0x1: {  	s5 =	rddreg [dreg:$0x0]  }
0x2: {  	s7 =	rddreg [dreg:$0x1];
	s2 =	srdreg.scid  }
0x3: {  	s0 =	rddreg [dreg:$0x2];
	s1 =	stileid.u32;
	s10 =	simm.s32 $0x6000  }
0x4: {  	s11 =	simm.s32 $0x6080;
	s12 =	simm.s32 $0x800;
	s13 =	simm.s32 $0xC00  }
0x5: {  	s14 =	simm.s32 $0x1400;
	s15 =	simm.s32 $0x1800;
	s16 =	simm.s32 $0x2000  }
0x6: {  	s17 =	simm.s32 $0x2400;
	s18 =	simm.s32 $0x2C00;
	s19 =	simm.s32 $0x3000  }
0x7: {  	s20 =	simm.s32 $0x3800;
	s21 =	simm.s32 $0x3C00;
	s22 =	simm.s32 $0x4400  }
0x8: {  	s23 =	simm.s32 $0x4800;
	s24 =	simm.s32 $0x5000;
	s25 =	simm.s32 $0x5400  }
0x9: {  	s26 =	simm.s32 $0x5C00;
	s28 =	simm.s32 $0x1;
	s29 =	simm.s32 $0x2  }
0xa: {  	s3 =	sand.u32 $0x1, s2;
	s2 =	simm.s32 $0x0;
	s4 =	sshll.u32 s1, $0x4  }
0xb: {  	s6 =	sshll.u32 s3, $0x3;
	[smem:$0x7FF] =	sst s2;
	s8 =	ssub.s32 $0x2, s3  }
0xc: {  	s3 =	sadd.s32 $0x23400, s7;
	s4 =	sor.u32 s6, s4;
	_ =	strace $0x80000047  }
0xd: {  	v2 =	vlaneseq.u32;
	s31 =	sshrl.u32 s8, $0x1;
	s9 =	smul.u32 $0x180, s4;
	s4 =	sadd.s32 s7, s4  }
0xe: {  	vm0 =	vmmov $0xffff;
	vm1 =	vmmov $0xff;
	v1 =	vshrl.u32 v2, $0x3;
	s8 =	ssub.s32 s8, s31;
	s7 =	sadd.s32 $0x23500, s7;
	s6 =	sadd.s32 $0x200, s4  }
0xf: {  	v0 =	vand.u32 $0x7, v2;
	v2 =	vor.u32 $0x8, v2;
	v1 =	vmul.u32 $0x8, v1;
	s8 =	smax.u32 s8, $0x1;
	s5 =	sadd.s32 s5, s9;
	s9 =	simm.s32 $0x3  }
.LBB2_1:
0x10: {  	[tilespmem:s2], [sflag:$0x3] =	stream.linear.gather [hbm4b:s5+s2], $0x6000, $0x38;
	[tilespmem:$0x6100] =	vst v63  }
0x11: {  	_ =	swait.ge [sflag:s9], $0x6000  }
0x12: {  	[sflag:s9] =	ssyncset.done $0x0  }
0x13: {  	[sflag:s9] =	ssyncadd.s32 $0xFFFFA000  }
0x14: {  	[tilespmem:s10], [sflag:$0x3] =	stream.linear.gather [hbm4b:s4+s2], $0x40, $0x38;
	[tilespmem:$0x6100] =	vst v63  }
0x15: {  	_ =	swait.ge [sflag:s9], $0x40  }
0x16: {  	[sflag:s9] =	ssyncset.done $0x0  }
0x17: {  	[sflag:s9] =	ssyncadd.s32 $0xFFFFFFC0  }
0x18: {  	[tilespmem:s11], [sflag:$0x3] =	stream.linear.gather [hbm4b:s6+s2], $0x40, $0x38;
	[tilespmem:$0x6100] =	vst v63  }
0x19: {  	_ =	swait.ge [sflag:s9], $0x40  }
0x1a: {  	[sflag:s9] =	ssyncset.done $0x0  }
0x1b: {  	[sflag:s9] =	ssyncadd.s32 $0xFFFFFFC0  }
0x1c: {  	v3 =	vld [tilespmem:$0x6000];
	_ =	sdelay $0x4  }
0x1d: {  	v4 =	vshrl.u32 v3, $0x3  }
0x1e: {  	v4 =	vmul.u32 $0x18, v4  }
0x1f: {  	v3 =	vand.u32 $0x7, v3  }
0x20: {  	v3 =	vor.u32 v3, v4  }
0x21: {  	v4 =	vperm.xlane v3, v0;
	_ =	sdelay $0x1  }
0x22: {  	v4 =	vadd.s32 v1, v4;
	_ =	sdelay $0x1  }
0x23: {  	v3 =	vperm.xlane v3, v2;
	_ =	sdelay $0x1  }
0x24: {  	v3 =	vadd.s32 v1, v3  }
0x25: {  	[hbm4b:s3+s2] =	stream.indirect_vreg.scatter [tilespmem:s2], [sflag:$0x1], $0x80, v4, vm0, $0xb8;
	[tilespmem:$0x6100] =	vst v63  }
0x26: {  	_ = 	snop  }
0x27: {  	[hbm4b:s7+s2] =	stream.indirect_vreg.scatter [tilespmem:s12], [sflag:$0x1], $0x80, v4, vm1, $0xb8;
	[tilespmem:$0x6100] =	vst v63  }
0x28: {  	_ = 	snop  }
0x29: {  	[hbm4b:s3+s2] =	stream.indirect_vreg.scatter [tilespmem:s13], [sflag:$0x1], $0x80, v3, vm0, $0xb8;
	[tilespmem:$0x6100] =	vst v63  }
0x2a: {  	_ = 	snop  }
0x2b: {  	[hbm4b:s7+s2] =	stream.indirect_vreg.scatter [tilespmem:s14], [sflag:$0x1], $0x80, v3, vm1, $0xb8;
	[tilespmem:$0x6100] =	vst v63  }
0x2c: {  	v3 =	vld [tilespmem:$0x6010];
	_ =	sdelay $0x4  }
0x2d: {  	v57 =	vshrl.u32 v3, $0x3  }
0x2e: {  	v4 =	vmul.u32 $0x18, v57  }
0x2f: {  	v3 =	vand.u32 $0x7, v3  }
0x30: {  	v3 =	vor.u32 v3, v4  }
0x31: {  	v4 =	vperm.xlane v3, v0;
	_ =	sdelay $0x1  }
0x32: {  	v4 =	vadd.s32 v1, v4;
	_ =	sdelay $0x1  }
0x33: {  	v3 =	vperm.xlane v3, v2;
	_ =	sdelay $0x1  }
0x34: {  	v3 =	vadd.s32 v1, v3  }
0x35: {  	[hbm4b:s3+s2] =	stream.indirect_vreg.scatter [tilespmem:s15], [sflag:$0x1], $0x80, v4, vm0, $0xb8;
	[tilespmem:$0x6100] =	vst v63  }
0x36: {  	_ = 	snop  }
0x37: {  	[hbm4b:s7+s2] =	stream.indirect_vreg.scatter [tilespmem:s16], [sflag:$0x1], $0x80, v4, vm1, $0xb8;
	[tilespmem:$0x6100] =	vst v63  }
0x38: {  	_ = 	snop  }
0x39: {  	[hbm4b:s3+s2] =	stream.indirect_vreg.scatter [tilespmem:s17], [sflag:$0x1], $0x80, v3, vm0, $0xb8;
	[tilespmem:$0x6100] =	vst v63  }
0x3a: {  	_ = 	snop  }
0x3b: {  	[hbm4b:s7+s2] =	stream.indirect_vreg.scatter [tilespmem:s18], [sflag:$0x1], $0x80, v3, vm1, $0xb8;
	[tilespmem:$0x6100] =	vst v63  }
0x3c: {  	v3 =	vld [tilespmem:$0x6020];
	_ =	sdelay $0x4  }
0x3d: {  	v58 =	vshrl.u32 v3, $0x3  }
0x3e: {  	v4 =	vmul.u32 $0x18, v58  }
0x3f: {  	v3 =	vand.u32 $0x7, v3  }
0x40: {  	v3 =	vor.u32 v3, v4  }
0x41: {  	v4 =	vperm.xlane v3, v0;
	_ =	sdelay $0x1  }
0x42: {  	v4 =	vadd.s32 v1, v4;
	_ =	sdelay $0x1  }
0x43: {  	v3 =	vperm.xlane v3, v2;
	_ =	sdelay $0x1  }
0x44: {  	v3 =	vadd.s32 v1, v3  }
0x45: {  	[hbm4b:s3+s2] =	stream.indirect_vreg.scatter [tilespmem:s19], [sflag:$0x1], $0x80, v4, vm0, $0xb8;
	[tilespmem:$0x6100] =	vst v63  }
0x46: {  	_ = 	snop  }
0x47: {  	[hbm4b:s7+s2] =	stream.indirect_vreg.scatter [tilespmem:s20], [sflag:$0x1], $0x80, v4, vm1, $0xb8;
	[tilespmem:$0x6100] =	vst v63  }
0x48: {  	_ = 	snop  }
0x49: {  	[hbm4b:s3+s2] =	stream.indirect_vreg.scatter [tilespmem:s21], [sflag:$0x1], $0x80, v3, vm0, $0xb8;
	[tilespmem:$0x6100] =	vst v63  }
0x4a: {  	_ = 	snop  }
0x4b: {  	[hbm4b:s7+s2] =	stream.indirect_vreg.scatter [tilespmem:s22], [sflag:$0x1], $0x80, v3, vm1, $0xb8;
	[tilespmem:$0x6100] =	vst v63  }
0x4c: {  	v3 =	vld [tilespmem:$0x6030];
	_ =	sdelay $0x4  }
0x4d: {  	v59 =	vshrl.u32 v3, $0x3  }
0x4e: {  	v4 =	vmul.u32 $0x18, v59  }
0x4f: {  	v3 =	vand.u32 $0x7, v3  }
0x50: {  	v3 =	vor.u32 v3, v4  }
0x51: {  	v4 =	vperm.xlane v3, v0;
	_ =	sdelay $0x1  }
0x52: {  	v4 =	vadd.s32 v1, v4;
	_ =	sdelay $0x1  }
0x53: {  	v3 =	vperm.xlane v3, v2;
	_ =	sdelay $0x1  }
0x54: {  	v3 =	vadd.s32 v1, v3  }
0x55: {  	[hbm4b:s3+s2] =	stream.indirect_vreg.scatter [tilespmem:s23], [sflag:$0x1], $0x80, v4, vm0, $0xb8;
	[tilespmem:$0x6100] =	vst v63  }
0x56: {  	_ = 	snop  }
0x57: {  	[hbm4b:s7+s2] =	stream.indirect_vreg.scatter [tilespmem:s24], [sflag:$0x1], $0x80, v4, vm1, $0xb8;
	[tilespmem:$0x6100] =	vst v63  }
0x58: {  	_ = 	snop  }
0x59: {  	[hbm4b:s3+s2] =	stream.indirect_vreg.scatter [tilespmem:s25], [sflag:$0x1], $0x80, v3, vm0, $0xb8;
	[tilespmem:$0x6100] =	vst v63  }
0x5a: {  	_ = 	snop  }
0x5b: {  	[hbm4b:s7+s2] =	stream.indirect_vreg.scatter [tilespmem:s26], [sflag:$0x1], $0x80, v3, vm1, $0xb8;
	[tilespmem:$0x6100] =	vst v63  }
0x5c: {  	v3 =	vld [tilespmem:$0x6080];
	_ =	sdelay $0x4  }
0x5d: {  	v60 =	vshrl.u32 v3, $0x3  }
0x5e: {  	v4 =	vmul.u32 $0x18, v60  }
0x5f: {  	v3 =	vand.u32 $0x7, v3  }
0x60: {  	v3 =	vor.u32 v3, v4  }
0x61: {  	v4 =	vperm.xlane v3, v0;
	_ =	sdelay $0x1  }
0x62: {  	v4 =	vadd.s32 v1, v4;
	_ =	sdelay $0x1  }
0x63: {  	v3 =	vperm.xlane v3, v2;
	_ =	sdelay $0x1  }
0x64: {  	v3 =	vadd.s32 v1, v3  }
0x65: {  	[hbm4b:s3+s2] =	stream.indirect_vreg.scatter [tilespmem:s2], [sflag:$0x2], $0x80, v4, vm0, $0xb8;
	[tilespmem:$0x6100] =	vst v63  }
0x66: {  	_ = 	snop  }
0x67: {  	[hbm4b:s7+s2] =	stream.indirect_vreg.scatter [tilespmem:s12], [sflag:$0x2], $0x80, v4, vm1, $0xb8;
	[tilespmem:$0x6100] =	vst v63  }
0x68: {  	_ = 	snop  }
0x69: {  	[hbm4b:s3+s2] =	stream.indirect_vreg.scatter [tilespmem:s13], [sflag:$0x2], $0x80, v3, vm0, $0xb8;
	[tilespmem:$0x6100] =	vst v63  }
0x6a: {  	_ = 	snop  }
0x6b: {  	[hbm4b:s7+s2] =	stream.indirect_vreg.scatter [tilespmem:s14], [sflag:$0x2], $0x80, v3, vm1, $0xb8;
	[tilespmem:$0x6100] =	vst v63  }
0x6c: {  	v3 =	vld [tilespmem:$0x6090];
	_ =	sdelay $0x4  }
0x6d: {  	v61 =	vshrl.u32 v3, $0x3  }
0x6e: {  	v4 =	vmul.u32 $0x18, v61  }
0x6f: {  	v3 =	vand.u32 $0x7, v3  }
0x70: {  	v3 =	vor.u32 v3, v4  }
0x71: {  	v4 =	vperm.xlane v3, v0;
	_ =	sdelay $0x1  }
0x72: {  	v4 =	vadd.s32 v1, v4;
	_ =	sdelay $0x1  }
0x73: {  	v3 =	vperm.xlane v3, v2;
	_ =	sdelay $0x1  }
0x74: {  	v3 =	vadd.s32 v1, v3  }
0x75: {  	[hbm4b:s3+s2] =	stream.indirect_vreg.scatter [tilespmem:s15], [sflag:$0x2], $0x80, v4, vm0, $0xb8;
	[tilespmem:$0x6100] =	vst v63  }
0x76: {  	_ = 	snop  }
0x77: {  	[hbm4b:s7+s2] =	stream.indirect_vreg.scatter [tilespmem:s16], [sflag:$0x2], $0x80, v4, vm1, $0xb8;
	[tilespmem:$0x6100] =	vst v63  }
0x78: {  	_ = 	snop  }
0x79: {  	[hbm4b:s3+s2] =	stream.indirect_vreg.scatter [tilespmem:s17], [sflag:$0x2], $0x80, v3, vm0, $0xb8;
	[tilespmem:$0x6100] =	vst v63  }
0x7a: {  	_ = 	snop  }
0x7b: {  	[hbm4b:s7+s2] =	stream.indirect_vreg.scatter [tilespmem:s18], [sflag:$0x2], $0x80, v3, vm1, $0xb8;
	[tilespmem:$0x6100] =	vst v63  }
0x7c: {  	v3 =	vld [tilespmem:$0x60A0];
	_ =	sdelay $0x4  }
0x7d: {  	v62 =	vshrl.u32 v3, $0x3  }
0x7e: {  	v4 =	vmul.u32 $0x18, v62  }
0x7f: {  	v3 =	vand.u32 $0x7, v3  }
0x80: {  	v3 =	vor.u32 v3, v4  }
0x81: {  	v4 =	vperm.xlane v3, v0;
	_ =	sdelay $0x1  }
0x82: {  	v4 =	vadd.s32 v1, v4;
	_ =	sdelay $0x1  }
0x83: {  	v3 =	vperm.xlane v3, v2;
	_ =	sdelay $0x1  }
0x84: {  	v3 =	vadd.s32 v1, v3  }
0x85: {  	[hbm4b:s3+s2] =	stream.indirect_vreg.scatter [tilespmem:s19], [sflag:$0x2], $0x80, v4, vm0, $0xb8;
	[tilespmem:$0x6100] =	vst v63  }
0x86: {  	_ = 	snop  }
0x87: {  	[hbm4b:s7+s2] =	stream.indirect_vreg.scatter [tilespmem:s20], [sflag:$0x2], $0x80, v4, vm1, $0xb8;
	[tilespmem:$0x6100] =	vst v63  }
0x88: {  	_ = 	snop  }
0x89: {  	[hbm4b:s3+s2] =	stream.indirect_vreg.scatter [tilespmem:s21], [sflag:$0x2], $0x80, v3, vm0, $0xb8;
	[tilespmem:$0x6100] =	vst v63  }
0x8a: {  	_ = 	snop  }
0x8b: {  	[hbm4b:s7+s2] =	stream.indirect_vreg.scatter [tilespmem:s22], [sflag:$0x2], $0x80, v3, vm1, $0xb8;
	[tilespmem:$0x6100] =	vst v63  }
0x8c: {  	v3 =	vld [tilespmem:$0x60B0];
	_ =	sdelay $0x4  }
0x8d: {  	v63 =	vshrl.u32 v3, $0x3  }
0x8e: {  	v4 =	vmul.u32 $0x18, v63  }
0x8f: {  	v3 =	vand.u32 $0x7, v3  }
0x90: {  	v3 =	vor.u32 v3, v4  }
0x91: {  	v4 =	vperm.xlane v3, v0;
	_ =	sdelay $0x1  }
0x92: {  	v4 =	vadd.s32 v1, v4;
	_ =	sdelay $0x1  }
0x93: {  	v3 =	vperm.xlane v3, v2;
	_ =	sdelay $0x1  }
0x94: {  	v3 =	vadd.s32 v1, v3  }
0x95: {  	[hbm4b:s3+s2] =	stream.indirect_vreg.scatter [tilespmem:s23], [sflag:$0x2], $0x80, v4, vm0, $0xb8;
	[tilespmem:$0x6100] =	vst v63  }
0x96: {  	_ = 	snop  }
0x97: {  	[hbm4b:s7+s2] =	stream.indirect_vreg.scatter [tilespmem:s24], [sflag:$0x2], $0x80, v4, vm1, $0xb8;
	[tilespmem:$0x6100] =	vst v63  }
0x98: {  	_ = 	snop  }
0x99: {  	[hbm4b:s3+s2] =	stream.indirect_vreg.scatter [tilespmem:s25], [sflag:$0x2], $0x80, v3, vm0, $0xb8;
	[tilespmem:$0x6100] =	vst v63  }
0x9a: {  	_ = 	snop  }
0x9b: {  	[hbm4b:s7+s2] =	stream.indirect_vreg.scatter [tilespmem:s26], [sflag:$0x2], $0x80, v3, vm1, $0xb8;
	[tilespmem:$0x6100] =	vst v63  }
0x9c: {  	p0 =	sne.s32 s8, $0x1;
	_ =	swait.ge [sflag:s28], $0x6000  }
.Ltmp0:
0x9d: {  	[sflag:s28] =	ssyncset.done $0x0;
	(pc) =	sbr.rel @p0 .LBB2_1-.Ltmp0, $4  }
0x9e: {  	[sflag:s28] =	ssyncadd.s32 $0xFFFFA000  }
0x9f: {  	_ =	swait.ge [sflag:s29], $0x6000  }
0xa0: {  	[sflag:s29] =	ssyncset.done $0x0  }
0xa1: {  	s8 =	sadd.s32 $0xFFFFFFFF, s8;
	[sflag:s29] =	ssyncadd.s32 $0xFFFFA000  }
0xa2: {  	_ =	sfence.sel $0x180000  }
0xa3: {  	[bflag:$0x0] =	sbarrier.arrive $0xFFFF  }
0xa4: {  	p0 =	sne.s32 s1, $0x0;
	_ =	strace $0x90000047  }
0xa5: {  	s0 =	sadd.s32 @!p0 $0x100000, s0;
	[bflag:$0x2] =	sbarrier.arrive $0xFFFF  }
0xa6: {  	[sflag:s0] =	ssyncadd.tile.s32 @!p0 $0x1;
	_ =	shalt  }
.Lfunc_end2:
_tile_overlayer_lowered:
.L_overlay_start_2:
0xa7: {  	(tag) =	ssettag $0x2  }
0xa8: {  	s0 =	rddreg [dreg:$0x0];
	s2 =	stileid.u32  }
0xa9: {  	s1 =	rddreg [dreg:$0x1];
	p0 =	sne.s32 s2, $0x0  }
0xaa: {  	s3 =	rddreg [dreg:$0x2];
	[bflag:$0x3] =	sbarrier.arrive $0xFFFF;
	s2 =	simm.s32 @!p0 $0x1C03  }
0xab: {  	[timem:s3], [sflag:s2] =	dma.local @!p0 [hbm:s0], s1  }
0xac: {  	s0 =	simm.s32 @!p0 $0x3  }
0xad: {  	_ =	swait.ge @!p0 [sflag:s0], s1  }
0xae: {  	s1 =	ssub.s32 @!p0 $0x0, s1;
	[sflag:s0] =	ssyncset.done @!p0 $0x0  }
0xaf: {  	[sflag:s0] =	ssyncadd.s32 @!p0 s1  }
0xb0: {  	[bflag:$0x3] =	sbarrier.arrive $0xFFFF  }
0xb1: {  	_ =	shalt  }

// kernel: kernel.9.cloned.1.call-start
scs
__scs_entry_jumppad:
0x0: {  	(pc) =	sbr.rel $0x88, $3  }
0x1: {  	(tag) =	ssettag $0x0;
	lr =	simm.s32 $0x1  }
0x2: {  	[smem:$0x3F9C] =	sst lr;
	_ =	strace $0xD0000000  }
0x3: {  	_ = 	snop  }
0x4: {  	_ = 	snop  }
0x5: {  	_ = 	snop  }
0x6: {  	_ = 	snop  }
0x7: {  	_ = 	snop  }
__scs_overlays_trampoline_lowered:
0x8: {  	[smem:$0x3FAB] =	sst s0  }
0x9: {  	[smem:$0x3FAC] =	sst s1  }
0xa: {  	[smem:$0x3FAD] =	sst s2  }
0xb: {  	[smem:$0x3FAE] =	sst s3  }
0xc: {  	[smem:$0x3FAF] =	sst s4  }
0xd: {  	[smem:$0x3FB0] =	sst s5  }
0xe: {  	[smem:$0x3FB1] =	sst s6  }
0xf: {  	[smem:$0x3FB2] =	sst s7  }
0x10: {  	[smem:$0x3FB3] =	sst s8  }
0x11: {  	[smem:$0x3FB4] =	sst s9;
	s0 =	simm.s32 @!p0 $0x0  }
0x12: {  	s1 =	sld [smem:$0x3F9A];
	s0 =	simm.s32 @p0 $0x1  }
0x13: {  	[smem:$0x3FB5] =	sst s0;
	s0 =	simm.s32 @!p1 $0x0  }
0x14: {  	s2 =	sld [smem:$0x3F99];
	s0 =	simm.s32 @p1 $0x1  }
0x15: {  	[smem:$0x3FB6] =	sst s0;
	s0 =	simm.s32 @!p2 $0x0  }
0x16: {  	s3 =	sld [smem:$0x3FDB];
	s0 =	simm.s32 @p2 $0x1  }
0x17: {  	s4 =	simm.s32 $0x1BF5;
	[smem:$0x3FB8] =	sst s0  }
0x18: {  	s0 =	sld [smem:$0x3F9B];
	_ =	swait.ge [sflag:s4], $0x0  }
0x19: {  	s7 =	sld [smem:$0x3F9C]  }
0x1a: {  	s8 =	sadd.s32 $0xFFFFE003, lr  }
0x1b: {  	s9 =	sadd.s32 $0xFFFFFEF7, lr;
	s5 =	simm.s32 $0xFFFFFFFF;
	p2 =	slt.u32 s8, $0xFFFFF086  }
0x1c: {  	p1 =	slt.u32 s9, $0xF7A;
	s5 =	simm.s32 @!p2 $0x0  }
0x1d: {  	s5 =	simm.s32 @p1 $0x1;
	p0 =	seq.s32 s7, s2  }
0x1e: {  	s7 =	smul.u32 @!p0 $0xF7A, s2;
	p2 =	seq.s32 @!p0 s5, $0x0  }
0x1f: {  	s9 =	smul.u32 $0xF7A, s1;
	s8 =	simm.s32 @!p0 $0x1BF5;
	p2 =	por !p2, p0  }
0x20: {  	[sflag:s8] =	ssyncset.s32 @!p0 $0xFFFFF086;
	s6 =	sadd.s32 @!p0 s3, s7;
	s7 =	simm.s32 @!p0 $0x108  }
0x21: {  	s3 =	sadd.s32 s3, s9;
	s6 =	sadd.s32 @!p0 $0x88, s6;
	s7 =	simm.s32 @p2 $0x1082  }
0x22: {  	[simem:s7], [sflag:s8] =	dma.local @!p0 [hbm:s6], $0xF7A  }
0x23: {  	s9 =	sor.u32 $0xD0000000, s2;
	s6 =	simm.s32 $0x108;
	_ =	swait.ge @!p0 [sflag:s8], $0x0  }
0x24: {  	s3 =	sadd.s32 $0x88, s3;
	s6 =	simm.s32 @!p1 $0x1082;
	[sflag:s4] =	ssyncset.s32 $0xFFFFF086  }
0x25: {  	[simem:s6], [sflag:s4] =	dma.local [hbm:s3], $0xF7A  }
0x26: {  	[smem:$0x3F9C] =	sst s1;
	(tag) =	ssettag s2;
	_ =	strace s9  }
0x27: {  	s1 =	sld [smem:$0x3FAC]  }
0x28: {  	s2 =	sld [smem:$0x3FAD]  }
0x29: {  	s4 =	sld [smem:$0x3FAF]  }
0x2a: {  	p0 =	seq.s32 s5, $0x0;
	s5 =	sld [smem:$0x3FB0]  }
0x2b: {  	s6 =	sld [smem:$0x3FB1]  }
0x2c: {  	s7 =	sld [smem:$0x3FB2]  }
0x2d: {  	s3 =	simm.s32 $0x108;
	s8 =	sld [smem:$0x3FB3]  }
0x2e: {  	s3 =	simm.s32 @!p0 $0x1082;
	s9 =	sld [smem:$0x3FB4]  }
0x2f: {  	lr =	sadd.s32 s0, s3;
	s0 =	sld [smem:$0x3FAB]  }
0x30: {  	s3 =	sld [smem:$0x3FAE]  }
0x31: {  	[smem:$0x3FB7] =	sst s10  }
0x32: {  	s10 =	sld [smem:$0x3FB5];
	_ =	sdelay $0x3  }
0x33: {  	p0 =	seq.s32 s10, $0x1;
	s10 =	sld [smem:$0x3FB7];
	_ =	sdelay $0x3  }
0x34: {  	[smem:$0x3FB7] =	sst s10  }
0x35: {  	s10 =	sld [smem:$0x3FB6];
	_ =	sdelay $0x3  }
0x36: {  	p1 =	seq.s32 s10, $0x1;
	s10 =	sld [smem:$0x3FB7];
	_ =	sdelay $0x3  }
0x37: {  	[smem:$0x3FB7] =	sst s10  }
0x38: {  	s10 =	sld [smem:$0x3FB8]  }
0x39: {  	_ = 	snop;
	(pc) =	sbr.ind lr, $3  }
0x3a: {  	_ = 	snop  }
0x3b: {  	_ = 	snop  }
0x3c: {  	p2 =	seq.s32 s10, $0x1;
	s10 =	sld [smem:$0x3FB7]  }
0x3d: {  	_ =	shalt  }
0x3e: {  	_ =	shalt  }
0x3f: {  	_ =	shalt  }
0x40: {  	_ =	shalt  }
0x41: {  	_ =	shalt  }
0x42: {  	_ =	shalt  }
0x43: {  	_ =	shalt  }
0x44: {  	_ =	shalt  }
0x45: {  	_ =	shalt  }
0x46: {  	_ =	shalt  }
0x47: {  	_ =	shalt  }
0x48: {  	_ =	shalt  }
0x49: {  	_ =	shalt  }
0x4a: {  	_ =	shalt  }
0x4b: {  	_ =	shalt  }
0x4c: {  	_ =	shalt  }
0x4d: {  	_ =	shalt  }
0x4e: {  	_ =	shalt  }
0x4f: {  	_ =	shalt  }
0x50: {  	_ =	shalt  }
0x51: {  	_ =	shalt  }
0x52: {  	_ =	shalt  }
0x53: {  	_ =	shalt  }
0x54: {  	_ =	shalt  }
0x55: {  	_ =	shalt  }
0x56: {  	_ =	shalt  }
0x57: {  	_ =	shalt  }
0x58: {  	_ =	shalt  }
0x59: {  	_ =	shalt  }
0x5a: {  	_ =	shalt  }
0x5b: {  	_ =	shalt  }
0x5c: {  	_ =	shalt  }
0x5d: {  	_ =	shalt  }
0x5e: {  	_ =	shalt  }
0x5f: {  	_ =	shalt  }
0x60: {  	_ =	shalt  }
0x61: {  	_ =	shalt  }
0x62: {  	_ =	shalt  }
0x63: {  	_ =	shalt  }
0x64: {  	_ =	shalt  }
0x65: {  	_ =	shalt  }
0x66: {  	_ =	shalt  }
0x67: {  	_ =	shalt  }
0x68: {  	_ =	shalt  }
0x69: {  	_ =	shalt  }
0x6a: {  	_ =	shalt  }
0x6b: {  	_ =	shalt  }
0x6c: {  	_ =	shalt  }
0x6d: {  	_ =	shalt  }
0x6e: {  	_ =	shalt  }
0x6f: {  	_ =	shalt  }
0x70: {  	_ =	shalt  }
0x71: {  	_ =	shalt  }
0x72: {  	_ =	shalt  }
0x73: {  	_ =	shalt  }
0x74: {  	_ =	shalt  }
0x75: {  	_ =	shalt  }
0x76: {  	_ =	shalt  }
0x77: {  	_ =	shalt  }
0x78: {  	_ =	shalt  }
0x79: {  	_ =	shalt  }
0x7a: {  	_ =	shalt  }
0x7b: {  	_ =	shalt  }
0x7c: {  	_ =	shalt  }
0x7d: {  	_ =	shalt  }
0x7e: {  	_ =	shalt  }
0x7f: {  	_ =	shalt  }
0x80: {  	_ =	shalt  }
0x81: {  	_ =	shalt  }
0x82: {  	_ =	shalt  }
0x83: {  	_ =	shalt  }
0x84: {  	_ =	shalt  }
0x85: {  	_ =	shalt  }
0x86: {  	_ =	shalt  }
0x87: {  	_ =	shalt  }
.Lfunc_end0:
.L_simem_size_0:
called_computation.1_lowered:
.L_overlay_start_0:
0x88: {  	s2 =	sld [smem:$0x3FD9]  }
0x89: {  	s3 =	sld [smem:$0x3FFE];
	_ =	sdelay $0x1  }
0x8a: {  	s1 =	srdreg.scid  }
0x8b: {  	s0 =	sand.u32 $0x1, s1  }
0x8c: {  	s17 =	sshll.u32 s0, $0xA;
	s2 =	sadd.s32 s3, s2  }
0x8d: {  	s2 =	sadd.s32 s2, s17  }
0x8e: {  	[smem:$0x3FC3] =	sst s2  }
0x8f: {  	_ = 	snop  }
0x90: {  	s2 =	sld [smem:$0x3FD0];
	(tm) =	ssettm $0x1  }
0x91: {  	s18 =	sld [smem:$0x3FFB];
	_ =	sdelay $0x3  }
0x92: {  	_ =	strace s18  }
0x93: {  	s3 =	sld [smem:$0x3FFC];
	_ =	sdelay $0x3  }
0x94: {  	_ =	strace s3  }
0x95: {  	s3 =	sld [smem:$0x3FFD];
	_ =	sdelay $0x3  }
0x96: {  	_ =	strace s3  }
0x97: {  	_ =	strace $0x8FFFFFFF  }
0x98: {  	s19 =	sld [smem:$0x3FDB];
	_ =	sdelay $0x1  }
0x99: {  	s4 =	simm.s32 $_scs_section_size  }
0x9a: {  	s5 =	simm.s32 $_size__tile_overlayer_lowered;
	s6 =	simm.s32 $_tile_overlayer_lowered  }
0x9b: {  	s22 =	simm.s32 $0x1BFF;
	s21 =	sshll.u32 s6, $0x1;
	s3 =	sadd.s32 s4, s19  }
0x9c: {  	s7 =	simm.s32 $0x0;
	s20 =	sshll.u32 s5, $0x1;
	s5 =	sadd.s32 s21, s3  }
0x9d: {  	[timem:s7], [sflag:s22] =	dma.local [hbm:s5], s20  }
0x9e: {  	_ =	swait.ge [sflag:s22], s20  }
0x9f: {  	s4 =	ssub.s32 $0x0, s20;
	[sflag:s22] =	ssyncset.done $0x0  }
0xa0: {  	[sflag:s22] =	ssyncadd.s32 s4;
	_ =	sdelay $0x1  }
0xa1: {  	s23 =	simm.s32 $0x1B8B  }
0xa2: {  	_ =	swait.ge [sflag:s23], $0x1  }
0xa3: {  	[sflag:s23] =	ssyncset.done $0x0  }
0xa4: {  	s25 =	simm.s32 $0x1B8E;
	s24 =	sld [smem:$0x3FFE];
	[sflag:s23] =	ssyncadd.s32 $0xFFFFFFFF  }
0xa5: {  	s26 =	simm.s32 $execute0_lowered;
	[smem:$0x3FD2] =	sst s25  }
0xa6: {  	s5 =	sshll.u32 s26, $0x1;
	_ =	strace $0x80000049;
	[dreg:$0x1] =	wrdreg $0xFFFFFFFF  }
0xa7: {  	s28 =	simm.s32 $_size_execute0_lowered;
	s3 =	sadd.s32 s3, s5;
	[dreg:$0x0] =	wrdreg $0x0  }
0xa8: {  	s5 =	sshll.u32 s28, $0x1;
	[dreg:$0x2] =	wrdreg s3  }
0xa9: {  	[dreg:$0x3] =	wrdreg s5  }
0xaa: {  	[dreg:$0x4] =	wrdreg $0xC0  }
0xab: {  	_ =	task [dreg:s7], $0x5FFFF  }
0xac: {  	[dreg:$0x1] =	wrdreg $0xFFFFFFFF  }
0xad: {  	[dreg:$0x0] =	wrdreg $0x60  }
0xae: {  	[dreg:$0x2] =	wrdreg s24  }
0xaf: {  	[dreg:$0x3] =	wrdreg s2  }
0xb0: {  	[dreg:$0x4] =	wrdreg $0x9  }
0xb1: {  	_ =	task.clear_ibuf [dreg:s7], $0x5FFFF;
	_ =	strace $0x90000049  }
0xb2: {  	s29 =	simm.s32 $0x9;
	_ =	strace $0x8000004B  }
0xb3: {  	_ =	swait.ge [sflag:s29], $0x1  }
0xb4: {  	[sflag:s29] =	ssyncadd.s32 $0xFFFFFFFF  }
0xb5: {  	_ =	strace $0x9000004B  }
0xb6: {  	_ =	sfence  }
0xb7: {  	s30 =	sld [smem:$0x0];
	_ =	sdelay $0x2  }
0xb8: {  	s31 =	sshll.u32 s1, $0xD;
	s1 =	sshrl.u32 s1, $0x2  }
0xb9: {  	s3 =	sand.u32 $0x4000, s31;
	s1 =	sadd.s32 s1, s30  }
0xba: {  	s0 =	sor.u32 s3, s0;
	s1 =	sshll.u32 s1, $0x11  }
0xbb: {  	s0 =	sor.u32 s1, s0  }
0xbc: {  	s0 =	sadd.s32 $0x8F2B, s0  }
0xbd: {  	[sflag:s0] =	ssyncadd.remote.s32 $0x1  }
0xbe: {  	_ =	sfence.sel $0xFFFF  }
0xbf: {  	[dreg:$0x0] =	wrdreg $0xFFFFFFFF;
	(pc) =	sbr.abs _section_cstart, $3  }
0xc0: {  	[dreg:$0x1] =	wrdreg $0xFFFFFFFF  }
0xc1: {  	_ =	task.clear_ibuf [dreg:s7], $0x2FFFF;
	_ =	strace $0x9FFFFFFF  }
0xc2: {  	(tm) =	ssettm $0x7FFFFFFF  }
0xc3: {  	_ =	shalt  }
tec
execute0_lowered:
.L_overlay_start_1:
0x0: {  	(tag) =	ssettag $0x1  }
0x1: {  	s0 =	rddreg [dreg:$0x0]  }
0x2: {  	s1 =	rddreg [dreg:$0x1];
	s2 =	simm.s32 $0x0;
	s3 =	srdreg.scid  }
0x3: {  	s5 =	stileid.u32;
	s13 =	simm.s32 $0x3;
	s15 =	simm.s32 $0x18100  }
0x4: {  	s16 =	simm.s32 $0x18180;
	s18 =	simm.s32 $0x13000;
	s19 =	simm.s32 $0x13800  }
0x5: {  	s20 =	simm.s32 $0x14000;
	s21 =	simm.s32 $0x14800;
	s22 =	simm.s32 $0x15000  }
0x6: {  	s23 =	simm.s32 $0x15800;
	s24 =	simm.s32 $0x16000;
	s25 =	simm.s32 $0x16800  }
0x7: {  	s26 =	simm.s32 $0x17000;
	s28 =	simm.s32 $0x17800;
	s29 =	simm.s32 $0x1  }
0x8: {  	s30 =	simm.s32 $0x2;
	s31 =	simm.s32 $0x0;
	[smem:$0x7FF] =	sst s2  }
0x9: {  	s3 =	sand.u32 $0x1, s3;
	s5 =	sshll.u32 s5, $0x4;
	s8 =	sadd.s32 $0x83500, s0  }
0xa: {  	s9 =	sadd.s32 $0x83600, s0;
	s4 =	ssub.s32 $0x2, s3;
	s3 =	sshll.u32 s3, $0x3  }
0xb: {  	_ =	strace $0x8000004A;
	s6 =	sshrl.u32 s4, $0x1;
	s7 =	sor.u32 s3, s5  }
0xc: {  	v2 =	vlaneseq.u32;
	s11 =	ssub.s32 s4, s6;
	s4 =	sadd.s32 s0, s7;
	s10 =	smul.u32 $0x300, s7  }
0xd: {  	vm0 =	vmmov $0xffff;
	v1 =	vshrl.u32 v2, $0x3;
	s3 =	sadd.s32 $0x83400, s0;
	s5 =	sadd.s32 $0x200, s4;
	s6 =	sadd.s32 $0x600, s4  }
0xe: {  	v0 =	vand.u32 $0x7, v2;
	v2 =	vor.u32 $0x8, v2;
	v1 =	vmul.u32 $0x8, v1;
	s7 =	sadd.s32 $0x800, s4;
	s11 =	smax.u32 s11, $0x1;
	s10 =	sadd.s32 s1, s10  }
.LBB2_1:
0xf: {  	s0 =	simm.s32 $0x18000  }
0x10: {  	[tilespmem:s0], [sflag:$0x3] =	stream.linear.gather [hbm4b:s4+s2], $0x40, $0x38;
	[tilespmem:$0x18200] =	vst v63  }
0x11: {  	_ =	swait.ge [sflag:s13], $0x40  }
0x12: {  	[sflag:s13] =	ssyncset.done $0x0  }
0x13: {  	s12 =	simm.s32 $0x18080;
	[sflag:s13] =	ssyncadd.s32 $0xFFFFFFC0  }
0x14: {  	[tilespmem:s12], [sflag:$0x3] =	stream.linear.gather [hbm4b:s5+s2], $0x40, $0x38;
	[tilespmem:$0x18200] =	vst v63  }
0x15: {  	_ =	swait.ge [sflag:s13], $0x40  }
0x16: {  	[sflag:s13] =	ssyncset.done $0x0  }
0x17: {  	[sflag:s13] =	ssyncadd.s32 $0xFFFFFFC0  }
0x18: {  	[tilespmem:s15], [sflag:$0x3] =	stream.linear.gather [hbm4b:s6+s2], $0x40, $0x38;
	[tilespmem:$0x18200] =	vst v63  }
0x19: {  	_ =	swait.ge [sflag:s13], $0x40  }
0x1a: {  	[sflag:s13] =	ssyncset.done $0x0  }
0x1b: {  	[sflag:s13] =	ssyncadd.s32 $0xFFFFFFC0  }
0x1c: {  	[tilespmem:s16], [sflag:$0x3] =	stream.linear.gather [hbm4b:s7+s2], $0x40, $0x38;
	[tilespmem:$0x18200] =	vst v63  }
0x1d: {  	_ =	swait.ge [sflag:s13], $0x40  }
0x1e: {  	[sflag:s13] =	ssyncset.done $0x0  }
0x1f: {  	[sflag:s13] =	ssyncadd.s32 $0xFFFFFFC0  }
0x20: {  	v3 =	vld [tilespmem:$0x18000];
	_ =	sdelay $0x4  }
0x21: {  	v4 =	vshrl.u32 v3, $0x3  }
0x22: {  	v4 =	vmul.u32 $0x30, v4  }
0x23: {  	v3 =	vand.u32 $0x7, v3  }
0x24: {  	v3 =	vor.u32 v3, v4  }
0x25: {  	v4 =	vperm.xlane v3, v0;
	_ =	sdelay $0x1  }
0x26: {  	v4 =	vadd.s32 v1, v4;
	_ =	sdelay $0x3  }
0x27: {  	v3 =	vperm.xlane v3, v2  }
0x28: {  	[tilespmem:s2], [sflag:$0x1] =	stream.indirect_vreg.gather [hbm4b:s3+s2], $0x80, v4, vm0, $0xb8;
	[tilespmem:$0x18200] =	vst v63  }
0x29: {  	s14 =	simm.s32 $0x800;
	v3 =	vadd.s32 v1, v3  }
0x2a: {  	[tilespmem:s14], [sflag:$0x1] =	stream.indirect_vreg.gather [hbm4b:s8+s2], $0x80, v4, vm0, $0xb8;
	[tilespmem:$0x18200] =	vst v63  }
0x2b: {  	s17 =	simm.s32 $0x1000  }
0x2c: {  	[tilespmem:s17], [sflag:$0x1] =	stream.indirect_vreg.gather [hbm4b:s9+s2], $0x80, v4, vm0, $0xb8;
	[tilespmem:$0x18200] =	vst v63  }
0x2d: {  	s1 =	simm.s32 $0x1800  }
0x2e: {  	[tilespmem:s1], [sflag:$0x1] =	stream.indirect_vreg.gather [hbm4b:s3+s2], $0x80, v3, vm0, $0xb8;
	[tilespmem:$0x18200] =	vst v63  }
0x2f: {  	s12 =	simm.s32 $0x2000  }
0x30: {  	[tilespmem:s12], [sflag:$0x1] =	stream.indirect_vreg.gather [hbm4b:s8+s2], $0x80, v3, vm0, $0xb8;
	[tilespmem:$0x18200] =	vst v63  }
0x31: {  	s14 =	simm.s32 $0x2800  }
0x32: {  	[tilespmem:s14], [sflag:$0x1] =	stream.indirect_vreg.gather [hbm4b:s9+s2], $0x80, v3, vm0, $0xb8;
	[tilespmem:$0x18200] =	vst v63  }
0x33: {  	v3 =	vld [tilespmem:$0x18010];
	_ =	sdelay $0x4  }
0x34: {  	v4 =	vshrl.u32 v3, $0x3  }
0x35: {  	v4 =	vmul.u32 $0x30, v4  }
0x36: {  	v3 =	vand.u32 $0x7, v3  }
0x37: {  	v3 =	vor.u32 v3, v4  }
0x38: {  	v4 =	vperm.xlane v3, v0;
	_ =	sdelay $0x1  }
0x39: {  	v4 =	vadd.s32 v1, v4;
	_ =	sdelay $0x3  }
0x3a: {  	s17 =	simm.s32 $0x3000;
	v3 =	vperm.xlane v3, v2  }
0x3b: {  	[tilespmem:s17], [sflag:$0x1] =	stream.indirect_vreg.gather [hbm4b:s3+s2], $0x80, v4, vm0, $0xb8;
	[tilespmem:$0x18200] =	vst v63  }
0x3c: {  	s1 =	simm.s32 $0x3800;
	v3 =	vadd.s32 v1, v3  }
0x3d: {  	[tilespmem:s1], [sflag:$0x1] =	stream.indirect_vreg.gather [hbm4b:s8+s2], $0x80, v4, vm0, $0xb8;
	[tilespmem:$0x18200] =	vst v63  }
0x3e: {  	s12 =	simm.s32 $0x4000  }
0x3f: {  	[tilespmem:s12], [sflag:$0x1] =	stream.indirect_vreg.gather [hbm4b:s9+s2], $0x80, v4, vm0, $0xb8;
	[tilespmem:$0x18200] =	vst v63  }
0x40: {  	s14 =	simm.s32 $0x4800  }
0x41: {  	[tilespmem:s14], [sflag:$0x1] =	stream.indirect_vreg.gather [hbm4b:s3+s2], $0x80, v3, vm0, $0xb8;
	[tilespmem:$0x18200] =	vst v63  }
0x42: {  	s17 =	simm.s32 $0x5000  }
0x43: {  	[tilespmem:s17], [sflag:$0x1] =	stream.indirect_vreg.gather [hbm4b:s8+s2], $0x80, v3, vm0, $0xb8;
	[tilespmem:$0x18200] =	vst v63  }
0x44: {  	s1 =	simm.s32 $0x5800  }
0x45: {  	[tilespmem:s1], [sflag:$0x1] =	stream.indirect_vreg.gather [hbm4b:s9+s2], $0x80, v3, vm0, $0xb8;
	[tilespmem:$0x18200] =	vst v63  }
0x46: {  	v3 =	vld [tilespmem:$0x18020];
	_ =	sdelay $0x4  }
0x47: {  	v4 =	vshrl.u32 v3, $0x3  }
0x48: {  	v4 =	vmul.u32 $0x30, v4  }
0x49: {  	v3 =	vand.u32 $0x7, v3  }
0x4a: {  	v3 =	vor.u32 v3, v4  }
0x4b: {  	v4 =	vperm.xlane v3, v0;
	_ =	sdelay $0x1  }
0x4c: {  	v4 =	vadd.s32 v1, v4;
	_ =	sdelay $0x3  }
0x4d: {  	s12 =	simm.s32 $0x6000;
	v3 =	vperm.xlane v3, v2  }
0x4e: {  	[tilespmem:s12], [sflag:$0x1] =	stream.indirect_vreg.gather [hbm4b:s3+s2], $0x80, v4, vm0, $0xb8;
	[tilespmem:$0x18200] =	vst v63  }
0x4f: {  	s14 =	simm.s32 $0x6800;
	v3 =	vadd.s32 v1, v3  }
0x50: {  	[tilespmem:s14], [sflag:$0x1] =	stream.indirect_vreg.gather [hbm4b:s8+s2], $0x80, v4, vm0, $0xb8;
	[tilespmem:$0x18200] =	vst v63  }
0x51: {  	s17 =	simm.s32 $0x7000  }
0x52: {  	[tilespmem:s17], [sflag:$0x1] =	stream.indirect_vreg.gather [hbm4b:s9+s2], $0x80, v4, vm0, $0xb8;
	[tilespmem:$0x18200] =	vst v63  }
0x53: {  	s1 =	simm.s32 $0x7800  }
0x54: {  	[tilespmem:s1], [sflag:$0x1] =	stream.indirect_vreg.gather [hbm4b:s3+s2], $0x80, v3, vm0, $0xb8;
	[tilespmem:$0x18200] =	vst v63  }
0x55: {  	s12 =	simm.s32 $0x8000  }
0x56: {  	[tilespmem:s12], [sflag:$0x1] =	stream.indirect_vreg.gather [hbm4b:s8+s2], $0x80, v3, vm0, $0xb8;
	[tilespmem:$0x18200] =	vst v63  }
0x57: {  	s14 =	simm.s32 $0x8800  }
0x58: {  	[tilespmem:s14], [sflag:$0x1] =	stream.indirect_vreg.gather [hbm4b:s9+s2], $0x80, v3, vm0, $0xb8;
	[tilespmem:$0x18200] =	vst v63  }
0x59: {  	v3 =	vld [tilespmem:$0x18030];
	_ =	sdelay $0x4  }
0x5a: {  	v4 =	vshrl.u32 v3, $0x3  }
0x5b: {  	v4 =	vmul.u32 $0x30, v4  }
0x5c: {  	v3 =	vand.u32 $0x7, v3  }
0x5d: {  	v3 =	vor.u32 v3, v4  }
0x5e: {  	v4 =	vperm.xlane v3, v0;
	_ =	sdelay $0x1  }
0x5f: {  	v4 =	vadd.s32 v1, v4;
	_ =	sdelay $0x3  }
0x60: {  	s17 =	simm.s32 $0x9000;
	v3 =	vperm.xlane v3, v2  }
0x61: {  	[tilespmem:s17], [sflag:$0x1] =	stream.indirect_vreg.gather [hbm4b:s3+s2], $0x80, v4, vm0, $0xb8;
	[tilespmem:$0x18200] =	vst v63  }
0x62: {  	s1 =	simm.s32 $0x9800;
	v3 =	vadd.s32 v1, v3  }
0x63: {  	[tilespmem:s1], [sflag:$0x1] =	stream.indirect_vreg.gather [hbm4b:s8+s2], $0x80, v4, vm0, $0xb8;
	[tilespmem:$0x18200] =	vst v63  }
0x64: {  	s12 =	simm.s32 $0xA000  }
0x65: {  	[tilespmem:s12], [sflag:$0x1] =	stream.indirect_vreg.gather [hbm4b:s9+s2], $0x80, v4, vm0, $0xb8;
	[tilespmem:$0x18200] =	vst v63  }
0x66: {  	s14 =	simm.s32 $0xA800  }
0x67: {  	[tilespmem:s14], [sflag:$0x1] =	stream.indirect_vreg.gather [hbm4b:s3+s2], $0x80, v3, vm0, $0xb8;
	[tilespmem:$0x18200] =	vst v63  }
0x68: {  	s17 =	simm.s32 $0xB000  }
0x69: {  	[tilespmem:s17], [sflag:$0x1] =	stream.indirect_vreg.gather [hbm4b:s8+s2], $0x80, v3, vm0, $0xb8;
	[tilespmem:$0x18200] =	vst v63  }
0x6a: {  	s1 =	simm.s32 $0xB800  }
0x6b: {  	[tilespmem:s1], [sflag:$0x1] =	stream.indirect_vreg.gather [hbm4b:s9+s2], $0x80, v3, vm0, $0xb8;
	[tilespmem:$0x18200] =	vst v63  }
0x6c: {  	v3 =	vld [tilespmem:$0x18080];
	_ =	sdelay $0x4  }
0x6d: {  	v4 =	vshrl.u32 v3, $0x3  }
0x6e: {  	v4 =	vmul.u32 $0x30, v4  }
0x6f: {  	v3 =	vand.u32 $0x7, v3  }
0x70: {  	v3 =	vor.u32 v3, v4  }
0x71: {  	v4 =	vperm.xlane v3, v0;
	_ =	sdelay $0x1  }
0x72: {  	v4 =	vadd.s32 v1, v4;
	_ =	sdelay $0x3  }
0x73: {  	s12 =	simm.s32 $0xC000;
	v3 =	vperm.xlane v3, v2  }
0x74: {  	[tilespmem:s12], [sflag:$0x2] =	stream.indirect_vreg.gather [hbm4b:s3+s2], $0x80, v4, vm0, $0xb8;
	[tilespmem:$0x18200] =	vst v63  }
0x75: {  	s14 =	simm.s32 $0xC800;
	v3 =	vadd.s32 v1, v3  }
0x76: {  	[tilespmem:s14], [sflag:$0x2] =	stream.indirect_vreg.gather [hbm4b:s8+s2], $0x80, v4, vm0, $0xb8;
	[tilespmem:$0x18200] =	vst v63  }
0x77: {  	s17 =	simm.s32 $0xD000  }
0x78: {  	[tilespmem:s17], [sflag:$0x2] =	stream.indirect_vreg.gather [hbm4b:s9+s2], $0x80, v4, vm0, $0xb8;
	[tilespmem:$0x18200] =	vst v63  }
0x79: {  	s1 =	simm.s32 $0xD800  }
0x7a: {  	[tilespmem:s1], [sflag:$0x2] =	stream.indirect_vreg.gather [hbm4b:s3+s2], $0x80, v3, vm0, $0xb8;
	[tilespmem:$0x18200] =	vst v63  }
0x7b: {  	s12 =	simm.s32 $0xE000  }
0x7c: {  	[tilespmem:s12], [sflag:$0x2] =	stream.indirect_vreg.gather [hbm4b:s8+s2], $0x80, v3, vm0, $0xb8;
	[tilespmem:$0x18200] =	vst v63  }
0x7d: {  	s14 =	simm.s32 $0xE800  }
0x7e: {  	[tilespmem:s14], [sflag:$0x2] =	stream.indirect_vreg.gather [hbm4b:s9+s2], $0x80, v3, vm0, $0xb8;
	[tilespmem:$0x18200] =	vst v63  }
0x7f: {  	v3 =	vld [tilespmem:$0x18090];
	_ =	sdelay $0x4  }
0x80: {  	v4 =	vshrl.u32 v3, $0x3  }
0x81: {  	v4 =	vmul.u32 $0x30, v4  }
0x82: {  	v3 =	vand.u32 $0x7, v3  }
0x83: {  	v3 =	vor.u32 v3, v4  }
0x84: {  	v4 =	vperm.xlane v3, v0;
	_ =	sdelay $0x1  }
0x85: {  	v4 =	vadd.s32 v1, v4;
	_ =	sdelay $0x3  }
0x86: {  	s17 =	simm.s32 $0xF000;
	v3 =	vperm.xlane v3, v2  }
0x87: {  	[tilespmem:s17], [sflag:$0x2] =	stream.indirect_vreg.gather [hbm4b:s3+s2], $0x80, v4, vm0, $0xb8;
	[tilespmem:$0x18200] =	vst v63  }
0x88: {  	s1 =	simm.s32 $0xF800;
	v3 =	vadd.s32 v1, v3  }
0x89: {  	[tilespmem:s1], [sflag:$0x2] =	stream.indirect_vreg.gather [hbm4b:s8+s2], $0x80, v4, vm0, $0xb8;
	[tilespmem:$0x18200] =	vst v63  }
0x8a: {  	s12 =	simm.s32 $0x10000  }
0x8b: {  	[tilespmem:s12], [sflag:$0x2] =	stream.indirect_vreg.gather [hbm4b:s9+s2], $0x80, v4, vm0, $0xb8;
	[tilespmem:$0x18200] =	vst v63  }
0x8c: {  	s14 =	simm.s32 $0x10800  }
0x8d: {  	[tilespmem:s14], [sflag:$0x2] =	stream.indirect_vreg.gather [hbm4b:s3+s2], $0x80, v3, vm0, $0xb8;
	[tilespmem:$0x18200] =	vst v63  }
0x8e: {  	s17 =	simm.s32 $0x11000  }
0x8f: {  	[tilespmem:s17], [sflag:$0x2] =	stream.indirect_vreg.gather [hbm4b:s8+s2], $0x80, v3, vm0, $0xb8;
	[tilespmem:$0x18200] =	vst v63  }
0x90: {  	s1 =	simm.s32 $0x11800  }
0x91: {  	[tilespmem:s1], [sflag:$0x2] =	stream.indirect_vreg.gather [hbm4b:s9+s2], $0x80, v3, vm0, $0xb8;
	[tilespmem:$0x18200] =	vst v63  }
0x92: {  	v3 =	vld [tilespmem:$0x180A0];
	_ =	sdelay $0x4  }
0x93: {  	v4 =	vshrl.u32 v3, $0x3  }
0x94: {  	v4 =	vmul.u32 $0x30, v4  }
0x95: {  	v3 =	vand.u32 $0x7, v3  }
0x96: {  	v3 =	vor.u32 v3, v4  }
0x97: {  	v4 =	vperm.xlane v3, v0;
	_ =	sdelay $0x1  }
0x98: {  	v4 =	vadd.s32 v1, v4;
	_ =	sdelay $0x3  }
0x99: {  	s12 =	simm.s32 $0x12000;
	v3 =	vperm.xlane v3, v2  }
0x9a: {  	[tilespmem:s12], [sflag:$0x2] =	stream.indirect_vreg.gather [hbm4b:s3+s2], $0x80, v4, vm0, $0xb8;
	[tilespmem:$0x18200] =	vst v63  }
0x9b: {  	s14 =	simm.s32 $0x12800;
	v3 =	vadd.s32 v1, v3  }
0x9c: {  	[tilespmem:s14], [sflag:$0x2] =	stream.indirect_vreg.gather [hbm4b:s8+s2], $0x80, v4, vm0, $0xb8;
	[tilespmem:$0x18200] =	vst v63  }
0x9d: {  	_ = 	snop  }
0x9e: {  	[tilespmem:s18], [sflag:$0x2] =	stream.indirect_vreg.gather [hbm4b:s9+s2], $0x80, v4, vm0, $0xb8;
	[tilespmem:$0x18200] =	vst v63  }
0x9f: {  	_ = 	snop  }
0xa0: {  	[tilespmem:s19], [sflag:$0x2] =	stream.indirect_vreg.gather [hbm4b:s3+s2], $0x80, v3, vm0, $0xb8;
	[tilespmem:$0x18200] =	vst v63  }
0xa1: {  	_ = 	snop  }
0xa2: {  	[tilespmem:s20], [sflag:$0x2] =	stream.indirect_vreg.gather [hbm4b:s8+s2], $0x80, v3, vm0, $0xb8;
	[tilespmem:$0x18200] =	vst v63  }
0xa3: {  	_ = 	snop  }
0xa4: {  	[tilespmem:s21], [sflag:$0x2] =	stream.indirect_vreg.gather [hbm4b:s9+s2], $0x80, v3, vm0, $0xb8;
	[tilespmem:$0x18200] =	vst v63  }
0xa5: {  	v3 =	vld [tilespmem:$0x180B0];
	_ =	sdelay $0x4  }
0xa6: {  	v4 =	vshrl.u32 v3, $0x3  }
0xa7: {  	v4 =	vmul.u32 $0x30, v4  }
0xa8: {  	v3 =	vand.u32 $0x7, v3  }
0xa9: {  	v3 =	vor.u32 v3, v4  }
0xaa: {  	v4 =	vperm.xlane v3, v0;
	_ =	sdelay $0x1  }
0xab: {  	v4 =	vadd.s32 v1, v4;
	_ =	sdelay $0x3  }
0xac: {  	v3 =	vperm.xlane v3, v2  }
0xad: {  	[tilespmem:s22], [sflag:$0x2] =	stream.indirect_vreg.gather [hbm4b:s3+s2], $0x80, v4, vm0, $0xb8;
	[tilespmem:$0x18200] =	vst v63  }
0xae: {  	v3 =	vadd.s32 v1, v3  }
0xaf: {  	[tilespmem:s23], [sflag:$0x2] =	stream.indirect_vreg.gather [hbm4b:s8+s2], $0x80, v4, vm0, $0xb8;
	[tilespmem:$0x18200] =	vst v63  }
0xb0: {  	_ = 	snop  }
0xb1: {  	[tilespmem:s24], [sflag:$0x2] =	stream.indirect_vreg.gather [hbm4b:s9+s2], $0x80, v4, vm0, $0xb8;
	[tilespmem:$0x18200] =	vst v63  }
0xb2: {  	_ = 	snop  }
0xb3: {  	[tilespmem:s25], [sflag:$0x2] =	stream.indirect_vreg.gather [hbm4b:s3+s2], $0x80, v3, vm0, $0xb8;
	[tilespmem:$0x18200] =	vst v63  }
0xb4: {  	_ = 	snop  }
0xb5: {  	[tilespmem:s26], [sflag:$0x2] =	stream.indirect_vreg.gather [hbm4b:s8+s2], $0x80, v3, vm0, $0xb8;
	[tilespmem:$0x18200] =	vst v63  }
0xb6: {  	_ = 	snop  }
0xb7: {  	[tilespmem:s28], [sflag:$0x2] =	stream.indirect_vreg.gather [hbm4b:s9+s2], $0x80, v3, vm0, $0xb8;
	[tilespmem:$0x18200] =	vst v63  }
0xb8: {  	_ =	swait.ge [sflag:s29], $0xC000  }
0xb9: {  	[sflag:s29] =	ssyncset.done $0x0  }
0xba: {  	s17 =	simm.s32 $0x0;
	[sflag:s29] =	ssyncadd.s32 $0xFFFF4000  }
0xbb: {  	s0 =	smul.u32 $0x1800, s17;
	_ =	swait.ge [sflag:s30], $0xC000  }
0xbc: {  	s1 =	sand.u32 $0x380, s2;
	[sflag:s30] =	ssyncset.done $0x0  }
0xbd: {  	s0 =	sor.u32 s1, s0;
	[sflag:s30] =	ssyncadd.s32 $0xFFFF4000  }
0xbe: {  	v4 =	vld [tilespmem:s0+$0x10]  }
0xbf: {  	v3 =	vld [tilespmem:s0+$0xC010]  }
0xc0: {  	v6 =	vld [tilespmem:s0+$0x20]  }
0xc1: {  	v5 =	vld [tilespmem:s0+$0xC020]  }
0xc2: {  	v8 =	vld [tilespmem:s0+$0x30]  }
0xc3: {  	v7 =	vld [tilespmem:s0+$0xC030]  }
0xc4: {  	v10 =	vld [tilespmem:s0+$0x40]  }
0xc5: {  	v9 =	vld [tilespmem:s0+$0xC040]  }
0xc6: {  	v12 =	vld [tilespmem:s0+$0x50]  }
0xc7: {  	v11 =	vld [tilespmem:s0+$0xC050]  }
0xc8: {  	v13 =	vld [tilespmem:s0+$0x60]  }
0xc9: {  	v14 =	vld [tilespmem:s0+$0x70]  }
0xca: {  	v15 =	vld [tilespmem:s0+$0x400]  }
0xcb: {  	v16 =	vld [tilespmem:s0+$0x410]  }
0xcc: {  	v17 =	vld [tilespmem:s0+$0x420]  }
0xcd: {  	v18 =	vld [tilespmem:s0+$0x430]  }
0xce: {  	v19 =	vld [tilespmem:s0+$0x440]  }
0xcf: {  	v20 =	vld [tilespmem:s0+$0x450]  }
0xd0: {  	v21 =	vld [tilespmem:s0+$0x460]  }
0xd1: {  	v22 =	vld [tilespmem:s0+$0x470]  }
0xd2: {  	v23 =	vld [tilespmem:s0+$0x800]  }
0xd3: {  	v24 =	vld [tilespmem:s0+$0x810]  }
0xd4: {  	v25 =	vld [tilespmem:s0+$0x820]  }
0xd5: {  	v26 =	vld [tilespmem:s0+$0x830]  }
0xd6: {  	v27 =	vld [tilespmem:s0+$0x840]  }
0xd7: {  	v28 =	vld [tilespmem:s0+$0x850]  }
0xd8: {  	v29 =	vld [tilespmem:s0+$0x860]  }
0xd9: {  	v30 =	vld [tilespmem:s0+$0x870]  }
0xda: {  	v32 =	vld [tilespmem:s0+$0xC00]  }
0xdb: {  	v34 =	vld [tilespmem:s0+$0xC10]  }
0xdc: {  	v35 =	vld [tilespmem:s0+$0xC20]  }
0xdd: {  	v36 =	vld [tilespmem:s0+$0xC30]  }
0xde: {  	v37 =	vld [tilespmem:s0+$0xC40]  }
0xdf: {  	v38 =	vld [tilespmem:s0+$0xC50]  }
0xe0: {  	v39 =	vld [tilespmem:s0+$0xC60]  }
0xe1: {  	v40 =	vld [tilespmem:s0+$0xC70]  }
0xe2: {  	v41 =	vld [tilespmem:s0+$0x1000]  }
0xe3: {  	v42 =	vld [tilespmem:s0+$0x1010]  }
0xe4: {  	v43 =	vld [tilespmem:s0+$0x1020]  }
0xe5: {  	v44 =	vld [tilespmem:s0+$0x1030]  }
0xe6: {  	v45 =	vld [tilespmem:s0+$0x1040]  }
0xe7: {  	v46 =	vld [tilespmem:s0+$0x1050]  }
0xe8: {  	v47 =	vld [tilespmem:s0+$0x1060]  }
0xe9: {  	v50 =	vmov s2;
	v48 =	vld [tilespmem:s0+$0x1400]  }
0xea: {  	s1 =	simm.s32 $0x1;
	s12 =	simm.s32 $0x0;
	v49 =	vld [tilespmem:s0+$0x1410]  }
.LBB2_2:
0xeb: {  	p0 =	sne.s32 s1, $0x3F;
	v51 =	vld [tilespmem:s0+$0xD410]  }
0xec: {  	v52 =	vld [tilespmem:s0+$0xD430]  }
0xed: {  	v53 =	vld [tilespmem:s0+$0x1420]  }
0xee: {  	v33 =	vld.idx.msk [tilespmem:v50+s15+$0x0], $0xffff  }
0xef: {  	v31 =	vld.idx.msk [tilespmem:v50+s16+$0x0], $0xffff  }
0xf0: {  	v50 =	vld [tilespmem:s0+$0x1430]  }
0xf1: {  	v54 =	vld [tilespmem:s0+$0xD420]  }
0xf2: {  	v55 =	vld [tilespmem:s0+$0xD400]  }
0xf3: {  	v56 =	vld [tilespmem:s0+$0x1070]  }
0xf4: {  	v49 =	vmul.f32 v49, v33;
	v53 =	vmul.f32 v53, v33;
	v57 =	vld [tilespmem:s0+$0xD070]  }
0xf5: {  	v52 =	vmul.f32 v52, v31;
	v58 =	vld [tilespmem:s0+$0xD060];
	v50 =	vmul.f32 v50, v33  }
0xf6: {  	v51 =	vmul.f32 v51, v31;
	v59 =	vld [tilespmem:s0+$0xD050];
	v54 =	vmul.f32 v54, v31  }
0xf7: {  	v48 =	vmul.f32 v48, v33;
	v60 =	vld [tilespmem:s0+$0xD040];
	v55 =	vmul.f32 v55, v31;
	v50 =	vadd.f32 v52, v50  }
0xf8: {  	v49 =	vadd.f32 v51, v49;
	v52 =	vld [tilespmem:s0+$0xD030];
	v56 =	vmul.f32 v56, v33;
	v51 =	vadd.f32 v54, v53  }
0xf9: {  	v47 =	vmul.f32 v47, v33;
	v53 =	vld [tilespmem:s0+$0xD020];
	v54 =	vmul.f32 v57, v31;
	v48 =	vadd.f32 v55, v48;
	[tilespmem:s0+$0x1430] =	vst v50  }
0xfa: {  	v46 =	vmul.f32 v46, v33;
	v50 =	vld [tilespmem:s0+$0xD010];
	v55 =	vmul.f32 v58, v31;
	[tilespmem:s0+$0x1420] =	vst v51  }
0xfb: {  	v45 =	vmul.f32 v45, v33;
	v51 =	vld [tilespmem:s0+$0xD000];
	v57 =	vmul.f32 v59, v31;
	v54 =	vadd.f32 v54, v56;
	[tilespmem:s0+$0x1410] =	vst v49  }
0xfc: {  	v44 =	vmul.f32 v44, v33;
	v49 =	vld [tilespmem:s0+$0xCC70];
	v56 =	vmul.f32 v60, v31;
	v47 =	vadd.f32 v55, v47;
	[tilespmem:s0+$0x1400] =	vst v48  }
0xfd: {  	v43 =	vmul.f32 v43, v33;
	v48 =	vld [tilespmem:s0+$0xCC60];
	v52 =	vmul.f32 v52, v31;
	v46 =	vadd.f32 v57, v46;
	[tilespmem:s0+$0x1070] =	vst v54  }
0xfe: {  	v42 =	vmul.f32 v42, v33;
	v54 =	vld [tilespmem:s0+$0xCC50];
	v53 =	vmul.f32 v53, v31;
	v45 =	vadd.f32 v56, v45;
	[tilespmem:s0+$0x1060] =	vst v47  }
0xff: {  	v41 =	vmul.f32 v41, v33;
	v47 =	vld [tilespmem:s0+$0xCC40];
	v50 =	vmul.f32 v50, v31;
	v44 =	vadd.f32 v52, v44;
	[tilespmem:s0+$0x1050] =	vst v46  }
0x100: {  	v40 =	vmul.f32 v40, v33;
	v46 =	vld [tilespmem:s0+$0xCC30];
	v51 =	vmul.f32 v51, v31;
	v43 =	vadd.f32 v53, v43;
	[tilespmem:s0+$0x1040] =	vst v45  }
0x101: {  	v39 =	vmul.f32 v39, v33;
	v45 =	vld [tilespmem:s0+$0xCC20];
	v49 =	vmul.f32 v49, v31;
	v42 =	vadd.f32 v50, v42;
	[tilespmem:s0+$0x1030] =	vst v44  }
0x102: {  	v38 =	vmul.f32 v38, v33;
	v44 =	vld [tilespmem:s0+$0xCC10];
	v48 =	vmul.f32 v48, v31;
	v41 =	vadd.f32 v51, v41;
	[tilespmem:s0+$0x1020] =	vst v43  }
0x103: {  	v37 =	vmul.f32 v37, v33;
	v43 =	vld [tilespmem:s0+$0xCC00];
	v50 =	vmul.f32 v54, v31;
	v40 =	vadd.f32 v49, v40;
	[tilespmem:s0+$0x1010] =	vst v42  }
0x104: {  	v36 =	vmul.f32 v36, v33;
	v42 =	vld [tilespmem:s0+$0xC870];
	v47 =	vmul.f32 v47, v31;
	v39 =	vadd.f32 v48, v39;
	[tilespmem:s0+$0x1000] =	vst v41  }
0x105: {  	v35 =	vmul.f32 v35, v33;
	v41 =	vld [tilespmem:s0+$0xC860];
	v46 =	vmul.f32 v46, v31;
	v38 =	vadd.f32 v50, v38;
	[tilespmem:s0+$0xC70] =	vst v40  }
0x106: {  	v34 =	vmul.f32 v34, v33;
	v40 =	vld [tilespmem:s0+$0xC850];
	v45 =	vmul.f32 v45, v31;
	v37 =	vadd.f32 v47, v37;
	[tilespmem:s0+$0xC60] =	vst v39  }
0x107: {  	v32 =	vmul.f32 v32, v33;
	v39 =	vld [tilespmem:s0+$0xC840];
	v44 =	vmul.f32 v44, v31;
	v36 =	vadd.f32 v46, v36;
	[tilespmem:s0+$0xC50] =	vst v38  }
0x108: {  	v30 =	vmul.f32 v30, v33;
	v38 =	vld [tilespmem:s0+$0xC830];
	v43 =	vmul.f32 v43, v31;
	v35 =	vadd.f32 v45, v35;
	[tilespmem:s0+$0xC40] =	vst v37  }
0x109: {  	v29 =	vmul.f32 v29, v33;
	v37 =	vld [tilespmem:s0+$0xC820];
	v42 =	vmul.f32 v42, v31;
	v34 =	vadd.f32 v44, v34;
	[tilespmem:s0+$0xC30] =	vst v36  }
0x10a: {  	v28 =	vmul.f32 v28, v33;
	v36 =	vld [tilespmem:s0+$0xC810];
	v41 =	vmul.f32 v41, v31;
	v32 =	vadd.f32 v43, v32;
	[tilespmem:s0+$0xC20] =	vst v35  }
0x10b: {  	v27 =	vmul.f32 v27, v33;
	v35 =	vld [tilespmem:s0+$0xC800];
	v40 =	vmul.f32 v40, v31;
	v30 =	vadd.f32 v42, v30;
	[tilespmem:s0+$0xC10] =	vst v34  }
0x10c: {  	v26 =	vmul.f32 v26, v33;
	v34 =	vld [tilespmem:s0+$0xC470];
	v39 =	vmul.f32 v39, v31;
	v29 =	vadd.f32 v41, v29;
	[tilespmem:s0+$0xC00] =	vst v32  }
0x10d: {  	v25 =	vmul.f32 v25, v33;
	v32 =	vld [tilespmem:s0+$0xC460];
	v38 =	vmul.f32 v38, v31;
	v28 =	vadd.f32 v40, v28;
	[tilespmem:s0+$0x870] =	vst v30  }
0x10e: {  	v24 =	vmul.f32 v24, v33;
	v30 =	vld [tilespmem:s0+$0xC450];
	v37 =	vmul.f32 v37, v31;
	v27 =	vadd.f32 v39, v27;
	[tilespmem:s0+$0x860] =	vst v29  }
0x10f: {  	v23 =	vmul.f32 v23, v33;
	v29 =	vld [tilespmem:s0+$0xC440];
	v36 =	vmul.f32 v36, v31;
	v26 =	vadd.f32 v38, v26;
	[tilespmem:s0+$0x850] =	vst v28  }
0x110: {  	v22 =	vmul.f32 v22, v33;
	v28 =	vld [tilespmem:s0+$0xC430];
	v35 =	vmul.f32 v35, v31;
	v25 =	vadd.f32 v37, v25;
	[tilespmem:s0+$0x840] =	vst v27  }
0x111: {  	v21 =	vmul.f32 v21, v33;
	v27 =	vld [tilespmem:s0+$0xC420];
	v34 =	vmul.f32 v34, v31;
	v24 =	vadd.f32 v36, v24;
	[tilespmem:s0+$0x830] =	vst v26  }
0x112: {  	v20 =	vmul.f32 v20, v33;
	v26 =	vld [tilespmem:s0+$0xC410];
	v32 =	vmul.f32 v32, v31;
	v23 =	vadd.f32 v35, v23;
	[tilespmem:s0+$0x820] =	vst v25  }
0x113: {  	v19 =	vmul.f32 v19, v33;
	v25 =	vld [tilespmem:s0+$0xC400];
	v30 =	vmul.f32 v30, v31;
	v22 =	vadd.f32 v34, v22;
	[tilespmem:s0+$0x810] =	vst v24  }
0x114: {  	v18 =	vmul.f32 v18, v33;
	v24 =	vld [tilespmem:s0+$0xC070];
	v29 =	vmul.f32 v29, v31;
	v21 =	vadd.f32 v32, v21;
	[tilespmem:s0+$0x800] =	vst v23  }
0x115: {  	v17 =	vmul.f32 v17, v33;
	v23 =	vld [tilespmem:s0+$0xC060];
	v28 =	vmul.f32 v28, v31;
	v20 =	vadd.f32 v30, v20;
	[tilespmem:s0+$0x470] =	vst v22  }
0x116: {  	v16 =	vmul.f32 v16, v33;
	v22 =	vmul.f32 v27, v31;
	v19 =	vadd.f32 v29, v19;
	[tilespmem:s0+$0x460] =	vst v21;
	v21 =	vld [tilespmem:s0+$0xD440]  }
0x117: {  	v15 =	vmul.f32 v15, v33;
	v26 =	vmul.f32 v26, v31;
	v18 =	vadd.f32 v28, v18;
	[tilespmem:s0+$0x450] =	vst v20;
	v20 =	vld [tilespmem:s0+$0xD450]  }
0x118: {  	v14 =	vmul.f32 v14, v33;
	v25 =	vmul.f32 v25, v31;
	v17 =	vadd.f32 v22, v17;
	[tilespmem:s0+$0x440] =	vst v19;
	v19 =	vld [tilespmem:s0+$0xD460]  }
0x119: {  	v13 =	vmul.f32 v13, v33;
	v22 =	vmul.f32 v24, v31;
	v16 =	vadd.f32 v26, v16;
	[tilespmem:s0+$0x430] =	vst v18;
	v18 =	vld [tilespmem:s0+$0xD470]  }
0x11a: {  	v12 =	vmul.f32 v12, v33;
	v23 =	vmul.f32 v23, v31;
	v15 =	vadd.f32 v25, v15;
	[tilespmem:s0+$0x420] =	vst v17;
	v17 =	vld [tilespmem:s0+$0x1440]  }
0x11b: {  	v10 =	vmul.f32 v10, v33;
	v11 =	vmul.f32 v11, v31;
	v14 =	vadd.f32 v22, v14;
	[tilespmem:s0+$0x410] =	vst v16;
	v16 =	vld [tilespmem:s0+$0x1450]  }
0x11c: {  	v8 =	vmul.f32 v8, v33;
	v9 =	vmul.f32 v9, v31;
	v13 =	vadd.f32 v23, v13;
	[tilespmem:s0+$0x400] =	vst v15;
	v15 =	vld [tilespmem:s0+$0x1460]  }
0x11d: {  	v6 =	vmul.f32 v6, v33;
	v7 =	vmul.f32 v7, v31;
	v11 =	vadd.f32 v11, v12;
	[tilespmem:s0+$0x70] =	vst v14;
	v12 =	vld [tilespmem:s0+$0x1470]  }
0x11e: {  	v4 =	vmul.f32 v4, v33;
	v5 =	vmul.f32 v5, v31;
	v9 =	vadd.f32 v9, v10;
	v14 =	vld [tilespmem:s0+$0x0];
	[tilespmem:s0+$0x60] =	vst v13  }
0x11f: {  	v3 =	vmul.f32 v3, v31;
	v7 =	vadd.f32 v7, v8;
	v10 =	vld [tilespmem:s0+$0xC000];
	[tilespmem:s0+$0x50] =	vst v11;
	v8 =	vmul.f32 v17, v33  }
0x120: {  	s14 =	sshrl.u32 s1, $0x3;
	v5 =	vadd.f32 v5, v6;
	v6 =	vmul.f32 v21, v31;
	[tilespmem:s0+$0x40] =	vst v9;
	v9 =	vmul.f32 v16, v33  }
0x121: {  	s12 =	sadd.s32 $0x80, s12;
	s14 =	smul.u32 $0x1800, s14;
	v3 =	vadd.f32 v3, v4;
	v4 =	vmul.f32 v20, v31;
	[tilespmem:s0+$0x30] =	vst v7;
	v7 =	vmul.f32 v15, v33  }
0x122: {  	s17 =	sand.u32 $0x380, s12;
	[tilespmem:s0+$0x20] =	vst v5;
	v5 =	vadd.f32 v6, v8;
	v6 =	vmul.f32 v19, v31;
	v8 =	vmul.f32 v12, v33  }
0x123: {  	s14 =	sor.u32 s17, s14;
	v9 =	vadd.f32 v4, v9;
	v12 =	vmul.f32 v18, v31;
	v11 =	vmul.f32 v14, v33;
	[tilespmem:s0+$0x10] =	vst v3  }
0x124: {  	v4 =	vld [tilespmem:s14+$0x10];
	v10 =	vmul.f32 v10, v31;
	[tilespmem:s0+$0x1440] =	vst v5;
	v5 =	vadd.f32 v6, v7  }
0x125: {  	v7 =	vadd.f32 v12, v8;
	v3 =	vld [tilespmem:s14+$0xC010];
	[tilespmem:s0+$0x1450] =	vst v9  }
0x126: {  	v6 =	vld [tilespmem:s14+$0x20];
	v9 =	vadd.f32 v10, v11;
	[tilespmem:s0+$0x1460] =	vst v5  }
0x127: {  	v5 =	vld [tilespmem:s14+$0xC020];
	[tilespmem:s0+$0x1470] =	vst v7  }
0x128: {  	v8 =	vld [tilespmem:s14+$0x30];
	[tilespmem:s0+$0x0] =	vst v9;
	s0 =	smov.u32 s14  }
0x129: {  	v7 =	vld [tilespmem:s0+$0xC030]  }
0x12a: {  	v10 =	vld [tilespmem:s0+$0x40]  }
0x12b: {  	v9 =	vld [tilespmem:s0+$0xC040]  }
0x12c: {  	v12 =	vld [tilespmem:s0+$0x50]  }
0x12d: {  	v11 =	vld [tilespmem:s0+$0xC050]  }
0x12e: {  	v13 =	vld [tilespmem:s0+$0x60]  }
0x12f: {  	v14 =	vld [tilespmem:s0+$0x70]  }
0x130: {  	v15 =	vld [tilespmem:s0+$0x400]  }
0x131: {  	v16 =	vld [tilespmem:s0+$0x410]  }
0x132: {  	v17 =	vld [tilespmem:s0+$0x420]  }
0x133: {  	v18 =	vld [tilespmem:s0+$0x430]  }
0x134: {  	v19 =	vld [tilespmem:s0+$0x440]  }
0x135: {  	v20 =	vld [tilespmem:s0+$0x450]  }
0x136: {  	v21 =	vld [tilespmem:s0+$0x460]  }
0x137: {  	v22 =	vld [tilespmem:s0+$0x470]  }
0x138: {  	v23 =	vld [tilespmem:s0+$0x800]  }
0x139: {  	v24 =	vld [tilespmem:s0+$0x810]  }
0x13a: {  	v25 =	vld [tilespmem:s0+$0x820]  }
0x13b: {  	v26 =	vld [tilespmem:s0+$0x830]  }
0x13c: {  	v27 =	vld [tilespmem:s0+$0x840]  }
0x13d: {  	v28 =	vld [tilespmem:s0+$0x850]  }
0x13e: {  	v29 =	vld [tilespmem:s0+$0x860]  }
0x13f: {  	v30 =	vld [tilespmem:s0+$0x870]  }
0x140: {  	v32 =	vld [tilespmem:s0+$0xC00]  }
0x141: {  	v34 =	vld [tilespmem:s0+$0xC10]  }
0x142: {  	v35 =	vld [tilespmem:s0+$0xC20]  }
0x143: {  	v36 =	vld [tilespmem:s0+$0xC30]  }
0x144: {  	v37 =	vld [tilespmem:s0+$0xC40]  }
0x145: {  	v38 =	vld [tilespmem:s0+$0xC50]  }
0x146: {  	v39 =	vld [tilespmem:s0+$0xC60]  }
0x147: {  	v40 =	vld [tilespmem:s0+$0xC70]  }
0x148: {  	v41 =	vld [tilespmem:s0+$0x1000]  }
0x149: {  	v42 =	vld [tilespmem:s0+$0x1010]  }
0x14a: {  	v43 =	vld [tilespmem:s0+$0x1020]  }
0x14b: {  	v44 =	vld [tilespmem:s0+$0x1030]  }
.Ltmp0:
0x14c: {  	v45 =	vld [tilespmem:s0+$0x1040];
	(pc) =	sbr.rel @p0 .LBB2_2-.Ltmp0, $4  }
0x14d: {  	v46 =	vld [tilespmem:s0+$0x1050]  }
0x14e: {  	v47 =	vld [tilespmem:s0+$0x1060]  }
0x14f: {  	v50 =	vmov s1;
	v48 =	vld [tilespmem:s0+$0x1400]  }
0x150: {  	s1 =	sadd.s32 $0x1, s1;
	v49 =	vld [tilespmem:s0+$0x1410]  }
0x151: {  	_ =	sdelay $0x1  }
0x152: {  	v52 =	vld [tilespmem:s0+$0xD430]  }
0x153: {  	v53 =	vld [tilespmem:s0+$0x1420]  }
0x154: {  	v31 =	vld.idx.msk [tilespmem:v50+s15+$0x0], $0xffff  }
0x155: {  	v33 =	vld.idx.msk [tilespmem:v50+s16+$0x0], $0xffff  }
0x156: {  	v61 =	vld [tilespmem:s0+$0x1430]  }
0x157: {  	v54 =	vld [tilespmem:s0+$0xD420]  }
0x158: {  	v51 =	vld [tilespmem:s0+$0xD410]  }
0x159: {  	v55 =	vld [tilespmem:s0+$0xD400]  }
0x15a: {  	v56 =	vld [tilespmem:s0+$0x1070]  }
0x15b: {  	v58 =	vld [tilespmem:s0+$0xD060];
	v50 =	vmul.f32 v61, v31;
	v52 =	vmul.f32 v52, v33  }
0x15c: {  	v57 =	vld [tilespmem:s0+$0xD070];
	v53 =	vmul.f32 v53, v31;
	v54 =	vmul.f32 v54, v33  }
0x15d: {  	v59 =	vld [tilespmem:s0+$0xD050];
	v49 =	vmul.f32 v49, v31;
	v51 =	vmul.f32 v51, v33  }
0x15e: {  	v60 =	vld [tilespmem:s0+$0xD040];
	v48 =	vmul.f32 v48, v31;
	v62 =	vmul.f32 v55, v33;
	v50 =	vadd.f32 v52, v50  }
0x15f: {  	v61 =	vld [tilespmem:s0+$0xD020];
	v63 =	vmul.f32 v56, v31;
	v47 =	vmul.f32 v47, v31;
	v53 =	vadd.f32 v54, v53  }
0x160: {  	v58 =	vmul.f32 v58, v33;
	v55 =	vld [tilespmem:s0+$0xC460];
	v12 =	vmul.f32 v12, v31;
	v49 =	vadd.f32 v51, v49;
	[tilespmem:s0+$0x1430] =	vst v50  }
0x161: {  	v56 =	vld [tilespmem:s0+$0xC450];
	v11 =	vmul.f32 v11, v33;
	v10 =	vmul.f32 v10, v31;
	v48 =	vadd.f32 v62, v48;
	[tilespmem:s0+$0x1420] =	vst v53  }
0x162: {  	v9 =	vmul.f32 v9, v33;
	v8 =	vmul.f32 v8, v31;
	v52 =	vld [tilespmem:s0+$0xD030];
	v47 =	vadd.f32 v58, v47;
	[tilespmem:s0+$0x1410] =	vst v49  }
0x163: {  	v7 =	vmul.f32 v7, v33;
	v6 =	vmul.f32 v6, v31;
	v51 =	vld [tilespmem:s0+$0xD000];
	v11 =	vadd.f32 v11, v12;
	[tilespmem:s0+$0x1400] =	vst v48  }
0x164: {  	v5 =	vmul.f32 v5, v33;
	v4 =	vmul.f32 v4, v31;
	v58 =	vld [tilespmem:s0+$0xCC20];
	v9 =	vadd.f32 v9, v10;
	[tilespmem:s0+$0x1060] =	vst v47  }
0x165: {  	v3 =	vmul.f32 v3, v33;
	v62 =	vmul.f32 v59, v33;
	v59 =	vld [tilespmem:s0+$0xCC10];
	v7 =	vadd.f32 v7, v8;
	[tilespmem:s0+$0x50] =	vst v11  }
0x166: {  	v57 =	vmul.f32 v57, v33;
	v54 =	vld [tilespmem:s0+$0xC470];
	v5 =	vadd.f32 v5, v6;
	[tilespmem:s0+$0x40] =	vst v9  }
0x167: {  	v46 =	vmul.f32 v46, v31;
	v3 =	vadd.f32 v3, v4;
	v50 =	vld [tilespmem:s0+$0xD010];
	[tilespmem:s0+$0x30] =	vst v7  }
0x168: {  	v45 =	vmul.f32 v45, v31;
	v49 =	vld [tilespmem:s0+$0xCC70];
	v53 =	vadd.f32 v57, v63;
	v63 =	vmul.f32 v60, v33;
	[tilespmem:s0+$0x20] =	vst v5  }
0x169: {  	v43 =	vmul.f32 v43, v31;
	v48 =	vld [tilespmem:s0+$0xCC60];
	v46 =	vadd.f32 v62, v46;
	[tilespmem:s0+$0x10] =	vst v3;
	v57 =	vmul.f32 v61, v33  }
0x16a: {  	v44 =	vmul.f32 v44, v31;
	v47 =	vld [tilespmem:s0+$0xCC40];
	[tilespmem:s0+$0x1070] =	vst v53;
	v45 =	vadd.f32 v63, v45;
	v52 =	vmul.f32 v52, v33  }
0x16b: {  	v41 =	vmul.f32 v41, v31;
	v60 =	vld [tilespmem:s0+$0xCC00];
	[tilespmem:s0+$0x1050] =	vst v46;
	v43 =	vadd.f32 v57, v43;
	v51 =	vmul.f32 v51, v33  }
0x16c: {  	v35 =	vmul.f32 v35, v31;
	v62 =	vld [tilespmem:s0+$0xC860];
	[tilespmem:s0+$0x1040] =	vst v45;
	v45 =	vmul.f32 v58, v33;
	v44 =	vadd.f32 v52, v44  }
0x16d: {  	v42 =	vmul.f32 v42, v31;
	v53 =	vld [tilespmem:s0+$0xCC50];
	v50 =	vmul.f32 v50, v33;
	[tilespmem:s0+$0x1020] =	vst v43;
	v41 =	vadd.f32 v51, v41  }
0x16e: {  	v40 =	vmul.f32 v40, v31;
	v46 =	vld [tilespmem:s0+$0xCC30];
	v49 =	vmul.f32 v49, v33;
	v35 =	vadd.f32 v45, v35;
	[tilespmem:s0+$0x1030] =	vst v44  }
0x16f: {  	v39 =	vmul.f32 v39, v31;
	v61 =	vld [tilespmem:s0+$0xC870];
	v48 =	vmul.f32 v48, v33;
	v42 =	vadd.f32 v50, v42;
	[tilespmem:s0+$0x1000] =	vst v41  }
0x170: {  	v37 =	vmul.f32 v37, v31;
	v57 =	vld [tilespmem:s0+$0xC440];
	v47 =	vmul.f32 v47, v33;
	v40 =	vadd.f32 v49, v40;
	[tilespmem:s0+$0xC20] =	vst v35  }
0x171: {  	v32 =	vmul.f32 v32, v31;
	v58 =	vld [tilespmem:s0+$0xC430];
	v43 =	vmul.f32 v60, v33;
	v39 =	vadd.f32 v48, v39;
	[tilespmem:s0+$0x1010] =	vst v42  }
0x172: {  	v38 =	vmul.f32 v38, v31;
	v51 =	vld [tilespmem:s0+$0xC820];
	v63 =	vmul.f32 v53, v33;
	v37 =	vadd.f32 v47, v37;
	[tilespmem:s0+$0xC70] =	vst v40  }
0x173: {  	v36 =	vmul.f32 v36, v31;
	v52 =	vld [tilespmem:s0+$0xC810];
	v46 =	vmul.f32 v46, v33;
	v32 =	vadd.f32 v43, v32;
	[tilespmem:s0+$0xC60] =	vst v39  }
0x174: {  	v34 =	vmul.f32 v34, v31;
	v60 =	vld [tilespmem:s0+$0xC410];
	v44 =	vmul.f32 v59, v33;
	v38 =	vadd.f32 v63, v38;
	[tilespmem:s0+$0xC40] =	vst v37  }
0x175: {  	v29 =	vmul.f32 v29, v31;
	v45 =	vld [tilespmem:s0+$0x1440];
	v41 =	vmul.f32 v62, v33;
	v36 =	vadd.f32 v46, v36;
	[tilespmem:s0+$0xC00] =	vst v32  }
0x176: {  	v21 =	vmul.f32 v21, v31;
	v48 =	vld [tilespmem:s0+$0xC850];
	v62 =	vmul.f32 v55, v33;
	v34 =	vadd.f32 v44, v34;
	[tilespmem:s0+$0xC50] =	vst v38  }
0x177: {  	v30 =	vmul.f32 v30, v31;
	v49 =	vld [tilespmem:s0+$0xC840];
	v42 =	vmul.f32 v61, v33;
	v29 =	vadd.f32 v41, v29;
	[tilespmem:s0+$0xC30] =	vst v36  }
0x178: {  	v25 =	vmul.f32 v25, v31;
	v50 =	vld [tilespmem:s0+$0xC830];
	v21 =	vadd.f32 v62, v21;
	v37 =	vmul.f32 v51, v33;
	[tilespmem:s0+$0xC10] =	vst v34  }
0x179: {  	v16 =	vmul.f32 v16, v31;
	v53 =	vld [tilespmem:s0+$0xC800];
	v41 =	vmul.f32 v60, v33;
	v30 =	vadd.f32 v42, v30;
	[tilespmem:s0+$0x860] =	vst v29  }
0x17a: {  	v24 =	vmul.f32 v24, v31;
	v59 =	vld [tilespmem:s0+$0xC420];
	v36 =	vmul.f32 v52, v33;
	[tilespmem:s0+$0x460] =	vst v21;
	v25 =	vadd.f32 v37, v25  }
0x17b: {  	v22 =	vmul.f32 v22, v31;
	v43 =	vld [tilespmem:s0+$0xD470];
	v34 =	vmul.f32 v54, v33;
	v16 =	vadd.f32 v41, v16;
	[tilespmem:s0+$0x870] =	vst v30  }
0x17c: {  	v28 =	vmul.f32 v28, v31;
	v61 =	vld [tilespmem:s0+$0xC400];
	v40 =	vmul.f32 v48, v33;
	v24 =	vadd.f32 v36, v24;
	[tilespmem:s0+$0x820] =	vst v25  }
0x17d: {  	v27 =	vmul.f32 v27, v31;
	v63 =	vld [tilespmem:s0+$0xC070];
	v39 =	vmul.f32 v49, v33;
	v22 =	vadd.f32 v34, v22;
	[tilespmem:s0+$0x410] =	vst v16  }
0x17e: {  	v26 =	vmul.f32 v26, v31;
	v46 =	vld [tilespmem:s0+$0x1450];
	v38 =	vmul.f32 v50, v33;
	v28 =	vadd.f32 v40, v28;
	[tilespmem:s0+$0x810] =	vst v24  }
0x17f: {  	v23 =	vmul.f32 v23, v31;
	v51 =	vld [tilespmem:s0+$0x0];
	v35 =	vmul.f32 v53, v33;
	v27 =	vadd.f32 v39, v27;
	[tilespmem:s0+$0x470] =	vst v22  }
0x180: {  	v18 =	vmul.f32 v18, v31;
	v37 =	vmul.f32 v58, v33;
	v48 =	vld [tilespmem:s0+$0x1460];
	v26 =	vadd.f32 v38, v26;
	[tilespmem:s0+$0x850] =	vst v28  }
0x181: {  	v20 =	vmul.f32 v20, v31;
	v50 =	vld [tilespmem:s0+$0xC000];
	v30 =	vmul.f32 v56, v33;
	v23 =	vadd.f32 v35, v23;
	[tilespmem:s0+$0x840] =	vst v27  }
0x182: {  	v19 =	vmul.f32 v19, v31;
	v34 =	vld [tilespmem:s0+$0xC060];
	v35 =	vmul.f32 v57, v33;
	v18 =	vadd.f32 v37, v18;
	[tilespmem:s0+$0x830] =	vst v26  }
0x183: {  	v17 =	vmul.f32 v17, v31;
	v36 =	vld [tilespmem:s0+$0xD440];
	v39 =	vmul.f32 v59, v33;
	v20 =	vadd.f32 v30, v20;
	[tilespmem:s0+$0x800] =	vst v23  }
0x184: {  	v15 =	vmul.f32 v15, v31;
	v38 =	vld [tilespmem:s0+$0xD450];
	v42 =	vmul.f32 v61, v33;
	v19 =	vadd.f32 v35, v19;
	[tilespmem:s0+$0x430] =	vst v18  }
0x185: {  	v14 =	vmul.f32 v14, v31;
	v40 =	vld [tilespmem:s0+$0xD460];
	v44 =	vmul.f32 v63, v33;
	v17 =	vadd.f32 v39, v17;
	[tilespmem:s0+$0x450] =	vst v20  }
0x186: {  	v49 =	vld [tilespmem:s0+$0x1470];
	v61 =	vmul.f32 v51, v31;
	v15 =	vadd.f32 v42, v15;
	v10 =	vmul.f32 v50, v33;
	[tilespmem:s0+$0x440] =	vst v19  }
0x187: {  	v13 =	vmul.f32 v13, v31;
	v14 =	vadd.f32 v44, v14;
	[tilespmem:s0+$0x420] =	vst v17;
	v47 =	vmul.f32 v34, v33  }
0x188: {  	v52 =	vmul.f32 v45, v31;
	[tilespmem:s0+$0x400] =	vst v15;
	v53 =	vmul.f32 v36, v33;
	v63 =	vadd.f32 v10, v61  }
0x189: {  	v54 =	vmul.f32 v46, v31;
	[tilespmem:s0+$0x70] =	vst v14;
	v55 =	vmul.f32 v38, v33;
	v13 =	vadd.f32 v47, v13  }
0x18a: {  	v56 =	vmul.f32 v48, v31;
	v58 =	vmul.f32 v40, v33;
	v57 =	vadd.f32 v53, v52;
	[tilespmem:s0+$0x0] =	vst v63  }
0x18b: {  	v60 =	vmul.f32 v43, v33;
	v59 =	vmul.f32 v49, v31;
	v3 =	vadd.f32 v55, v54;
	[tilespmem:s0+$0x60] =	vst v13  }
0x18c: {  	v62 =	vadd.f32 v58, v56;
	[tilespmem:s0+$0x1440] =	vst v57  }
0x18d: {  	s31 =	sadd.s32 $0x1, s31;
	[tilespmem:s0+$0x1450] =	vst v3;
	v3 =	vadd.f32 v60, v59  }
0x18e: {  	p0 =	sne.s32 s31, s11;
	[tilespmem:s0+$0x1460] =	vst v62  }
.Ltmp1:
0x18f: {  	[tilespmem:s0+$0x1470] =	vst v3;
	(pc) =	sbr.rel @p0 .LBB2_1-.Ltmp1, $4  }
0x190: {  	[hbm4b:s10+s2] =	stream.linear.scatter [tilespmem:s2], [sflag:$0x3], $0xC000, $0x38;
	[tilespmem:$0x18200] =	vst v63  }
0x191: {  	_ =	swait.ge [sflag:s13], $0xC000  }
0x192: {  	[sflag:s13] =	ssyncset.done $0x0  }
0x193: {  	[sflag:s13] =	ssyncadd.s32 $0xFFFF4000  }
0x194: {  	_ =	sfence.sel $0x180000  }
0x195: {  	[bflag:$0x0] =	sbarrier.arrive $0xFFFF  }
0x196: {  	_ =	strace $0x9000004A  }
0x197: {  	s0 =	stileid.u32;
	[bflag:$0x2] =	sbarrier.arrive $0xFFFF  }
0x198: {  	p0 =	sne.s32 s0, $0x0;
	s0 =	rddreg [dreg:$0x2]  }
0x199: {  	s0 =	sadd.s32 @!p0 $0x100000, s0  }
0x19a: {  	[sflag:s0] =	ssyncadd.tile.s32 @!p0 $0x1;
	_ =	shalt  }
.Lfunc_end2:
_tile_overlayer_lowered:
.L_overlay_start_2:
0x19b: {  	(tag) =	ssettag $0x2  }
0x19c: {  	s0 =	rddreg [dreg:$0x0];
	s2 =	stileid.u32  }
0x19d: {  	s1 =	rddreg [dreg:$0x1];
	p0 =	sne.s32 s2, $0x0  }
0x19e: {  	s3 =	rddreg [dreg:$0x2];
	[bflag:$0x3] =	sbarrier.arrive $0xFFFF;
	s2 =	simm.s32 @!p0 $0x1C03  }
0x19f: {  	[timem:s3], [sflag:s2] =	dma.local @!p0 [hbm:s0], s1  }
0x1a0: {  	s0 =	simm.s32 @!p0 $0x3  }
0x1a1: {  	_ =	swait.ge @!p0 [sflag:s0], s1  }
0x1a2: {  	s1 =	ssub.s32 @!p0 $0x0, s1;
	[sflag:s0] =	ssyncset.done @!p0 $0x0  }
0x1a3: {  	[sflag:s0] =	ssyncadd.s32 @!p0 s1  }
0x1a4: {  	[bflag:$0x3] =	sbarrier.arrive $0xFFFF  }
0x1a5: {  	_ =	shalt  }

</sc_bundles>
